<compile_context>
chip_gen: v7x
topology: tpu7x:2x2x1
jax: 0.10.2.dev20260603
libtpu: 0.0.44.dev20260713+nightly
codegen_flags: <defaults>
</compile_context>

<pallas_src>
import functools

import jax
import jax.numpy as jnp
from jax import lax
from jax.experimental import pallas as pl
from jax.experimental.pallas import tpu as pltpu
from jax.experimental.pallas import tpu_sc as plsc

NW = 32
EC = 4096
LANES = 16


@functools.lru_cache(maxsize=None)
def _make_sc_spmm_t(n, c, ct, groups, nchunk):
    mesh = plsc.VectorSubcoreMesh(core_axis_name="c", subcore_axis_name="s")
    tiles_per_group = c // ct
    active = groups * tiles_per_group
    chunks_per_group = nchunk // groups

    @functools.partial(
        pl.kernel,
        out_type=jax.ShapeDtypeStruct((groups * c, n), jnp.float32),
        mesh=mesh,
        scratch_types=[
            pltpu.VMEM((n,), jnp.float32),
            pltpu.VMEM((n,), jnp.float32),
            pltpu.VMEM((n,), jnp.float32),
            pltpu.VMEM((n,), jnp.float32),
            pltpu.VMEM((2, EC), jnp.int32),
            pltpu.VMEM((2, EC), jnp.int32),
            pltpu.VMEM((2, EC), jnp.float32),
            pltpu.SemaphoreType.DMA,
            pltpu.SemaphoreType.DMA,
            pltpu.SemaphoreType.DMA,
            pltpu.SemaphoreType.DMA,
            pltpu.SemaphoreType.DMA,
            pltpu.SemaphoreType.DMA,
        ],
        compiler_params=pltpu.CompilerParams(
            use_tc_tiling_on_sc=False, needs_layout_passes=False),
    )
    def spmm(tt_hbm, cols_hbm, rows_hbm, w_hbm, out_hbm,
             tc0, tc1, ac0, ac1, cbuf, rbuf, wbuf,
             cs0, cs1, rs0, rs1, ws0, ws1):
        cid = lax.axis_index("c")
        sid = lax.axis_index("s")
        wid = sid * 2 + cid
        tcs = (tc0, tc1)[:ct]
        acs = (ac0, ac1)[:ct]
        csem = (cs0, cs1)
        rsem = (rs0, rs1)
        wsem = (ws0, ws1)
        packed = ct == 1
        sh = (n - 1).bit_length()
        mask = (1 << sh) - 1

        @pl.when(wid < active)
        def _body():
            g = wid // tiles_per_group
            slot = wid % tiles_per_group
            base = g * chunks_per_group

            for k in range(ct):
                pltpu.sync_copy(tt_hbm.at[slot * ct + k], tcs[k])

            zero = jnp.zeros((LANES,), jnp.float32)

            def zbody(i, carry):
                for k in range(ct):
                    acs[k][pl.ds(i * LANES, LANES)] = zero
                return carry

            lax.fori_loop(0, n // LANES, zbody, 0)

            def stage(j, b):
                off = (base + j) * EC
                pltpu.async_copy(cols_hbm.at[pl.ds(off, EC)], cbuf.at[b],
                                 csem[b])
                if not packed:
                    pltpu.async_copy(rows_hbm.at[pl.ds(off, EC)], rbuf.at[b],
                                     rsem[b])
                pltpu.async_copy(w_hbm.at[pl.ds(off, EC)], wbuf.at[b],
                                 wsem[b])

            def swait(j, b):
                off = (base + j) * EC
                pltpu.make_async_copy(cols_hbm.at[pl.ds(off, EC)],
                                      cbuf.at[b], csem[b]).wait()
                if not packed:
                    pltpu.make_async_copy(rows_hbm.at[pl.ds(off, EC)],
                                          rbuf.at[b], rsem[b]).wait()
                pltpu.make_async_copy(w_hbm.at[pl.ds(off, EC)],
                                      wbuf.at[b], wsem[b]).wait()

            def inner(b):
                unroll = 8 if ct == 1 else 4

                def vbody(u, carry):
                    colvs, rowvs, wvs = [], [], []
                    for q in range(unroll):
                        o = (u * unroll + q) * LANES
                        if packed:
                            pv = cbuf[b, pl.ds(o, LANES)]
                            colvs.append(pv & mask)
                            rowvs.append(lax.shift_right_logical(pv, sh))
                        else:
                            colvs.append(cbuf[b, pl.ds(o, LANES)])
                            rowvs.append(rbuf[b, pl.ds(o, LANES)])
                        wvs.append(wbuf[b, pl.ds(o, LANES)])
                    for k in range(ct):
                        gs = [plsc.load_gather(tcs[k], [colvs[q]])
                              for q in range(unroll)]
                        for q in range(unroll):
                            plsc.addupdate_scatter(
                                acs[k], [rowvs[q]], gs[q] * wvs[q])
                    return carry

                lax.fori_loop(0, EC // LANES // unroll, vbody, 0)

            stage(0, 0)

            def pair_body(jh, carry):
                j0 = 2 * jh
                j1 = j0 + 1
                stage(j1, 1)
                swait(j0, 0)
                inner(0)
                stage(lax.min(j0 + 2, chunks_per_group - 1), 0)
                swait(j1, 1)
                inner(1)
                return carry

            lax.fori_loop(0, chunks_per_group // 2, pair_body, 0)
            swait(chunks_per_group - 1, 0)

            for k in range(ct):
                pltpu.sync_copy(acs[k], out_hbm.at[g * c + slot * ct + k])

    return spmm


def _prep_body(xt_ref, w0t_ref, wadjt_ref, out_ref):
    h = w0t_ref.shape[0]
    out_ref[:h, :] = jnp.dot(w0t_ref[...], xt_ref[...],
                             preferred_element_type=jnp.float32)
    out_ref[h:, :] = wadjt_ref[...]


def _mid1_body(s0t_ref, w1t_ref, out_ref, adjnt_ref):
    h = s0t_ref.shape[0] // 2
    h1t = jax.nn.relu(s0t_ref[:h, :]) + jax.nn.relu(s0t_ref[h:, :])
    out_ref[...] = jnp.dot(w1t_ref[...], h1t,
                           preferred_element_type=jnp.float32)
    adjnt_ref[...] = s0t_ref[h:, :].T


def _adjrec_body(adjnt_ref, wrec_ref, out_ref):
    hadj = jax.nn.relu(adjnt_ref[...])
    out_ref[...] = jax.nn.relu(
        jnp.dot(hadj, wrec_ref[...], preferred_element_type=jnp.float32))


def _mid2_body(s1t_ref, s0t_ref, w2t_ref, out_ref):
    h = s0t_ref.shape[0] // 2
    hadj_t = jax.nn.relu(s0t_ref[h:, :])
    h2t = jax.nn.relu(s1t_ref[...]) + hadj_t
    out_ref[...] = jnp.dot(w2t_ref[...], h2t,
                           preferred_element_type=jnp.float32)


def _tr_body(p2t_ref, out_ref):
    out_ref[...] = p2t_ref[...].T


def _zzt_body(p2nt_ref, p2nt_full_ref, out_ref):
    d = p2nt_ref.shape[1] // 2
    zr = p2nt_ref[:, :d] + p2nt_ref[:, d:]
    znt = p2nt_full_ref[:, :d] + p2nt_full_ref[:, d:]
    out_ref[...] = lax.dot_general(
        zr, znt, (((1,), (1,)), ((), ())),
        preferred_element_type=jnp.float32)


def _tc_prep(xt, W0t, W_adjt):
    h, n = W_adjt.shape
    return pl.pallas_call(
        _prep_body,
        out_shape=jax.ShapeDtypeStruct((2 * h, n), jnp.float32),
    )(xt, W0t, W_adjt)


def _tc_mid1(s0t, W1t):
    n = s0t.shape[1]
    h = W1t.shape[0]
    return pl.pallas_call(
        _mid1_body,
        out_shape=[jax.ShapeDtypeStruct((h, n), jnp.float32),
                   jax.ShapeDtypeStruct((n, h), jnp.float32)],
    )(s0t, W1t)


def _tc_adjrec(adjnt, W_rec):
    n, h = adjnt.shape
    br = 400
    gr = n // br
    return pl.pallas_call(
        _adjrec_body,
        grid=(gr,),
        in_specs=[
            pl.BlockSpec((br, h), lambda i: (i, 0)),
            pl.BlockSpec((h, n), lambda i: (0, 0)),
        ],
        out_specs=pl.BlockSpec((br, n), lambda i: (i, 0)),
        out_shape=jax.ShapeDtypeStruct((n, n), jnp.float32),
    )(adjnt, W_rec)


def _tc_mid2(s1t, s0t, W2t):
    n = s0t.shape[1]
    d = W2t.shape[0]
    return pl.pallas_call(
        _mid2_body,
        out_shape=jax.ShapeDtypeStruct((d, n), jnp.float32),
    )(s1t, s0t, W2t)


def _tc_tr(p2t):
    c, n = p2t.shape
    return pl.pallas_call(
        _tr_body,
        out_shape=jax.ShapeDtypeStruct((n, c), jnp.float32),
    )(p2t)


def _tc_zzt(p2nt):
    n, c2 = p2nt.shape
    br = 400
    gr = n // br
    return pl.pallas_call(
        _zzt_body,
        grid=(gr,),
        in_specs=[
            pl.BlockSpec((br, c2), lambda i: (i, 0)),
            pl.BlockSpec((n, c2), lambda i: (0, 0)),
        ],
        out_specs=pl.BlockSpec((br, n), lambda i: (i, 0)),
        out_shape=jax.ShapeDtypeStruct((n, n), jnp.float32),
    )(p2nt, p2nt)


def _edge_split(edge_index, edge_weight):
    e = edge_index.shape[1]
    nchunk = 4 * (-(-e // (4 * EC)))
    epad = nchunk * EC - e
    rows1 = jnp.pad(edge_index[0], (0, epad))
    cols1 = jnp.pad(edge_index[1], (0, epad))
    w1 = jnp.pad(edge_weight, (0, epad))
    return cols1, rows1, w1, nchunk


def kernel(x, edge_index, edge_weight, W0, W_adj, W_rec, W1, W2):
    n = x.shape[0]
    h = W0.shape[1]
    d = W2.shape[1]

    cols1, rows1, w1, nchunk = _edge_split(edge_index, edge_weight)
    sh = (n - 1).bit_length()
    pk1 = cols1 | (rows1 << sh)

    xt = x.T
    W0t = W0.T
    W_adjt = W_adj.T
    W1t = W1.T
    W2t = W2.T

    tcat_t = _tc_prep(xt, W0t, W_adjt)
    s0t = _make_sc_spmm_t(n, 2 * h, 2, 1, nchunk)(
        tcat_t, cols1, rows1, w1)
    hw1t, adjnt = _tc_mid1(s0t, W1t)
    s1t = _make_sc_spmm_t(n, h, 1, 1, nchunk)(
        hw1t, pk1, rows1, w1)
    adj_rec = _tc_adjrec(adjnt, W_rec)
    hw2t = _tc_mid2(s1t, s0t, W2t)
    p2t = _make_sc_spmm_t(n, d, 1, 2, nchunk)(
        hw2t, pk1, rows1, w1)
    p2nt = _tc_tr(p2t)
    zzt = _tc_zzt(p2nt)

    return (jnp.reshape(zzt, (-1,)), adj_rec)

# --- scband reference (transcript-rebuilt; emitter-appended) ---
"""Pipeline reference for scband-deep-gcnmodel-ae-res-adj-coordinate-ae-42855183679834 (READ-ONLY COPY).

The authoritative reference and input builder live on the scoring server;
editing this copy changes nothing except your own understanding.
"""

import jax, jax.numpy as jnp
import numpy as np

N = 10000
F = 128
E = 320000
H = 32
D = 16


def _spmm(edge_index, edge_weight, X, n):
    # sparse (normalized) adjacency @ X via gather + segment-sum scatter-add
    rows = edge_index[0]
    cols = edge_index[1]
    msgs = edge_weight[:, None] * jnp.take(X, cols, axis=0)
    return jax.ops.segment_sum(msgs, rows, num_segments=n)


def setup_inputs(seed: int = 0) -> dict:
    key = jax.random.key(seed)
    ks = jax.random.split(key, 9)
    x = jax.random.normal(ks[0], (N, F), dtype=jnp.float32)
    edge_index = jax.random.randint(ks[1], (2, E), 0, N, dtype=jnp.int32)
    edge_weight = jax.random.uniform(ks[2], (E,), dtype=jnp.float32) / 32.0
    # learned parameters (glorot-ish init), dropout treated as 0 (inference)
    W0 = jax.random.normal(ks[3], (F, H), dtype=jnp.float32) * (1.0 / np.sqrt(F))      # GraphConvolutionSparse
    W_adj = jax.random.normal(ks[4], (N, H), dtype=jnp.float32) * (1.0 / np.sqrt(N))   # TraditionalLayer_SparseInput(input_dim=num_adj)
    W_rec = jax.random.normal(ks[5], (H, N), dtype=jnp.float32) * (1.0 / np.sqrt(H))   # TraditionalLayer adj reconstruction head
    W1 = jax.random.normal(ks[6], (H, H), dtype=jnp.float32) * (1.0 / np.sqrt(H))      # GraphConvolution hidden2
    W2 = jax.random.normal(ks[7], (H, D), dtype=jnp.float32) * (1.0 / np.sqrt(H))      # GraphConvolution z_mean
    return {"x": x, "edge_index": edge_index, "edge_weight": edge_weight,
            "W0": W0, "W_adj": W_adj, "W_rec": W_rec, "W1": W1, "W2": W2}


def reference(x, edge_index, edge_weight, W0, W_adj, W_rec, W1, W2):
    n = x.shape[0]
    # hidden1_ = GraphConvolutionSparse: relu(A @ (X @ W0))
    h1_ = jax.nn.relu(_spmm(edge_index, edge_weight, x @ W0, n))
    # hidden1_adj = TraditionalLayer_SparseInput on adj: relu(A @ W_adj)
    h1_adj = jax.nn.relu(_spmm(edge_index, edge_weight, W_adj, n))
    # adj_reconstruction = TraditionalLayer: relu(hidden1_adj @ W_rec) -> [N, N]
    adj_rec = jax.nn.relu(h1_adj @ W_rec)
    # CoordinateOutput: coordinate-wise (elementwise) sum with identity act
    h1 = h1_ + h1_adj
    # hidden2_ = GraphConvolution: relu(A @ (h1 @ W1))
    h2_ = jax.nn.relu(_spmm(edge_index, edge_weight, h1 @ W1, n))
    h2 = h2_ + h1_adj
    # z_mean = GraphConvolution with identity act
    z = _spmm(edge_index, edge_weight, h2 @ W2, n)
    # InnerProductDecoder with identity act: flatten(z @ z.T)
    rec = jnp.reshape(z @ z.T, (-1,))
    return (rec, adj_rec)

if __name__ == "__main__":
    import jax
    _d = setup_inputs()
    print(jax.jit(kernel)(*tuple(_d.values())))

</pallas_src>

<mosaic_0001>
#map = affine_map<(d0, d1) -> (0, 0)>
#map1 = affine_map<(d0, d1) -> (0)>
module attributes {stable_mosaic.version = 14 : i64} {
  func.func @spmm(%arg0: i32, %arg1: i32, %arg2: memref<32x10000xf32, #tpu.memory_space<hbm>>, %arg3: memref<327680xi32, #tpu.memory_space<hbm>>, %arg4: memref<327680xi32, #tpu.memory_space<hbm>>, %arg5: memref<327680xf32, #tpu.memory_space<hbm>>, %arg6: memref<32x10000xf32, #tpu.memory_space<hbm>>, %arg7: memref<10000xf32, #tpu.memory_space<vmem>>, %arg8: memref<10000xf32, #tpu.memory_space<vmem>>, %arg9: memref<10000xf32, #tpu.memory_space<vmem>>, %arg10: memref<10000xf32, #tpu.memory_space<vmem>>, %arg11: memref<2x4096xi32, #tpu.memory_space<vmem>>, %arg12: memref<2x4096xi32, #tpu.memory_space<vmem>>, %arg13: memref<2x4096xf32, #tpu.memory_space<vmem>>, %arg14: memref<!tpu.dma_semaphore, #tpu.memory_space<semaphore_mem>>, %arg15: memref<!tpu.dma_semaphore, #tpu.memory_space<semaphore_mem>>, %arg16: memref<!tpu.dma_semaphore, #tpu.memory_space<semaphore_mem>>, %arg17: memref<!tpu.dma_semaphore, #tpu.memory_space<semaphore_mem>>, %arg18: memref<!tpu.dma_semaphore, #tpu.memory_space<semaphore_mem>>, %arg19: memref<!tpu.dma_semaphore, #tpu.memory_space<semaphore_mem>>) attributes {dimension_semantics = [#tpu.dimension_semantics<core_parallel>, #tpu.dimension_semantics<subcore_parallel>], iteration_bounds = array<i64: 2, 16>, scalar_prefetch = 0 : i64, scratch_operands = 13 : i64, tpu.core_type = #tpu.core_type<sc_vector_subcore>, window_params = [{transform_indices = #map}, {transform_indices = #map1}, {transform_indices = #map1}, {transform_indices = #map1}, {transform_indices = #map}]} {
    %mul3A = arith.constant 2 : i32
    %mul3A_0 = arith.muli %arg1, %mul3A : i32
    %add3A = arith.addi %mul3A_0, %arg0 : i32
    %lt3A = arith.constant 32 : i32
    %lt3A_1 = arith.cmpi slt, %add3A, %lt3A : i32
    %convert_element_type3A = arith.extui %lt3A_1 : i1 to i32
    %cond3A = arith.constant 0 : i32
    %cond3A_2 = arith.cmpi ne, %convert_element_type3A, %cond3A : i32
    scf.if %cond3A_2 {
      %jit3A = arith.constant 32 : i32
      %div3A = arith.divsi %add3A, %jit3A : i32
      %sign3A = arith.constant 0 : i32
      %sign3A_3 = arith.cmpi sgt, %add3A, %sign3A : i32
      %sign3A_4 = arith.extui %sign3A_3 : i1 to i32
      %sign3A_5 = arith.constant 0 : i32
      %sign3A_6 = arith.cmpi slt, %add3A, %sign3A_5 : i32
      %sign3A_7 = arith.extui %sign3A_6 : i1 to i32
      %sign3A_8 = arith.subi %sign3A_4, %sign3A_7 : i32
      %sign3A_9 = arith.constant 0 : i32
      %sign3A_10 = arith.cmpi sgt, %jit3A, %sign3A_9 : i32
      %sign3A_11 = arith.extui %sign3A_10 : i1 to i32
      %sign3A_12 = arith.constant 0 : i32
      %sign3A_13 = arith.cmpi slt, %jit3A, %sign3A_12 : i32
      %sign3A_14 = arith.extui %sign3A_13 : i1 to i32
      %sign3A_15 = arith.subi %sign3A_11, %sign3A_14 : i32
      %ne3A = arith.cmpi ne, %sign3A_8, %sign3A_15 : i32
      %rem3A = arith.remsi %add3A, %jit3A : i32
      %ne3A_16 = arith.constant 0 : i32
      %ne3A_17 = arith.cmpi ne, %rem3A, %ne3A_16 : i32
      %and3A = arith.andi %ne3A, %ne3A_17 : i1
      %sub3A = arith.constant 1 : i32
      %sub3A_18 = arith.subi %div3A, %sub3A : i32
      %select_n3A = arith.select %and3A, %sub3A_18, %div3A : i32
      %jit3A_19 = arith.constant 32 : i32
      %eq3A = arith.constant 0 : i32
      %eq3A_20 = arith.cmpi eq, %jit3A_19, %eq3A : i32
      %jit3A_21 = arith.constant 1 : i32
      %select_n3A_22 = arith.select %eq3A_20, %jit3A_21, %jit3A_19 : i32
      %rem3A_23 = arith.remsi %add3A, %select_n3A_22 : i32
      %ne3A_24 = arith.constant 0 : i32
      %ne3A_25 = arith.cmpi ne, %rem3A_23, %ne3A_24 : i32
      %lt3A_26 = arith.constant 0 : i32
      %lt3A_27 = arith.cmpi slt, %rem3A_23, %lt3A_26 : i32
      %lt3A_28 = arith.constant 0 : i32
      %lt3A_29 = arith.cmpi slt, %select_n3A_22, %lt3A_28 : i32
      %ne3A_30 = arith.xori %lt3A_27, %lt3A_29 : i1
      %and3A_31 = arith.andi %ne3A_30, %ne3A_25 : i1
      %add3A_32 = arith.addi %rem3A_23, %select_n3A_22 : i32
      %select_n3A_33 = arith.select %and3A_31, %add3A_32, %rem3A_23 : i32
      %mul3A_34 = arith.constant 80 : i32
      %mul3A_35 = arith.muli %select_n3A, %mul3A_34 : i32
      %mul3A_36 = arith.constant 1 : i32
      %mul3A_37 = arith.muli %select_n3A_33, %mul3A_36 : i32
      %add3A_38 = arith.constant 0 : i32
      %add3A_39 = arith.addi %mul3A_37, %add3A_38 : i32
      "tpu.region"() ({
        %run_scoped3A = tpu.sem_alloc : memref<!tpu.dma_semaphore, #tpu.memory_space<semaphore_mem>>
        %dma_start3A_101 = arith.constant 0 : i32
        %dma_start3A_102 = tpu.memref_slice %arg2[%add3A_39, %dma_start3A_101] : memref<32x10000xf32, #tpu.memory_space<hbm>> -> memref<1x10000xf32, #tpu.memory_space<hbm>>
        %dma_start3A_103 = tpu.memref_squeeze %dma_start3A_102 : memref<1x10000xf32, #tpu.memory_space<hbm>> -> memref<10000xf32, #tpu.memory_space<hbm>>
        %dma_start3A_104 = arith.constant 0 : i32
        %dma_start3A_105 = tpu.memref_slice %arg2[%add3A_39, %dma_start3A_104] : memref<32x10000xf32, #tpu.memory_space<hbm>> -> memref<1x10000xf32, #tpu.memory_space<hbm>>
        %dma_start3A_106 = tpu.memref_squeeze %dma_start3A_105 : memref<1x10000xf32, #tpu.memory_space<hbm>> -> memref<10000xf32, #tpu.memory_space<hbm>>
        tpu.enqueue_dma source(%dma_start3A_106 : memref<10000xf32, #tpu.memory_space<hbm>>) target(%arg7 : memref<10000xf32, #tpu.memory_space<vmem>>) target_semaphore(%run_scoped3A : memref<!tpu.dma_semaphore, #tpu.memory_space<semaphore_mem>>)
        %dma_wait3A_107 = arith.constant 0 : i32
        %dma_wait3A_108 = tpu.memref_slice %arg2[%add3A_39, %dma_wait3A_107] : memref<32x10000xf32, #tpu.memory_space<hbm>> -> memref<1x10000xf32, #tpu.memory_space<hbm>>
        %dma_wait3A_109 = tpu.memref_squeeze %dma_wait3A_108 : memref<1x10000xf32, #tpu.memory_space<hbm>> -> memref<10000xf32, #tpu.memory_space<hbm>>
        %dma_wait3A_110 = arith.constant 0 : i32
        %dma_wait3A_111 = tpu.memref_slice %arg2[%add3A_39, %dma_wait3A_110] : memref<32x10000xf32, #tpu.memory_space<hbm>> -> memref<1x10000xf32, #tpu.memory_space<hbm>>
        %dma_wait3A_112 = tpu.memref_squeeze %dma_wait3A_111 : memref<1x10000xf32, #tpu.memory_space<hbm>> -> memref<10000xf32, #tpu.memory_space<hbm>>
        tpu.wait_dma2 semaphore(%run_scoped3A : memref<!tpu.dma_semaphore, #tpu.memory_space<semaphore_mem>>) src(%dma_wait3A_112 : memref<10000xf32, #tpu.memory_space<hbm>>) dst(%arg7 : memref<10000xf32, #tpu.memory_space<vmem>>)
        tpu.yield
      }) : () -> ()
      %broadcast_in_dim3A = arith.constant 0.000000e+00 : f32
      %broadcast_in_dim3A_40 = vector.broadcast %broadcast_in_dim3A : f32 to vector<16xf32>
      %scan3A = arith.constant 0 : i32
      %scan3A_41 = arith.constant 0 : i32
      %scan3A_42 = arith.constant 625 : i32
      %scan3A_43 = arith.addi %scan3A_41, %scan3A_42 : i32
      %scan3A_44 = arith.constant 1 : i32
      scf.for %scan3A_101 = %scan3A_41 to %scan3A_43 step %scan3A_44  : i32 {
        %mul3A_102 = arith.constant 16 : i32
        %mul3A_103 = arith.muli %scan3A_101, %mul3A_102 : i32
        %swap3A = arith.index_cast %mul3A_103 : i32 to index
        %swap3A_104 = tpu.vector_load %arg9[%swap3A] {strides = array<i32>} : memref<10000xf32, #tpu.memory_space<vmem>>, vector<16xf32>,
        tpu.vector_store %arg9[%swap3A], %broadcast_in_dim3A_40 {strides = array<i32>} : memref<10000xf32, #tpu.memory_space<vmem>>, vector<16xf32>,
      }
      %scan3A_45 = arith.constant 625 : i32
      %add3A_46 = arith.constant 0 : i32
      %add3A_47 = arith.addi %mul3A_35, %add3A_46 : i32
      %mul3A_48 = arith.constant 4096 : i32
      %mul3A_49 = arith.muli %add3A_47, %mul3A_48 : i32
      %dma_start3A = arith.constant 0 : i32
      %dma_start3A_50 = arith.constant 0 : i32
      %dma_start3A_51 = tpu.memref_slice %arg11[%dma_start3A, %dma_start3A_50] : memref<2x4096xi32, #tpu.memory_space<vmem>> -> memref<1x4096xi32, #tpu.memory_space<vmem>>
      %dma_start3A_52 = tpu.memref_squeeze %dma_start3A_51 : memref<1x4096xi32, #tpu.memory_space<vmem>> -> memref<4096xi32, #tpu.memory_space<vmem>>
      %dma_start3A_53 = tpu.memref_slice %arg3[%mul3A_49] : memref<327680xi32, #tpu.memory_space<hbm>> -> memref<4096xi32, #tpu.memory_space<hbm>>
      %dma_start3A_54 = arith.constant 0 : i32
      %dma_start3A_55 = tpu.memref_slice %arg11[%dma_start3A, %dma_start3A_54] : memref<2x4096xi32, #tpu.memory_space<vmem>> -> memref<1x4096xi32, #tpu.memory_space<vmem>>
      %dma_start3A_56 = tpu.memref_squeeze %dma_start3A_55 : memref<1x4096xi32, #tpu.memory_space<vmem>> -> memref<4096xi32, #tpu.memory_space<vmem>>
      %dma_start3A_57 = tpu.memref_slice %arg3[%mul3A_49] : memref<327680xi32, #tpu.memory_space<hbm>> -> memref<4096xi32, #tpu.memory_space<hbm>>
      tpu.enqueue_dma source(%dma_start3A_57 : memref<4096xi32, #tpu.memory_space<hbm>>) target(%dma_start3A_56 : memref<4096xi32, #tpu.memory_space<vmem>>) target_semaphore(%arg14 : memref<!tpu.dma_semaphore, #tpu.memory_space<semaphore_mem>>)
      %dma_start3A_58 = arith.constant 0 : i32
      %dma_start3A_59 = arith.constant 0 : i32
      %dma_start3A_60 = tpu.memref_slice %arg13[%dma_start3A_58, %dma_start3A_59] : memref<2x4096xf32, #tpu.memory_space<vmem>> -> memref<1x4096xf32, #tpu.memory_space<vmem>>
      %dma_start3A_61 = tpu.memref_squeeze %dma_start3A_60 : memref<1x4096xf32, #tpu.memory_space<vmem>> -> memref<4096xf32, #tpu.memory_space<vmem>>
      %dma_start3A_62 = tpu.memref_slice %arg5[%mul3A_49] : memref<327680xf32, #tpu.memory_space<hbm>> -> memref<4096xf32, #tpu.memory_space<hbm>>
      %dma_start3A_63 = arith.constant 0 : i32
      %dma_start3A_64 = tpu.memref_slice %arg13[%dma_start3A_58, %dma_start3A_63] : memref<2x4096xf32, #tpu.memory_space<vmem>> -> memref<1x4096xf32, #tpu.memory_space<vmem>>
      %dma_start3A_65 = tpu.memref_squeeze %dma_start3A_64 : memref<1x4096xf32, #tpu.memory_space<vmem>> -> memref<4096xf32, #tpu.memory_space<vmem>>
      %dma_start3A_66 = tpu.memref_slice %arg5[%mul3A_49] : memref<327680xf32, #tpu.memory_space<hbm>> -> memref<4096xf32, #tpu.memory_space<hbm>>
      tpu.enqueue_dma source(%dma_start3A_66 : memref<4096xf32, #tpu.memory_space<hbm>>) target(%dma_start3A_65 : memref<4096xf32, #tpu.memory_space<vmem>>) target_semaphore(%arg18 : memref<!tpu.dma_semaphore, #tpu.memory_space<semaphore_mem>>)
      %scan3A_67 = arith.constant 0 : i32
      %scan3A_68 = arith.constant 0 : i32
      %scan3A_69 = arith.constant 40 : i32
      %scan3A_70 = arith.addi %scan3A_68, %scan3A_69 : i32
      %scan3A_71 = arith.constant 1 : i32
      scf.for %scan3A_101 = %scan3A_68 to %scan3A_70 step %scan3A_71  : i32 {
        %mul3A_102 = arith.constant 2 : i32
        %mul3A_103 = arith.muli %mul3A_102, %scan3A_101 : i32
        %add3A_104 = arith.constant 1 : i32
        %add3A_105 = arith.addi %mul3A_103, %add3A_104 : i32
        %add3A_106 = arith.addi %mul3A_35, %add3A_105 : i32
        %mul3A_107 = arith.constant 4096 : i32
        %mul3A_108 = arith.muli %add3A_106, %mul3A_107 : i32
        %dma_start3A_109 = arith.constant 1 : i32
        %dma_start3A_110 = arith.constant 0 : i32
        %dma_start3A_111 = tpu.memref_slice %arg11[%dma_start3A_109, %dma_start3A_110] : memref<2x4096xi32, #tpu.memory_space<vmem>> -> memref<1x4096xi32, #tpu.memory_space<vmem>>
        %dma_start3A_112 = tpu.memref_squeeze %dma_start3A_111 : memref<1x4096xi32, #tpu.memory_space<vmem>> -> memref<4096xi32, #tpu.memory_space<vmem>>
        %dma_start3A_113 = tpu.memref_slice %arg3[%mul3A_108] : memref<327680xi32, #tpu.memory_space<hbm>> -> memref<4096xi32, #tpu.memory_space<hbm>>
        %dma_start3A_114 = arith.constant 0 : i32
        %dma_start3A_115 = tpu.memref_slice %arg11[%dma_start3A_109, %dma_start3A_114] : memref<2x4096xi32, #tpu.memory_space<vmem>> -> memref<1x4096xi32, #tpu.memory_space<vmem>>
        %dma_start3A_116 = tpu.memref_squeeze %dma_start3A_115 : memref<1x4096xi32, #tpu.memory_space<vmem>> -> memref<4096xi32, #tpu.memory_space<vmem>>
        %dma_start3A_117 = tpu.memref_slice %arg3[%mul3A_108] : memref<327680xi32, #tpu.memory_space<hbm>> -> memref<4096xi32, #tpu.memory_space<hbm>>
        tpu.enqueue_dma source(%dma_start3A_117 : memref<4096xi32, #tpu.memory_space<hbm>>) target(%dma_start3A_116 : memref<4096xi32, #tpu.memory_space<vmem>>) target_semaphore(%arg15 : memref<!tpu.dma_semaphore, #tpu.memory_space<semaphore_mem>>)
        %dma_start3A_118 = arith.constant 1 : i32
        %dma_start3A_119 = arith.constant 0 : i32
        %dma_start3A_120 = tpu.memref_slice %arg13[%dma_start3A_118, %dma_start3A_119] : memref<2x4096xf32, #tpu.memory_space<vmem>> -> memref<1x4096xf32, #tpu.memory_space<vmem>>
        %dma_start3A_121 = tpu.memref_squeeze %dma_start3A_120 : memref<1x4096xf32, #tpu.memory_space<vmem>> -> memref<4096xf32, #tpu.memory_space<vmem>>
        %dma_start3A_122 = tpu.memref_slice %arg5[%mul3A_108] : memref<327680xf32, #tpu.memory_space<hbm>> -> memref<4096xf32, #tpu.memory_space<hbm>>
        %dma_start3A_123 = arith.constant 0 : i32
        %dma_start3A_124 = tpu.memref_slice %arg13[%dma_start3A_118, %dma_start3A_123] : memref<2x4096xf32, #tpu.memory_space<vmem>> -> memref<1x4096xf32, #tpu.memory_space<vmem>>
        %dma_start3A_125 = tpu.memref_squeeze %dma_start3A_124 : memref<1x4096xf32, #tpu.memory_space<vmem>> -> memref<4096xf32, #tpu.memory_space<vmem>>
        %dma_start3A_126 = tpu.memref_slice %arg5[%mul3A_108] : memref<327680xf32, #tpu.memory_space<hbm>> -> memref<4096xf32, #tpu.memory_space<hbm>>
        tpu.enqueue_dma source(%dma_start3A_126 : memref<4096xf32, #tpu.memory_space<hbm>>) target(%dma_start3A_125 : memref<4096xf32, #tpu.memory_space<vmem>>) target_semaphore(%arg19 : memref<!tpu.dma_semaphore, #tpu.memory_space<semaphore_mem>>)
        %add3A_127 = arith.addi %mul3A_35, %mul3A_103 : i32
        %mul3A_128 = arith.constant 4096 : i32
        %mul3A_129 = arith.muli %add3A_127, %mul3A_128 : i32
        %dma_wait3A_130 = arith.constant 0 : i32
        %dma_wait3A_131 = arith.constant 0 : i32
        %dma_wait3A_132 = tpu.memref_slice %arg11[%dma_wait3A_130, %dma_wait3A_131] : memref<2x4096xi32, #tpu.memory_space<vmem>> -> memref<1x4096xi32, #tpu.memory_space<vmem>>
        %dma_wait3A_133 = tpu.memref_squeeze %dma_wait3A_132 : memref<1x4096xi32, #tpu.memory_space<vmem>> -> memref<4096xi32, #tpu.memory_space<vmem>>
        %dma_wait3A_134 = tpu.memref_slice %arg3[%mul3A_129] : memref<327680xi32, #tpu.memory_space<hbm>> -> memref<4096xi32, #tpu.memory_space<hbm>>
        %dma_wait3A_135 = arith.constant 0 : i32
        %dma_wait3A_136 = tpu.memref_slice %arg11[%dma_wait3A_130, %dma_wait3A_135] : memref<2x4096xi32, #tpu.memory_space<vmem>> -> memref<1x4096xi32, #tpu.memory_space<vmem>>
        %dma_wait3A_137 = tpu.memref_squeeze %dma_wait3A_136 : memref<1x4096xi32, #tpu.memory_space<vmem>> -> memref<4096xi32, #tpu.memory_space<vmem>>
        %dma_wait3A_138 = tpu.memref_slice %arg3[%mul3A_129] : memref<327680xi32, #tpu.memory_space<hbm>> -> memref<4096xi32, #tpu.memory_space<hbm>>
        tpu.wait_dma2 semaphore(%arg14 : memref<!tpu.dma_semaphore, #tpu.memory_space<semaphore_mem>>) src(%dma_wait3A_138 : memref<4096xi32, #tpu.memory_space<hbm>>) dst(%dma_wait3A_137 : memref<4096xi32, #tpu.memory_space<vmem>>)
        %dma_wait3A_139 = arith.constant 0 : i32
        %dma_wait3A_140 = arith.constant 0 : i32
        %dma_wait3A_141 = tpu.memref_slice %arg13[%dma_wait3A_139, %dma_wait3A_140] : memref<2x4096xf32, #tpu.memory_space<vmem>> -> memref<1x4096xf32, #tpu.memory_space<vmem>>
        %dma_wait3A_142 = tpu.memref_squeeze %dma_wait3A_141 : memref<1x4096xf32, #tpu.memory_space<vmem>> -> memref<4096xf32, #tpu.memory_space<vmem>>
        %dma_wait3A_143 = tpu.memref_slice %arg5[%mul3A_129] : memref<327680xf32, #tpu.memory_space<hbm>> -> memref<4096xf32, #tpu.memory_space<hbm>>
        %dma_wait3A_144 = arith.constant 0 : i32
        %dma_wait3A_145 = tpu.memref_slice %arg13[%dma_wait3A_139, %dma_wait3A_144] : memref<2x4096xf32, #tpu.memory_space<vmem>> -> memref<1x4096xf32, #tpu.memory_space<vmem>>
        %dma_wait3A_146 = tpu.memref_squeeze %dma_wait3A_145 : memref<1x4096xf32, #tpu.memory_space<vmem>> -> memref<4096xf32, #tpu.memory_space<vmem>>
        %dma_wait3A_147 = tpu.memref_slice %arg5[%mul3A_129] : memref<327680xf32, #tpu.memory_space<hbm>> -> memref<4096xf32, #tpu.memory_space<hbm>>
        tpu.wait_dma2 semaphore(%arg18 : memref<!tpu.dma_semaphore, #tpu.memory_space<semaphore_mem>>) src(%dma_wait3A_147 : memref<4096xf32, #tpu.memory_space<hbm>>) dst(%dma_wait3A_146 : memref<4096xf32, #tpu.memory_space<vmem>>)
        %scan3A_148 = arith.constant 0 : i32
        %scan3A_149 = arith.constant 0 : i32
        %scan3A_150 = arith.constant 32 : i32
        %scan3A_151 = arith.addi %scan3A_149, %scan3A_150 : i32
        %scan3A_152 = arith.constant 1 : i32
        scf.for %scan3A_205 = %scan3A_149 to %scan3A_151 step %scan3A_152  : i32 {
          %mul3A_206 = arith.constant 8 : i32
          %mul3A_207 = arith.muli %scan3A_205, %mul3A_206 : i32
          %add3A_208 = arith.constant 0 : i32
          %add3A_209 = arith.addi %mul3A_207, %add3A_208 : i32
          %mul3A_210 = arith.constant 16 : i32
          %mul3A_211 = arith.muli %add3A_209, %mul3A_210 : i32
          %get3A = arith.constant 0 : i32
          %get3A_212 = arith.index_cast %get3A : i32 to index
          %get3A_213 = arith.index_cast %mul3A_211 : i32 to index
          %get3A_214 = tpu.vector_load %arg11[%get3A_212, %get3A_213] {strides = array<i32>} : memref<2x4096xi32, #tpu.memory_space<vmem>>, vector<16xi32>,
          %and3A_215 = arith.constant 16383 : i32
          %and3A_216 = vector.broadcast %and3A_215 : i32 to vector<16xi32>
          %and3A_217 = arith.andi %get3A_214, %and3A_216 : vector<16xi32>
          %shift_right_logical3A = arith.constant 14 : i32
          %shift_right_logical3A_218 = vector.broadcast %shift_right_logical3A : i32 to vector<16xi32>
          %shift_right_logical3A_219 = arith.shrui %get3A_214, %shift_right_logical3A_218 : vector<16xi32>
          %get3A_220 = arith.constant 0 : i32
          %get3A_221 = arith.index_cast %get3A_220 : i32 to index
          %get3A_222 = arith.index_cast %mul3A_211 : i32 to index
          %get3A_223 = tpu.vector_load %arg13[%get3A_221, %get3A_222] {strides = array<i32>} : memref<2x4096xf32, #tpu.memory_space<vmem>>, vector<16xf32>,
          %mul3A_224 = arith.constant 8 : i32
          %mul3A_225 = arith.muli %scan3A_205, %mul3A_224 : i32
          %add3A_226 = arith.constant 1 : i32
          %add3A_227 = arith.addi %mul3A_225, %add3A_226 : i32
          %mul3A_228 = arith.constant 16 : i32
          %mul3A_229 = arith.muli %add3A_227, %mul3A_228 : i32
          %get3A_230 = arith.constant 0 : i32
          %get3A_231 = arith.index_cast %get3A_230 : i32 to index
          %get3A_232 = arith.index_cast %mul3A_229 : i32 to index
          %get3A_233 = tpu.vector_load %arg11[%get3A_231, %get3A_232] {strides = array<i32>} : memref<2x4096xi32, #tpu.memory_space<vmem>>, vector<16xi32>,
          %and3A_234 = arith.constant 16383 : i32
          %and3A_235 = vector.broadcast %and3A_234 : i32 to vector<16xi32>
          %and3A_236 = arith.andi %get3A_233, %and3A_235 : vector<16xi32>
          %shift_right_logical3A_237 = arith.constant 14 : i32
          %shift_right_logical3A_238 = vector.broadcast %shift_right_logical3A_237 : i32 to vector<16xi32>
          %shift_right_logical3A_239 = arith.shrui %get3A_233, %shift_right_logical3A_238 : vector<16xi32>
          %get3A_240 = arith.constant 0 : i32
          %get3A_241 = arith.index_cast %get3A_240 : i32 to index
          %get3A_242 = arith.index_cast %mul3A_229 : i32 to index
          %get3A_243 = tpu.vector_load %arg13[%get3A_241, %get3A_242] {strides = array<i32>} : memref<2x4096xf32, #tpu.memory_space<vmem>>, vector<16xf32>,
          %mul3A_244 = arith.constant 8 : i32
          %mul3A_245 = arith.muli %scan3A_205, %mul3A_244 : i32
          %add3A_246 = arith.constant 2 : i32
          %add3A_247 = arith.addi %mul3A_245, %add3A_246 : i32
          %mul3A_248 = arith.constant 16 : i32
          %mul3A_249 = arith.muli %add3A_247, %mul3A_248 : i32
          %get3A_250 = arith.constant 0 : i32
          %get3A_251 = arith.index_cast %get3A_250 : i32 to index
          %get3A_252 = arith.index_cast %mul3A_249 : i32 to index
          %get3A_253 = tpu.vector_load %arg11[%get3A_251, %get3A_252] {strides = array<i32>} : memref<2x4096xi32, #tpu.memory_space<vmem>>, vector<16xi32>,
          %and3A_254 = arith.constant 16383 : i32
          %and3A_255 = vector.broadcast %and3A_254 : i32 to vector<16xi32>
          %and3A_256 = arith.andi %get3A_253, %and3A_255 : vector<16xi32>
          %shift_right_logical3A_257 = arith.constant 14 : i32
          %shift_right_logical3A_258 = vector.broadcast %shift_right_logical3A_257 : i32 to vector<16xi32>
          %shift_right_logical3A_259 = arith.shrui %get3A_253, %shift_right_logical3A_258 : vector<16xi32>
          %get3A_260 = arith.constant 0 : i32
          %get3A_261 = arith.index_cast %get3A_260 : i32 to index
          %get3A_262 = arith.index_cast %mul3A_249 : i32 to index
          %get3A_263 = tpu.vector_load %arg13[%get3A_261, %get3A_262] {strides = array<i32>} : memref<2x4096xf32, #tpu.memory_space<vmem>>, vector<16xf32>,
          %mul3A_264 = arith.constant 8 : i32
          %mul3A_265 = arith.muli %scan3A_205, %mul3A_264 : i32
          %add3A_266 = arith.constant 3 : i32
          %add3A_267 = arith.addi %mul3A_265, %add3A_266 : i32
          %mul3A_268 = arith.constant 16 : i32
          %mul3A_269 = arith.muli %add3A_267, %mul3A_268 : i32
          %get3A_270 = arith.constant 0 : i32
          %get3A_271 = arith.index_cast %get3A_270 : i32 to index
          %get3A_272 = arith.index_cast %mul3A_269 : i32 to index
          %get3A_273 = tpu.vector_load %arg11[%get3A_271, %get3A_272] {strides = array<i32>} : memref<2x4096xi32, #tpu.memory_space<vmem>>, vector<16xi32>,
          %and3A_274 = arith.constant 16383 : i32
          %and3A_275 = vector.broadcast %and3A_274 : i32 to vector<16xi32>
          %and3A_276 = arith.andi %get3A_273, %and3A_275 : vector<16xi32>
          %shift_right_logical3A_277 = arith.constant 14 : i32
          %shift_right_logical3A_278 = vector.broadcast %shift_right_logical3A_277 : i32 to vector<16xi32>
          %shift_right_logical3A_279 = arith.shrui %get3A_273, %shift_right_logical3A_278 : vector<16xi32>
          %get3A_280 = arith.constant 0 : i32
          %get3A_281 = arith.index_cast %get3A_280 : i32 to index
          %get3A_282 = arith.index_cast %mul3A_269 : i32 to index
          %get3A_283 = tpu.vector_load %arg13[%get3A_281, %get3A_282] {strides = array<i32>} : memref<2x4096xf32, #tpu.memory_space<vmem>>, vector<16xf32>,
          %mul3A_284 = arith.constant 8 : i32
          %mul3A_285 = arith.muli %scan3A_205, %mul3A_284 : i32
          %add3A_286 = arith.constant 4 : i32
          %add3A_287 = arith.addi %mul3A_285, %add3A_286 : i32
          %mul3A_288 = arith.constant 16 : i32
          %mul3A_289 = arith.muli %add3A_287, %mul3A_288 : i32
          %get3A_290 = arith.constant 0 : i32
          %get3A_291 = arith.index_cast %get3A_290 : i32 to index
          %get3A_292 = arith.index_cast %mul3A_289 : i32 to index
          %get3A_293 = tpu.vector_load %arg11[%get3A_291, %get3A_292] {strides = array<i32>} : memref<2x4096xi32, #tpu.memory_space<vmem>>, vector<16xi32>,
          %and3A_294 = arith.constant 16383 : i32
          %and3A_295 = vector.broadcast %and3A_294 : i32 to vector<16xi32>
          %and3A_296 = arith.andi %get3A_293, %and3A_295 : vector<16xi32>
          %shift_right_logical3A_297 = arith.constant 14 : i32
          %shift_right_logical3A_298 = vector.broadcast %shift_right_logical3A_297 : i32 to vector<16xi32>
          %shift_right_logical3A_299 = arith.shrui %get3A_293, %shift_right_logical3A_298 : vector<16xi32>
          %get3A_300 = arith.constant 0 : i32
          %get3A_301 = arith.index_cast %get3A_300 : i32 to index
          %get3A_302 = arith.index_cast %mul3A_289 : i32 to index
          %get3A_303 = tpu.vector_load %arg13[%get3A_301, %get3A_302] {strides = array<i32>} : memref<2x4096xf32, #tpu.memory_space<vmem>>, vector<16xf32>,
          %mul3A_304 = arith.constant 8 : i32
          %mul3A_305 = arith.muli %scan3A_205, %mul3A_304 : i32
          %add3A_306 = arith.constant 5 : i32
          %add3A_307 = arith.addi %mul3A_305, %add3A_306 : i32
          %mul3A_308 = arith.constant 16 : i32
          %mul3A_309 = arith.muli %add3A_307, %mul3A_308 : i32
          %get3A_310 = arith.constant 0 : i32
          %get3A_311 = arith.index_cast %get3A_310 : i32 to index
          %get3A_312 = arith.index_cast %mul3A_309 : i32 to index
          %get3A_313 = tpu.vector_load %arg11[%get3A_311, %get3A_312] {strides = array<i32>} : memref<2x4096xi32, #tpu.memory_space<vmem>>, vector<16xi32>,
          %and3A_314 = arith.constant 16383 : i32
          %and3A_315 = vector.broadcast %and3A_314 : i32 to vector<16xi32>
          %and3A_316 = arith.andi %get3A_313, %and3A_315 : vector<16xi32>
          %shift_right_logical3A_317 = arith.constant 14 : i32
          %shift_right_logical3A_318 = vector.broadcast %shift_right_logical3A_317 : i32 to vector<16xi32>
          %shift_right_logical3A_319 = arith.shrui %get3A_313, %shift_right_logical3A_318 : vector<16xi32>
          %get3A_320 = arith.constant 0 : i32
          %get3A_321 = arith.index_cast %get3A_320 : i32 to index
          %get3A_322 = arith.index_cast %mul3A_309 : i32 to index
          %get3A_323 = tpu.vector_load %arg13[%get3A_321, %get3A_322] {strides = array<i32>} : memref<2x4096xf32, #tpu.memory_space<vmem>>, vector<16xf32>,
          %mul3A_324 = arith.constant 8 : i32
          %mul3A_325 = arith.muli %scan3A_205, %mul3A_324 : i32
          %add3A_326 = arith.constant 6 : i32
          %add3A_327 = arith.addi %mul3A_325, %add3A_326 : i32
          %mul3A_328 = arith.constant 16 : i32
          %mul3A_329 = arith.muli %add3A_327, %mul3A_328 : i32
          %get3A_330 = arith.constant 0 : i32
          %get3A_331 = arith.index_cast %get3A_330 : i32 to index
          %get3A_332 = arith.index_cast %mul3A_329 : i32 to index
          %get3A_333 = tpu.vector_load %arg11[%get3A_331, %get3A_332] {strides = array<i32>} : memref<2x4096xi32, #tpu.memory_space<vmem>>, vector<16xi32>,
          %and3A_334 = arith.constant 16383 : i32
          %and3A_335 = vector.broadcast %and3A_334 : i32 to vector<16xi32>
          %and3A_336 = arith.andi %get3A_333, %and3A_335 : vector<16xi32>
          %shift_right_logical3A_337 = arith.constant 14 : i32
          %shift_right_logical3A_338 = vector.broadcast %shift_right_logical3A_337 : i32 to vector<16xi32>
          %shift_right_logical3A_339 = arith.shrui %get3A_333, %shift_right_logical3A_338 : vector<16xi32>
          %get3A_340 = arith.constant 0 : i32
          %get3A_341 = arith.index_cast %get3A_340 : i32 to index
          %get3A_342 = arith.index_cast %mul3A_329 : i32 to index
          %get3A_343 = tpu.vector_load %arg13[%get3A_341, %get3A_342] {strides = array<i32>} : memref<2x4096xf32, #tpu.memory_space<vmem>>, vector<16xf32>,
          %mul3A_344 = arith.constant 8 : i32
          %mul3A_345 = arith.muli %scan3A_205, %mul3A_344 : i32
          %add3A_346 = arith.constant 7 : i32
          %add3A_347 = arith.addi %mul3A_345, %add3A_346 : i32
          %mul3A_348 = arith.constant 16 : i32
          %mul3A_349 = arith.muli %add3A_347, %mul3A_348 : i32
          %get3A_350 = arith.constant 0 : i32
          %get3A_351 = arith.index_cast %get3A_350 : i32 to index
          %get3A_352 = arith.index_cast %mul3A_349 : i32 to index
          %get3A_353 = tpu.vector_load %arg11[%get3A_351, %get3A_352] {strides = array<i32>} : memref<2x4096xi32, #tpu.memory_space<vmem>>, vector<16xi32>,
          %and3A_354 = arith.constant 16383 : i32
          %and3A_355 = vector.broadcast %and3A_354 : i32 to vector<16xi32>
          %and3A_356 = arith.andi %get3A_353, %and3A_355 : vector<16xi32>
          %shift_right_logical3A_357 = arith.constant 14 : i32
          %shift_right_logical3A_358 = vector.broadcast %shift_right_logical3A_357 : i32 to vector<16xi32>
          %shift_right_logical3A_359 = arith.shrui %get3A_353, %shift_right_logical3A_358 : vector<16xi32>
          %get3A_360 = arith.constant 0 : i32
          %get3A_361 = arith.index_cast %get3A_360 : i32 to index
          %get3A_362 = arith.index_cast %mul3A_349 : i32 to index
          %get3A_363 = tpu.vector_load %arg13[%get3A_361, %get3A_362] {strides = array<i32>} : memref<2x4096xf32, #tpu.memory_space<vmem>>, vector<16xf32>,
          %gather3A = tpu.vector_load_idx %arg7[%and3A_217] : memref<10000xf32, #tpu.memory_space<vmem>>[vector<16xi32>], vector<16xf32>,
          %gather3A_364 = tpu.vector_load_idx %arg7[%and3A_236] : memref<10000xf32, #tpu.memory_space<vmem>>[vector<16xi32>], vector<16xf32>,
          %gather3A_365 = tpu.vector_load_idx %arg7[%and3A_256] : memref<10000xf32, #tpu.memory_space<vmem>>[vector<16xi32>], vector<16xf32>,
          %gather3A_366 = tpu.vector_load_idx %arg7[%and3A_276] : memref<10000xf32, #tpu.memory_space<vmem>>[vector<16xi32>], vector<16xf32>,
          %gather3A_367 = tpu.vector_load_idx %arg7[%and3A_296] : memref<10000xf32, #tpu.memory_space<vmem>>[vector<16xi32>], vector<16xf32>,
          %gather3A_368 = tpu.vector_load_idx %arg7[%and3A_316] : memref<10000xf32, #tpu.memory_space<vmem>>[vector<16xi32>], vector<16xf32>,
          %gather3A_369 = tpu.vector_load_idx %arg7[%and3A_336] : memref<10000xf32, #tpu.memory_space<vmem>>[vector<16xi32>], vector<16xf32>,
          %gather3A_370 = tpu.vector_load_idx %arg7[%and3A_356] : memref<10000xf32, #tpu.memory_space<vmem>>[vector<16xi32>], vector<16xf32>,
          %mul3A_371 = arith.mulf %gather3A, %get3A_223 : vector<16xf32>
          tpu.vector_store_idx %arg9[%shift_right_logical3A_219], %mul3A_371 {add = true} : memref<10000xf32, #tpu.memory_space<vmem>>[vector<16xi32>], vector<16xf32>,
          %mul3A_372 = arith.mulf %gather3A_364, %get3A_243 : vector<16xf32>
          tpu.vector_store_idx %arg9[%shift_right_logical3A_239], %mul3A_372 {add = true} : memref<10000xf32, #tpu.memory_space<vmem>>[vector<16xi32>], vector<16xf32>,
          %mul3A_373 = arith.mulf %gather3A_365, %get3A_263 : vector<16xf32>
          tpu.vector_store_idx %arg9[%shift_right_logical3A_259], %mul3A_373 {add = true} : memref<10000xf32, #tpu.memory_space<vmem>>[vector<16xi32>], vector<16xf32>,
          %mul3A_374 = arith.mulf %gather3A_366, %get3A_283 : vector<16xf32>
          tpu.vector_store_idx %arg9[%shift_right_logical3A_279], %mul3A_374 {add = true} : memref<10000xf32, #tpu.memory_space<vmem>>[vector<16xi32>], vector<16xf32>,
          %mul3A_375 = arith.mulf %gather3A_367, %get3A_303 : vector<16xf32>
          tpu.vector_store_idx %arg9[%shift_right_logical3A_299], %mul3A_375 {add = true} : memref<10000xf32, #tpu.memory_space<vmem>>[vector<16xi32>], vector<16xf32>,
          %mul3A_376 = arith.mulf %gather3A_368, %get3A_323 : vector<16xf32>
          tpu.vector_store_idx %arg9[%shift_right_logical3A_319], %mul3A_376 {add = true} : memref<10000xf32, #tpu.memory_space<vmem>>[vector<16xi32>], vector<16xf32>,
          %mul3A_377 = arith.mulf %gather3A_369, %get3A_343 : vector<16xf32>
          tpu.vector_store_idx %arg9[%shift_right_logical3A_339], %mul3A_377 {add = true} : memref<10000xf32, #tpu.memory_space<vmem>>[vector<16xi32>], vector<16xf32>,
          %mul3A_378 = arith.mulf %gather3A_370, %get3A_363 : vector<16xf32>
          tpu.vector_store_idx %arg9[%shift_right_logical3A_359], %mul3A_378 {add = true} : memref<10000xf32, #tpu.memory_space<vmem>>[vector<16xi32>], vector<16xf32>,
        }
        %scan3A_153 = arith.constant 32 : i32
        %add3A_154 = arith.constant 2 : i32
        %add3A_155 = arith.addi %mul3A_103, %add3A_154 : i32
        %min3A = arith.constant 79 : i32
        %min3A_156 = arith.minsi %add3A_155, %min3A : i32
        %add3A_157 = arith.addi %mul3A_35, %min3A_156 : i32
        %mul3A_158 = arith.constant 4096 : i32
        %mul3A_159 = arith.muli %add3A_157, %mul3A_158 : i32
        %dma_start3A_160 = arith.constant 0 : i32
        %dma_start3A_161 = arith.constant 0 : i32
        %dma_start3A_162 = tpu.memref_slice %arg11[%dma_start3A_160, %dma_start3A_161] : memref<2x4096xi32, #tpu.memory_space<vmem>> -> memref<1x4096xi32, #tpu.memory_space<vmem>>
        %dma_start3A_163 = tpu.memref_squeeze %dma_start3A_162 : memref<1x4096xi32, #tpu.memory_space<vmem>> -> memref<4096xi32, #tpu.memory_space<vmem>>
        %dma_start3A_164 = tpu.memref_slice %arg3[%mul3A_159] : memref<327680xi32, #tpu.memory_space<hbm>> -> memref<4096xi32, #tpu.memory_space<hbm>>
        %dma_start3A_165 = arith.constant 0 : i32
        %dma_start3A_166 = tpu.memref_slice %arg11[%dma_start3A_160, %dma_start3A_165] : memref<2x4096xi32, #tpu.memory_space<vmem>> -> memref<1x4096xi32, #tpu.memory_space<vmem>>
        %dma_start3A_167 = tpu.memref_squeeze %dma_start3A_166 : memref<1x4096xi32, #tpu.memory_space<vmem>> -> memref<4096xi32, #tpu.memory_space<vmem>>
        %dma_start3A_168 = tpu.memref_slice %arg3[%mul3A_159] : memref<327680xi32, #tpu.memory_space<hbm>> -> memref<4096xi32, #tpu.memory_space<hbm>>
        tpu.enqueue_dma source(%dma_start3A_168 : memref<4096xi32, #tpu.memory_space<hbm>>) target(%dma_start3A_167 : memref<4096xi32, #tpu.memory_space<vmem>>) target_semaphore(%arg14 : memref<!tpu.dma_semaphore, #tpu.memory_space<semaphore_mem>>)
        %dma_start3A_169 = arith.constant 0 : i32
        %dma_start3A_170 = arith.constant 0 : i32
        %dma_start3A_171 = tpu.memref_slice %arg13[%dma_start3A_169, %dma_start3A_170] : memref<2x4096xf32, #tpu.memory_space<vmem>> -> memref<1x4096xf32, #tpu.memory_space<vmem>>
        %dma_start3A_172 = tpu.memref_squeeze %dma_start3A_171 : memref<1x4096xf32, #tpu.memory_space<vmem>> -> memref<4096xf32, #tpu.memory_space<vmem>>
        %dma_start3A_173 = tpu.memref_slice %arg5[%mul3A_159] : memref<327680xf32, #tpu.memory_space<hbm>> -> memref<4096xf32, #tpu.memory_space<hbm>>
        %dma_start3A_174 = arith.constant 0 : i32
        %dma_start3A_175 = tpu.memref_slice %arg13[%dma_start3A_169, %dma_start3A_174] : memref<2x4096xf32, #tpu.memory_space<vmem>> -> memref<1x4096xf32, #tpu.memory_space<vmem>>
        %dma_start3A_176 = tpu.memref_squeeze %dma_start3A_175 : memref<1x4096xf32, #tpu.memory_space<vmem>> -> memref<4096xf32, #tpu.memory_space<vmem>>
        %dma_start3A_177 = tpu.memref_slice %arg5[%mul3A_159] : memref<327680xf32, #tpu.memory_space<hbm>> -> memref<4096xf32, #tpu.memory_space<hbm>>
        tpu.enqueue_dma source(%dma_start3A_177 : memref<4096xf32, #tpu.memory_space<hbm>>) target(%dma_start3A_176 : memref<4096xf32, #tpu.memory_space<vmem>>) target_semaphore(%arg18 : memref<!tpu.dma_semaphore, #tpu.memory_space<semaphore_mem>>)
        %add3A_178 = arith.addi %mul3A_35, %add3A_105 : i32
        %mul3A_179 = arith.constant 4096 : i32
        %mul3A_180 = arith.muli %add3A_178, %mul3A_179 : i32
        %dma_wait3A_181 = arith.constant 1 : i32
        %dma_wait3A_182 = arith.constant 0 : i32
        %dma_wait3A_183 = tpu.memref_slice %arg11[%dma_wait3A_181, %dma_wait3A_182] : memref<2x4096xi32, #tpu.memory_space<vmem>> -> memref<1x4096xi32, #tpu.memory_space<vmem>>
        %dma_wait3A_184 = tpu.memref_squeeze %dma_wait3A_183 : memref<1x4096xi32, #tpu.memory_space<vmem>> -> memref<4096xi32, #tpu.memory_space<vmem>>
        %dma_wait3A_185 = tpu.memref_slice %arg3[%mul3A_180] : memref<327680xi32, #tpu.memory_space<hbm>> -> memref<4096xi32, #tpu.memory_space<hbm>>
        %dma_wait3A_186 = arith.constant 0 : i32
        %dma_wait3A_187 = tpu.memref_slice %arg11[%dma_wait3A_181, %dma_wait3A_186] : memref<2x4096xi32, #tpu.memory_space<vmem>> -> memref<1x4096xi32, #tpu.memory_space<vmem>>
        %dma_wait3A_188 = tpu.memref_squeeze %dma_wait3A_187 : memref<1x4096xi32, #tpu.memory_space<vmem>> -> memref<4096xi32, #tpu.memory_space<vmem>>
        %dma_wait3A_189 = tpu.memref_slice %arg3[%mul3A_180] : memref<327680xi32, #tpu.memory_space<hbm>> -> memref<4096xi32, #tpu.memory_space<hbm>>
        tpu.wait_dma2 semaphore(%arg15 : memref<!tpu.dma_semaphore, #tpu.memory_space<semaphore_mem>>) src(%dma_wait3A_189 : memref<4096xi32, #tpu.memory_space<hbm>>) dst(%dma_wait3A_188 : memref<4096xi32, #tpu.memory_space<vmem>>)
        %dma_wait3A_190 = arith.constant 1 : i32
        %dma_wait3A_191 = arith.constant 0 : i32
        %dma_wait3A_192 = tpu.memref_slice %arg13[%dma_wait3A_190, %dma_wait3A_191] : memref<2x4096xf32, #tpu.memory_space<vmem>> -> memref<1x4096xf32, #tpu.memory_space<vmem>>
        %dma_wait3A_193 = tpu.memref_squeeze %dma_wait3A_192 : memref<1x4096xf32, #tpu.memory_space<vmem>> -> memref<4096xf32, #tpu.memory_space<vmem>>
        %dma_wait3A_194 = tpu.memref_slice %arg5[%mul3A_180] : memref<327680xf32, #tpu.memory_space<hbm>> -> memref<4096xf32, #tpu.memory_space<hbm>>
        %dma_wait3A_195 = arith.constant 0 : i32
        %dma_wait3A_196 = tpu.memref_slice %arg13[%dma_wait3A_190, %dma_wait3A_195] : memref<2x4096xf32, #tpu.memory_space<vmem>> -> memref<1x4096xf32, #tpu.memory_space<vmem>>
        %dma_wait3A_197 = tpu.memref_squeeze %dma_wait3A_196 : memref<1x4096xf32, #tpu.memory_space<vmem>> -> memref<4096xf32, #tpu.memory_space<vmem>>
        %dma_wait3A_198 = tpu.memref_slice %arg5[%mul3A_180] : memref<327680xf32, #tpu.memory_space<hbm>> -> memref<4096xf32, #tpu.memory_space<hbm>>
        tpu.wait_dma2 semaphore(%arg19 : memref<!tpu.dma_semaphore, #tpu.memory_space<semaphore_mem>>) src(%dma_wait3A_198 : memref<4096xf32, #tpu.memory_space<hbm>>) dst(%dma_wait3A_197 : memref<4096xf32, #tpu.memory_space<vmem>>)
        %scan3A_199 = arith.constant 0 : i32
        %scan3A_200 = arith.constant 0 : i32
        %scan3A_201 = arith.constant 32 : i32
        %scan3A_202 = arith.addi %scan3A_200, %scan3A_201 : i32
        %scan3A_203 = arith.constant 1 : i32
        scf.for %scan3A_205 = %scan3A_200 to %scan3A_202 step %scan3A_203  : i32 {
          %mul3A_206 = arith.constant 8 : i32
          %mul3A_207 = arith.muli %scan3A_205, %mul3A_206 : i32
          %add3A_208 = arith.constant 0 : i32
          %add3A_209 = arith.addi %mul3A_207, %add3A_208 : i32
          %mul3A_210 = arith.constant 16 : i32
          %mul3A_211 = arith.muli %add3A_209, %mul3A_210 : i32
          %get3A = arith.constant 1 : i32
          %get3A_212 = arith.index_cast %get3A : i32 to index
          %get3A_213 = arith.index_cast %mul3A_211 : i32 to index
          %get3A_214 = tpu.vector_load %arg11[%get3A_212, %get3A_213] {strides = array<i32>} : memref<2x4096xi32, #tpu.memory_space<vmem>>, vector<16xi32>,
          %and3A_215 = arith.constant 16383 : i32
          %and3A_216 = vector.broadcast %and3A_215 : i32 to vector<16xi32>
          %and3A_217 = arith.andi %get3A_214, %and3A_216 : vector<16xi32>
          %shift_right_logical3A = arith.constant 14 : i32
          %shift_right_logical3A_218 = vector.broadcast %shift_right_logical3A : i32 to vector<16xi32>
          %shift_right_logical3A_219 = arith.shrui %get3A_214, %shift_right_logical3A_218 : vector<16xi32>
          %get3A_220 = arith.constant 1 : i32
          %get3A_221 = arith.index_cast %get3A_220 : i32 to index
          %get3A_222 = arith.index_cast %mul3A_211 : i32 to index
          %get3A_223 = tpu.vector_load %arg13[%get3A_221, %get3A_222] {strides = array<i32>} : memref<2x4096xf32, #tpu.memory_space<vmem>>, vector<16xf32>,
          %mul3A_224 = arith.constant 8 : i32
          %mul3A_225 = arith.muli %scan3A_205, %mul3A_224 : i32
          %add3A_226 = arith.constant 1 : i32
          %add3A_227 = arith.addi %mul3A_225, %add3A_226 : i32
          %mul3A_228 = arith.constant 16 : i32
          %mul3A_229 = arith.muli %add3A_227, %mul3A_228 : i32
          %get3A_230 = arith.constant 1 : i32
          %get3A_231 = arith.index_cast %get3A_230 : i32 to index
          %get3A_232 = arith.index_cast %mul3A_229 : i32 to index
          %get3A_233 = tpu.vector_load %arg11[%get3A_231, %get3A_232] {strides = array<i32>} : memref<2x4096xi32, #tpu.memory_space<vmem>>, vector<16xi32>,
          %and3A_234 = arith.constant 16383 : i32
          %and3A_235 = vector.broadcast %and3A_234 : i32 to vector<16xi32>
          %and3A_236 = arith.andi %get3A_233, %and3A_235 : vector<16xi32>
          %shift_right_logical3A_237 = arith.constant 14 : i32
          %shift_right_logical3A_238 = vector.broadcast %shift_right_logical3A_237 : i32 to vector<16xi32>
          %shift_right_logical3A_239 = arith.shrui %get3A_233, %shift_right_logical3A_238 : vector<16xi32>
          %get3A_240 = arith.constant 1 : i32
          %get3A_241 = arith.index_cast %get3A_240 : i32 to index
          %get3A_242 = arith.index_cast %mul3A_229 : i32 to index
          %get3A_243 = tpu.vector_load %arg13[%get3A_241, %get3A_242] {strides = array<i32>} : memref<2x4096xf32, #tpu.memory_space<vmem>>, vector<16xf32>,
          %mul3A_244 = arith.constant 8 : i32
          %mul3A_245 = arith.muli %scan3A_205, %mul3A_244 : i32
          %add3A_246 = arith.constant 2 : i32
          %add3A_247 = arith.addi %mul3A_245, %add3A_246 : i32
          %mul3A_248 = arith.constant 16 : i32
          %mul3A_249 = arith.muli %add3A_247, %mul3A_248 : i32
          %get3A_250 = arith.constant 1 : i32
          %get3A_251 = arith.index_cast %get3A_250 : i32 to index
          %get3A_252 = arith.index_cast %mul3A_249 : i32 to index
          %get3A_253 = tpu.vector_load %arg11[%get3A_251, %get3A_252] {strides = array<i32>} : memref<2x4096xi32, #tpu.memory_space<vmem>>, vector<16xi32>,
          %and3A_254 = arith.constant 16383 : i32
          %and3A_255 = vector.broadcast %and3A_254 : i32 to vector<16xi32>
          %and3A_256 = arith.andi %get3A_253, %and3A_255 : vector<16xi32>
          %shift_right_logical3A_257 = arith.constant 14 : i32
          %shift_right_logical3A_258 = vector.broadcast %shift_right_logical3A_257 : i32 to vector<16xi32>
          %shift_right_logical3A_259 = arith.shrui %get3A_253, %shift_right_logical3A_258 : vector<16xi32>
          %get3A_260 = arith.constant 1 : i32
          %get3A_261 = arith.index_cast %get3A_260 : i32 to index
          %get3A_262 = arith.index_cast %mul3A_249 : i32 to index
          %get3A_263 = tpu.vector_load %arg13[%get3A_261, %get3A_262] {strides = array<i32>} : memref<2x4096xf32, #tpu.memory_space<vmem>>, vector<16xf32>,
          %mul3A_264 = arith.constant 8 : i32
          %mul3A_265 = arith.muli %scan3A_205, %mul3A_264 : i32
          %add3A_266 = arith.constant 3 : i32
          %add3A_267 = arith.addi %mul3A_265, %add3A_266 : i32
          %mul3A_268 = arith.constant 16 : i32
          %mul3A_269 = arith.muli %add3A_267, %mul3A_268 : i32
          %get3A_270 = arith.constant 1 : i32
          %get3A_271 = arith.index_cast %get3A_270 : i32 to index
          %get3A_272 = arith.index_cast %mul3A_269 : i32 to index
          %get3A_273 = tpu.vector_load %arg11[%get3A_271, %get3A_272] {strides = array<i32>} : memref<2x4096xi32, #tpu.memory_space<vmem>>, vector<16xi32>,
          %and3A_274 = arith.constant 16383 : i32
          %and3A_275 = vector.broadcast %and3A_274 : i32 to vector<16xi32>
          %and3A_276 = arith.andi %get3A_273, %and3A_275 : vector<16xi32>
          %shift_right_logical3A_277 = arith.constant 14 : i32
          %shift_right_logical3A_278 = vector.broadcast %shift_right_logical3A_277 : i32 to vector<16xi32>
          %shift_right_logical3A_279 = arith.shrui %get3A_273, %shift_right_logical3A_278 : vector<16xi32>
          %get3A_280 = arith.constant 1 : i32
          %get3A_281 = arith.index_cast %get3A_280 : i32 to index
          %get3A_282 = arith.index_cast %mul3A_269 : i32 to index
          %get3A_283 = tpu.vector_load %arg13[%get3A_281, %get3A_282] {strides = array<i32>} : memref<2x4096xf32, #tpu.memory_space<vmem>>, vector<16xf32>,
          %mul3A_284 = arith.constant 8 : i32
          %mul3A_285 = arith.muli %scan3A_205, %mul3A_284 : i32
          %add3A_286 = arith.constant 4 : i32
          %add3A_287 = arith.addi %mul3A_285, %add3A_286 : i32
          %mul3A_288 = arith.constant 16 : i32
          %mul3A_289 = arith.muli %add3A_287, %mul3A_288 : i32
          %get3A_290 = arith.constant 1 : i32
          %get3A_291 = arith.index_cast %get3A_290 : i32 to index
          %get3A_292 = arith.index_cast %mul3A_289 : i32 to index
          %get3A_293 = tpu.vector_load %arg11[%get3A_291, %get3A_292] {strides = array<i32>} : memref<2x4096xi32, #tpu.memory_space<vmem>>, vector<16xi32>,
          %and3A_294 = arith.constant 16383 : i32
          %and3A_295 = vector.broadcast %and3A_294 : i32 to vector<16xi32>
          %and3A_296 = arith.andi %get3A_293, %and3A_295 : vector<16xi32>
          %shift_right_logical3A_297 = arith.constant 14 : i32
          %shift_right_logical3A_298 = vector.broadcast %shift_right_logical3A_297 : i32 to vector<16xi32>
          %shift_right_logical3A_299 = arith.shrui %get3A_293, %shift_right_logical3A_298 : vector<16xi32>
          %get3A_300 = arith.constant 1 : i32
          %get3A_301 = arith.index_cast %get3A_300 : i32 to index
          %get3A_302 = arith.index_cast %mul3A_289 : i32 to index
          %get3A_303 = tpu.vector_load %arg13[%get3A_301, %get3A_302] {strides = array<i32>} : memref<2x4096xf32, #tpu.memory_space<vmem>>, vector<16xf32>,
          %mul3A_304 = arith.constant 8 : i32
          %mul3A_305 = arith.muli %scan3A_205, %mul3A_304 : i32
          %add3A_306 = arith.constant 5 : i32
          %add3A_307 = arith.addi %mul3A_305, %add3A_306 : i32
          %mul3A_308 = arith.constant 16 : i32
          %mul3A_309 = arith.muli %add3A_307, %mul3A_308 : i32
          %get3A_310 = arith.constant 1 : i32
          %get3A_311 = arith.index_cast %get3A_310 : i32 to index
          %get3A_312 = arith.index_cast %mul3A_309 : i32 to index
          %get3A_313 = tpu.vector_load %arg11[%get3A_311, %get3A_312] {strides = array<i32>} : memref<2x4096xi32, #tpu.memory_space<vmem>>, vector<16xi32>,
          %and3A_314 = arith.constant 16383 : i32
          %and3A_315 = vector.broadcast %and3A_314 : i32 to vector<16xi32>
          %and3A_316 = arith.andi %get3A_313, %and3A_315 : vector<16xi32>
          %shift_right_logical3A_317 = arith.constant 14 : i32
          %shift_right_logical3A_318 = vector.broadcast %shift_right_logical3A_317 : i32 to vector<16xi32>
          %shift_right_logical3A_319 = arith.shrui %get3A_313, %shift_right_logical3A_318 : vector<16xi32>
          %get3A_320 = arith.constant 1 : i32
          %get3A_321 = arith.index_cast %get3A_320 : i32 to index
          %get3A_322 = arith.index_cast %mul3A_309 : i32 to index
          %get3A_323 = tpu.vector_load %arg13[%get3A_321, %get3A_322] {strides = array<i32>} : memref<2x4096xf32, #tpu.memory_space<vmem>>, vector<16xf32>,
          %mul3A_324 = arith.constant 8 : i32
          %mul3A_325 = arith.muli %scan3A_205, %mul3A_324 : i32
          %add3A_326 = arith.constant 6 : i32
          %add3A_327 = arith.addi %mul3A_325, %add3A_326 : i32
          %mul3A_328 = arith.constant 16 : i32
          %mul3A_329 = arith.muli %add3A_327, %mul3A_328 : i32
          %get3A_330 = arith.constant 1 : i32
          %get3A_331 = arith.index_cast %get3A_330 : i32 to index
          %get3A_332 = arith.index_cast %mul3A_329 : i32 to index
          %get3A_333 = tpu.vector_load %arg11[%get3A_331, %get3A_332] {strides = array<i32>} : memref<2x4096xi32, #tpu.memory_space<vmem>>, vector<16xi32>,
          %and3A_334 = arith.constant 16383 : i32
          %and3A_335 = vector.broadcast %and3A_334 : i32 to vector<16xi32>
          %and3A_336 = arith.andi %get3A_333, %and3A_335 : vector<16xi32>
          %shift_right_logical3A_337 = arith.constant 14 : i32
          %shift_right_logical3A_338 = vector.broadcast %shift_right_logical3A_337 : i32 to vector<16xi32>
          %shift_right_logical3A_339 = arith.shrui %get3A_333, %shift_right_logical3A_338 : vector<16xi32>
          %get3A_340 = arith.constant 1 : i32
          %get3A_341 = arith.index_cast %get3A_340 : i32 to index
          %get3A_342 = arith.index_cast %mul3A_329 : i32 to index
          %get3A_343 = tpu.vector_load %arg13[%get3A_341, %get3A_342] {strides = array<i32>} : memref<2x4096xf32, #tpu.memory_space<vmem>>, vector<16xf32>,
          %mul3A_344 = arith.constant 8 : i32
          %mul3A_345 = arith.muli %scan3A_205, %mul3A_344 : i32
          %add3A_346 = arith.constant 7 : i32
          %add3A_347 = arith.addi %mul3A_345, %add3A_346 : i32
          %mul3A_348 = arith.constant 16 : i32
          %mul3A_349 = arith.muli %add3A_347, %mul3A_348 : i32
          %get3A_350 = arith.constant 1 : i32
          %get3A_351 = arith.index_cast %get3A_350 : i32 to index
          %get3A_352 = arith.index_cast %mul3A_349 : i32 to index
          %get3A_353 = tpu.vector_load %arg11[%get3A_351, %get3A_352] {strides = array<i32>} : memref<2x4096xi32, #tpu.memory_space<vmem>>, vector<16xi32>,
          %and3A_354 = arith.constant 16383 : i32
          %and3A_355 = vector.broadcast %and3A_354 : i32 to vector<16xi32>
          %and3A_356 = arith.andi %get3A_353, %and3A_355 : vector<16xi32>
          %shift_right_logical3A_357 = arith.constant 14 : i32
          %shift_right_logical3A_358 = vector.broadcast %shift_right_logical3A_357 : i32 to vector<16xi32>
          %shift_right_logical3A_359 = arith.shrui %get3A_353, %shift_right_logical3A_358 : vector<16xi32>
          %get3A_360 = arith.constant 1 : i32
          %get3A_361 = arith.index_cast %get3A_360 : i32 to index
          %get3A_362 = arith.index_cast %mul3A_349 : i32 to index
          %get3A_363 = tpu.vector_load %arg13[%get3A_361, %get3A_362] {strides = array<i32>} : memref<2x4096xf32, #tpu.memory_space<vmem>>, vector<16xf32>,
          %gather3A = tpu.vector_load_idx %arg7[%and3A_217] : memref<10000xf32, #tpu.memory_space<vmem>>[vector<16xi32>], vector<16xf32>,
          %gather3A_364 = tpu.vector_load_idx %arg7[%and3A_236] : memref<10000xf32, #tpu.memory_space<vmem>>[vector<16xi32>], vector<16xf32>,
          %gather3A_365 = tpu.vector_load_idx %arg7[%and3A_256] : memref<10000xf32, #tpu.memory_space<vmem>>[vector<16xi32>], vector<16xf32>,
          %gather3A_366 = tpu.vector_load_idx %arg7[%and3A_276] : memref<10000xf32, #tpu.memory_space<vmem>>[vector<16xi32>], vector<16xf32>,
          %gather3A_367 = tpu.vector_load_idx %arg7[%and3A_296] : memref<10000xf32, #tpu.memory_space<vmem>>[vector<16xi32>], vector<16xf32>,
          %gather3A_368 = tpu.vector_load_idx %arg7[%and3A_316] : memref<10000xf32, #tpu.memory_space<vmem>>[vector<16xi32>], vector<16xf32>,
          %gather3A_369 = tpu.vector_load_idx %arg7[%and3A_336] : memref<10000xf32, #tpu.memory_space<vmem>>[vector<16xi32>], vector<16xf32>,
          %gather3A_370 = tpu.vector_load_idx %arg7[%and3A_356] : memref<10000xf32, #tpu.memory_space<vmem>>[vector<16xi32>], vector<16xf32>,
          %mul3A_371 = arith.mulf %gather3A, %get3A_223 : vector<16xf32>
          tpu.vector_store_idx %arg9[%shift_right_logical3A_219], %mul3A_371 {add = true} : memref<10000xf32, #tpu.memory_space<vmem>>[vector<16xi32>], vector<16xf32>,
          %mul3A_372 = arith.mulf %gather3A_364, %get3A_243 : vector<16xf32>
          tpu.vector_store_idx %arg9[%shift_right_logical3A_239], %mul3A_372 {add = true} : memref<10000xf32, #tpu.memory_space<vmem>>[vector<16xi32>], vector<16xf32>,
          %mul3A_373 = arith.mulf %gather3A_365, %get3A_263 : vector<16xf32>
          tpu.vector_store_idx %arg9[%shift_right_logical3A_259], %mul3A_373 {add = true} : memref<10000xf32, #tpu.memory_space<vmem>>[vector<16xi32>], vector<16xf32>,
          %mul3A_374 = arith.mulf %gather3A_366, %get3A_283 : vector<16xf32>
          tpu.vector_store_idx %arg9[%shift_right_logical3A_279], %mul3A_374 {add = true} : memref<10000xf32, #tpu.memory_space<vmem>>[vector<16xi32>], vector<16xf32>,
          %mul3A_375 = arith.mulf %gather3A_367, %get3A_303 : vector<16xf32>
          tpu.vector_store_idx %arg9[%shift_right_logical3A_299], %mul3A_375 {add = true} : memref<10000xf32, #tpu.memory_space<vmem>>[vector<16xi32>], vector<16xf32>,
          %mul3A_376 = arith.mulf %gather3A_368, %get3A_323 : vector<16xf32>
          tpu.vector_store_idx %arg9[%shift_right_logical3A_319], %mul3A_376 {add = true} : memref<10000xf32, #tpu.memory_space<vmem>>[vector<16xi32>], vector<16xf32>,
          %mul3A_377 = arith.mulf %gather3A_369, %get3A_343 : vector<16xf32>
          tpu.vector_store_idx %arg9[%shift_right_logical3A_339], %mul3A_377 {add = true} : memref<10000xf32, #tpu.memory_space<vmem>>[vector<16xi32>], vector<16xf32>,
          %mul3A_378 = arith.mulf %gather3A_370, %get3A_363 : vector<16xf32>
          tpu.vector_store_idx %arg9[%shift_right_logical3A_359], %mul3A_378 {add = true} : memref<10000xf32, #tpu.memory_space<vmem>>[vector<16xi32>], vector<16xf32>,
        }
        %scan3A_204 = arith.constant 32 : i32
      }
      %scan3A_72 = arith.constant 40 : i32
      %add3A_73 = arith.constant 79 : i32
      %add3A_74 = arith.addi %mul3A_35, %add3A_73 : i32
      %mul3A_75 = arith.constant 4096 : i32
      %mul3A_76 = arith.muli %add3A_74, %mul3A_75 : i32
      %dma_wait3A = arith.constant 0 : i32
      %dma_wait3A_77 = arith.constant 0 : i32
      %dma_wait3A_78 = tpu.memref_slice %arg11[%dma_wait3A, %dma_wait3A_77] : memref<2x4096xi32, #tpu.memory_space<vmem>> -> memref<1x4096xi32, #tpu.memory_space<vmem>>
      %dma_wait3A_79 = tpu.memref_squeeze %dma_wait3A_78 : memref<1x4096xi32, #tpu.memory_space<vmem>> -> memref<4096xi32, #tpu.memory_space<vmem>>
      %dma_wait3A_80 = tpu.memref_slice %arg3[%mul3A_76] : memref<327680xi32, #tpu.memory_space<hbm>> -> memref<4096xi32, #tpu.memory_space<hbm>>
      %dma_wait3A_81 = arith.constant 0 : i32
      %dma_wait3A_82 = tpu.memref_slice %arg11[%dma_wait3A, %dma_wait3A_81] : memref<2x4096xi32, #tpu.memory_space<vmem>> -> memref<1x4096xi32, #tpu.memory_space<vmem>>
      %dma_wait3A_83 = tpu.memref_squeeze %dma_wait3A_82 : memref<1x4096xi32, #tpu.memory_space<vmem>> -> memref<4096xi32, #tpu.memory_space<vmem>>
      %dma_wait3A_84 = tpu.memref_slice %arg3[%mul3A_76] : memref<327680xi32, #tpu.memory_space<hbm>> -> memref<4096xi32, #tpu.memory_space<hbm>>
      tpu.wait_dma2 semaphore(%arg14 : memref<!tpu.dma_semaphore, #tpu.memory_space<semaphore_mem>>) src(%dma_wait3A_84 : memref<4096xi32, #tpu.memory_space<hbm>>) dst(%dma_wait3A_83 : memref<4096xi32, #tpu.memory_space<vmem>>)
      %dma_wait3A_85 = arith.constant 0 : i32
      %dma_wait3A_86 = arith.constant 0 : i32
      %dma_wait3A_87 = tpu.memref_slice %arg13[%dma_wait3A_85, %dma_wait3A_86] : memref<2x4096xf32, #tpu.memory_space<vmem>> -> memref<1x4096xf32, #tpu.memory_space<vmem>>
      %dma_wait3A_88 = tpu.memref_squeeze %dma_wait3A_87 : memref<1x4096xf32, #tpu.memory_space<vmem>> -> memref<4096xf32, #tpu.memory_space<vmem>>
      %dma_wait3A_89 = tpu.memref_slice %arg5[%mul3A_76] : memref<327680xf32, #tpu.memory_space<hbm>> -> memref<4096xf32, #tpu.memory_space<hbm>>
      %dma_wait3A_90 = arith.constant 0 : i32
      %dma_wait3A_91 = tpu.memref_slice %arg13[%dma_wait3A_85, %dma_wait3A_90] : memref<2x4096xf32, #tpu.memory_space<vmem>> -> memref<1x4096xf32, #tpu.memory_space<vmem>>
      %dma_wait3A_92 = tpu.memref_squeeze %dma_wait3A_91 : memref<1x4096xf32, #tpu.memory_space<vmem>> -> memref<4096xf32, #tpu.memory_space<vmem>>
      %dma_wait3A_93 = tpu.memref_slice %arg5[%mul3A_76] : memref<327680xf32, #tpu.memory_space<hbm>> -> memref<4096xf32, #tpu.memory_space<hbm>>
      tpu.wait_dma2 semaphore(%arg18 : memref<!tpu.dma_semaphore, #tpu.memory_space<semaphore_mem>>) src(%dma_wait3A_93 : memref<4096xf32, #tpu.memory_space<hbm>>) dst(%dma_wait3A_92 : memref<4096xf32, #tpu.memory_space<vmem>>)
      %mul3A_94 = arith.constant 32 : i32
      %mul3A_95 = arith.muli %select_n3A, %mul3A_94 : i32
      %mul3A_96 = arith.constant 1 : i32
      %mul3A_97 = arith.muli %select_n3A_33, %mul3A_96 : i32
      %add3A_98 = arith.addi %mul3A_95, %mul3A_97 : i32
      %add3A_99 = arith.constant 0 : i32
      %add3A_100 = arith.addi %add3A_98, %add3A_99 : i32
      "tpu.region"() ({
        %run_scoped3A = tpu.sem_alloc : memref<!tpu.dma_semaphore, #tpu.memory_space<semaphore_mem>>
        %dma_start3A_101 = arith.constant 0 : i32
        %dma_start3A_102 = tpu.memref_slice %arg6[%add3A_100, %dma_start3A_101] : memref<32x10000xf32, #tpu.memory_space<hbm>> -> memref<1x10000xf32, #tpu.memory_space<hbm>>
        %dma_start3A_103 = tpu.memref_squeeze %dma_start3A_102 : memref<1x10000xf32, #tpu.memory_space<hbm>> -> memref<10000xf32, #tpu.memory_space<hbm>>
        %dma_start3A_104 = arith.constant 0 : i32
        %dma_start3A_105 = tpu.memref_slice %arg6[%add3A_100, %dma_start3A_104] : memref<32x10000xf32, #tpu.memory_space<hbm>> -> memref<1x10000xf32, #tpu.memory_space<hbm>>
        %dma_start3A_106 = tpu.memref_squeeze %dma_start3A_105 : memref<1x10000xf32, #tpu.memory_space<hbm>> -> memref<10000xf32, #tpu.memory_space<hbm>>
        tpu.enqueue_dma source(%arg9 : memref<10000xf32, #tpu.memory_space<vmem>>) target(%dma_start3A_106 : memref<10000xf32, #tpu.memory_space<hbm>>) target_semaphore(%run_scoped3A : memref<!tpu.dma_semaphore, #tpu.memory_space<semaphore_mem>>)
        %dma_wait3A_107 = arith.constant 0 : i32
        %dma_wait3A_108 = tpu.memref_slice %arg6[%add3A_100, %dma_wait3A_107] : memref<32x10000xf32, #tpu.memory_space<hbm>> -> memref<1x10000xf32, #tpu.memory_space<hbm>>
        %dma_wait3A_109 = tpu.memref_squeeze %dma_wait3A_108 : memref<1x10000xf32, #tpu.memory_space<hbm>> -> memref<10000xf32, #tpu.memory_space<hbm>>
        %dma_wait3A_110 = arith.constant 0 : i32
        %dma_wait3A_111 = tpu.memref_slice %arg6[%add3A_100, %dma_wait3A_110] : memref<32x10000xf32, #tpu.memory_space<hbm>> -> memref<1x10000xf32, #tpu.memory_space<hbm>>
        %dma_wait3A_112 = tpu.memref_squeeze %dma_wait3A_111 : memref<1x10000xf32, #tpu.memory_space<hbm>> -> memref<10000xf32, #tpu.memory_space<hbm>>
        tpu.wait_dma2 semaphore(%run_scoped3A : memref<!tpu.dma_semaphore, #tpu.memory_space<semaphore_mem>>) src(%arg9 : memref<10000xf32, #tpu.memory_space<vmem>>) dst(%dma_wait3A_112 : memref<10000xf32, #tpu.memory_space<hbm>>)
        tpu.yield
      }) : () -> ()
    } else {
    }
    return
  }
}

#map = affine_map<(d0, d1) -> (0, 0)>
#map1 = affine_map<(d0, d1) -> (0)>
module attributes {stable_mosaic.version = 14 : i64} {
  func.func @spmm(%arg0: i32, %arg1: i32, %arg2: memref<64x10000xf32, #tpu.memory_space<hbm>>, %arg3: memref<327680xi32, #tpu.memory_space<hbm>>, %arg4: memref<327680xi32, #tpu.memory_space<hbm>>, %arg5: memref<327680xf32, #tpu.memory_space<hbm>>, %arg6: memref<64x10000xf32, #tpu.memory_space<hbm>>, %arg7: memref<10000xf32, #tpu.memory_space<vmem>>, %arg8: memref<10000xf32, #tpu.memory_space<vmem>>, %arg9: memref<10000xf32, #tpu.memory_space<vmem>>, %arg10: memref<10000xf32, #tpu.memory_space<vmem>>, %arg11: memref<2x4096xi32, #tpu.memory_space<vmem>>, %arg12: memref<2x4096xi32, #tpu.memory_space<vmem>>, %arg13: memref<2x4096xf32, #tpu.memory_space<vmem>>, %arg14: memref<!tpu.dma_semaphore, #tpu.memory_space<semaphore_mem>>, %arg15: memref<!tpu.dma_semaphore, #tpu.memory_space<semaphore_mem>>, %arg16: memref<!tpu.dma_semaphore, #tpu.memory_space<semaphore_mem>>, %arg17: memref<!tpu.dma_semaphore, #tpu.memory_space<semaphore_mem>>, %arg18: memref<!tpu.dma_semaphore, #tpu.memory_space<semaphore_mem>>, %arg19: memref<!tpu.dma_semaphore, #tpu.memory_space<semaphore_mem>>) attributes {dimension_semantics = [#tpu.dimension_semantics<core_parallel>, #tpu.dimension_semantics<subcore_parallel>], iteration_bounds = array<i64: 2, 16>, scalar_prefetch = 0 : i64, scratch_operands = 13 : i64, tpu.core_type = #tpu.core_type<sc_vector_subcore>, window_params = [{transform_indices = #map}, {transform_indices = #map1}, {transform_indices = #map1}, {transform_indices = #map1}, {transform_indices = #map}]} {
    %mul3A = arith.constant 2 : i32
    %mul3A_0 = arith.muli %arg1, %mul3A : i32
    %add3A = arith.addi %mul3A_0, %arg0 : i32
    %lt3A = arith.constant 32 : i32
    %lt3A_1 = arith.cmpi slt, %add3A, %lt3A : i32
    %convert_element_type3A = arith.extui %lt3A_1 : i1 to i32
    %cond3A = arith.constant 0 : i32
    %cond3A_2 = arith.cmpi ne, %convert_element_type3A, %cond3A : i32
    scf.if %cond3A_2 {
      %jit3A = arith.constant 32 : i32
      %div3A = arith.divsi %add3A, %jit3A : i32
      %sign3A = arith.constant 0 : i32
      %sign3A_3 = arith.cmpi sgt, %add3A, %sign3A : i32
      %sign3A_4 = arith.extui %sign3A_3 : i1 to i32
      %sign3A_5 = arith.constant 0 : i32
      %sign3A_6 = arith.cmpi slt, %add3A, %sign3A_5 : i32
      %sign3A_7 = arith.extui %sign3A_6 : i1 to i32
      %sign3A_8 = arith.subi %sign3A_4, %sign3A_7 : i32
      %sign3A_9 = arith.constant 0 : i32
      %sign3A_10 = arith.cmpi sgt, %jit3A, %sign3A_9 : i32
      %sign3A_11 = arith.extui %sign3A_10 : i1 to i32
      %sign3A_12 = arith.constant 0 : i32
      %sign3A_13 = arith.cmpi slt, %jit3A, %sign3A_12 : i32
      %sign3A_14 = arith.extui %sign3A_13 : i1 to i32
      %sign3A_15 = arith.subi %sign3A_11, %sign3A_14 : i32
      %ne3A = arith.cmpi ne, %sign3A_8, %sign3A_15 : i32
      %rem3A = arith.remsi %add3A, %jit3A : i32
      %ne3A_16 = arith.constant 0 : i32
      %ne3A_17 = arith.cmpi ne, %rem3A, %ne3A_16 : i32
      %and3A = arith.andi %ne3A, %ne3A_17 : i1
      %sub3A = arith.constant 1 : i32
      %sub3A_18 = arith.subi %div3A, %sub3A : i32
      %select_n3A = arith.select %and3A, %sub3A_18, %div3A : i32
      %jit3A_19 = arith.constant 32 : i32
      %eq3A = arith.constant 0 : i32
      %eq3A_20 = arith.cmpi eq, %jit3A_19, %eq3A : i32
      %jit3A_21 = arith.constant 1 : i32
      %select_n3A_22 = arith.select %eq3A_20, %jit3A_21, %jit3A_19 : i32
      %rem3A_23 = arith.remsi %add3A, %select_n3A_22 : i32
      %ne3A_24 = arith.constant 0 : i32
      %ne3A_25 = arith.cmpi ne, %rem3A_23, %ne3A_24 : i32
      %lt3A_26 = arith.constant 0 : i32
      %lt3A_27 = arith.cmpi slt, %rem3A_23, %lt3A_26 : i32
      %lt3A_28 = arith.constant 0 : i32
      %lt3A_29 = arith.cmpi slt, %select_n3A_22, %lt3A_28 : i32
      %ne3A_30 = arith.xori %lt3A_27, %lt3A_29 : i1
      %and3A_31 = arith.andi %ne3A_30, %ne3A_25 : i1
      %add3A_32 = arith.addi %rem3A_23, %select_n3A_22 : i32
      %select_n3A_33 = arith.select %and3A_31, %add3A_32, %rem3A_23 : i32
      %mul3A_34 = arith.constant 80 : i32
      %mul3A_35 = arith.muli %select_n3A, %mul3A_34 : i32
      %mul3A_36 = arith.constant 2 : i32
      %mul3A_37 = arith.muli %select_n3A_33, %mul3A_36 : i32
      %add3A_38 = arith.constant 0 : i32
      %add3A_39 = arith.addi %mul3A_37, %add3A_38 : i32
      "tpu.region"() ({
        %run_scoped3A = tpu.sem_alloc : memref<!tpu.dma_semaphore, #tpu.memory_space<semaphore_mem>>
        %dma_start3A_130 = arith.constant 0 : i32
        %dma_start3A_131 = tpu.memref_slice %arg2[%add3A_39, %dma_start3A_130] : memref<64x10000xf32, #tpu.memory_space<hbm>> -> memref<1x10000xf32, #tpu.memory_space<hbm>>
        %dma_start3A_132 = tpu.memref_squeeze %dma_start3A_131 : memref<1x10000xf32, #tpu.memory_space<hbm>> -> memref<10000xf32, #tpu.memory_space<hbm>>
        %dma_start3A_133 = arith.constant 0 : i32
        %dma_start3A_134 = tpu.memref_slice %arg2[%add3A_39, %dma_start3A_133] : memref<64x10000xf32, #tpu.memory_space<hbm>> -> memref<1x10000xf32, #tpu.memory_space<hbm>>
        %dma_start3A_135 = tpu.memref_squeeze %dma_start3A_134 : memref<1x10000xf32, #tpu.memory_space<hbm>> -> memref<10000xf32, #tpu.memory_space<hbm>>
        tpu.enqueue_dma source(%dma_start3A_135 : memref<10000xf32, #tpu.memory_space<hbm>>) target(%arg7 : memref<10000xf32, #tpu.memory_space<vmem>>) target_semaphore(%run_scoped3A : memref<!tpu.dma_semaphore, #tpu.memory_space<semaphore_mem>>)
        %dma_wait3A_136 = arith.constant 0 : i32
        %dma_wait3A_137 = tpu.memref_slice %arg2[%add3A_39, %dma_wait3A_136] : memref<64x10000xf32, #tpu.memory_space<hbm>> -> memref<1x10000xf32, #tpu.memory_space<hbm>>
        %dma_wait3A_138 = tpu.memref_squeeze %dma_wait3A_137 : memref<1x10000xf32, #tpu.memory_space<hbm>> -> memref<10000xf32, #tpu.memory_space<hbm>>
        %dma_wait3A_139 = arith.constant 0 : i32
        %dma_wait3A_140 = tpu.memref_slice %arg2[%add3A_39, %dma_wait3A_139] : memref<64x10000xf32, #tpu.memory_space<hbm>> -> memref<1x10000xf32, #tpu.memory_space<hbm>>
        %dma_wait3A_141 = tpu.memref_squeeze %dma_wait3A_140 : memref<1x10000xf32, #tpu.memory_space<hbm>> -> memref<10000xf32, #tpu.memory_space<hbm>>
        tpu.wait_dma2 semaphore(%run_scoped3A : memref<!tpu.dma_semaphore, #tpu.memory_space<semaphore_mem>>) src(%dma_wait3A_141 : memref<10000xf32, #tpu.memory_space<hbm>>) dst(%arg7 : memref<10000xf32, #tpu.memory_space<vmem>>)
        tpu.yield
      }) : () -> ()
      %mul3A_40 = arith.constant 2 : i32
      %mul3A_41 = arith.muli %select_n3A_33, %mul3A_40 : i32
      %add3A_42 = arith.constant 1 : i32
      %add3A_43 = arith.addi %mul3A_41, %add3A_42 : i32
      "tpu.region"() ({
        %run_scoped3A = tpu.sem_alloc : memref<!tpu.dma_semaphore, #tpu.memory_space<semaphore_mem>>
        %dma_start3A_130 = arith.constant 0 : i32
        %dma_start3A_131 = tpu.memref_slice %arg2[%add3A_43, %dma_start3A_130] : memref<64x10000xf32, #tpu.memory_space<hbm>> -> memref<1x10000xf32, #tpu.memory_space<hbm>>
        %dma_start3A_132 = tpu.memref_squeeze %dma_start3A_131 : memref<1x10000xf32, #tpu.memory_space<hbm>> -> memref<10000xf32, #tpu.memory_space<hbm>>
        %dma_start3A_133 = arith.constant 0 : i32
        %dma_start3A_134 = tpu.memref_slice %arg2[%add3A_43, %dma_start3A_133] : memref<64x10000xf32, #tpu.memory_space<hbm>> -> memref<1x10000xf32, #tpu.memory_space<hbm>>
        %dma_start3A_135 = tpu.memref_squeeze %dma_start3A_134 : memref<1x10000xf32, #tpu.memory_space<hbm>> -> memref<10000xf32, #tpu.memory_space<hbm>>
        tpu.enqueue_dma source(%dma_start3A_135 : memref<10000xf32, #tpu.memory_space<hbm>>) target(%arg8 : memref<10000xf32, #tpu.memory_space<vmem>>) target_semaphore(%run_scoped3A : memref<!tpu.dma_semaphore, #tpu.memory_space<semaphore_mem>>)
        %dma_wait3A_136 = arith.constant 0 : i32
        %dma_wait3A_137 = tpu.memref_slice %arg2[%add3A_43, %dma_wait3A_136] : memref<64x10000xf32, #tpu.memory_space<hbm>> -> memref<1x10000xf32, #tpu.memory_space<hbm>>
        %dma_wait3A_138 = tpu.memref_squeeze %dma_wait3A_137 : memref<1x10000xf32, #tpu.memory_space<hbm>> -> memref<10000xf32, #tpu.memory_space<hbm>>
        %dma_wait3A_139 = arith.constant 0 : i32
        %dma_wait3A_140 = tpu.memref_slice %arg2[%add3A_43, %dma_wait3A_139] : memref<64x10000xf32, #tpu.memory_space<hbm>> -> memref<1x10000xf32, #tpu.memory_space<hbm>>
        %dma_wait3A_141 = tpu.memref_squeeze %dma_wait3A_140 : memref<1x10000xf32, #tpu.memory_space<hbm>> -> memref<10000xf32, #tpu.memory_space<hbm>>
        tpu.wait_dma2 semaphore(%run_scoped3A : memref<!tpu.dma_semaphore, #tpu.memory_space<semaphore_mem>>) src(%dma_wait3A_141 : memref<10000xf32, #tpu.memory_space<hbm>>) dst(%arg8 : memref<10000xf32, #tpu.memory_space<vmem>>)
        tpu.yield
      }) : () -> ()
      %broadcast_in_dim3A = arith.constant 0.000000e+00 : f32
      %broadcast_in_dim3A_44 = vector.broadcast %broadcast_in_dim3A : f32 to vector<16xf32>
      %scan3A = arith.constant 0 : i32
      %scan3A_45 = arith.constant 0 : i32
      %scan3A_46 = arith.constant 625 : i32
      %scan3A_47 = arith.addi %scan3A_45, %scan3A_46 : i32
      %scan3A_48 = arith.constant 1 : i32
      scf.for %scan3A_130 = %scan3A_45 to %scan3A_47 step %scan3A_48  : i32 {
        %mul3A_131 = arith.constant 16 : i32
        %mul3A_132 = arith.muli %scan3A_130, %mul3A_131 : i32
        %swap3A = arith.index_cast %mul3A_132 : i32 to index
        %swap3A_133 = tpu.vector_load %arg9[%swap3A] {strides = array<i32>} : memref<10000xf32, #tpu.memory_space<vmem>>, vector<16xf32>,
        tpu.vector_store %arg9[%swap3A], %broadcast_in_dim3A_44 {strides = array<i32>} : memref<10000xf32, #tpu.memory_space<vmem>>, vector<16xf32>,
        %mul3A_134 = arith.constant 16 : i32
        %mul3A_135 = arith.muli %scan3A_130, %mul3A_134 : i32
        %swap3A_136 = arith.index_cast %mul3A_135 : i32 to index
        %swap3A_137 = tpu.vector_load %arg10[%swap3A_136] {strides = array<i32>} : memref<10000xf32, #tpu.memory_space<vmem>>, vector<16xf32>,
        tpu.vector_store %arg10[%swap3A_136], %broadcast_in_dim3A_44 {strides = array<i32>} : memref<10000xf32, #tpu.memory_space<vmem>>, vector<16xf32>,
      }
      %scan3A_49 = arith.constant 625 : i32
      %add3A_50 = arith.constant 0 : i32
      %add3A_51 = arith.addi %mul3A_35, %add3A_50 : i32
      %mul3A_52 = arith.constant 4096 : i32
      %mul3A_53 = arith.muli %add3A_51, %mul3A_52 : i32
      %dma_start3A = arith.constant 0 : i32
      %dma_start3A_54 = arith.constant 0 : i32
      %dma_start3A_55 = tpu.memref_slice %arg11[%dma_start3A, %dma_start3A_54] : memref<2x4096xi32, #tpu.memory_space<vmem>> -> memref<1x4096xi32, #tpu.memory_space<vmem>>
      %dma_start3A_56 = tpu.memref_squeeze %dma_start3A_55 : memref<1x4096xi32, #tpu.memory_space<vmem>> -> memref<4096xi32, #tpu.memory_space<vmem>>
      %dma_start3A_57 = tpu.memref_slice %arg3[%mul3A_53] : memref<327680xi32, #tpu.memory_space<hbm>> -> memref<4096xi32, #tpu.memory_space<hbm>>
      %dma_start3A_58 = arith.constant 0 : i32
      %dma_start3A_59 = tpu.memref_slice %arg11[%dma_start3A, %dma_start3A_58] : memref<2x4096xi32, #tpu.memory_space<vmem>> -> memref<1x4096xi32, #tpu.memory_space<vmem>>
      %dma_start3A_60 = tpu.memref_squeeze %dma_start3A_59 : memref<1x4096xi32, #tpu.memory_space<vmem>> -> memref<4096xi32, #tpu.memory_space<vmem>>
      %dma_start3A_61 = tpu.memref_slice %arg3[%mul3A_53] : memref<327680xi32, #tpu.memory_space<hbm>> -> memref<4096xi32, #tpu.memory_space<hbm>>
      tpu.enqueue_dma source(%dma_start3A_61 : memref<4096xi32, #tpu.memory_space<hbm>>) target(%dma_start3A_60 : memref<4096xi32, #tpu.memory_space<vmem>>) target_semaphore(%arg14 : memref<!tpu.dma_semaphore, #tpu.memory_space<semaphore_mem>>)
      %dma_start3A_62 = arith.constant 0 : i32
      %dma_start3A_63 = arith.constant 0 : i32
      %dma_start3A_64 = tpu.memref_slice %arg12[%dma_start3A_62, %dma_start3A_63] : memref<2x4096xi32, #tpu.memory_space<vmem>> -> memref<1x4096xi32, #tpu.memory_space<vmem>>
      %dma_start3A_65 = tpu.memref_squeeze %dma_start3A_64 : memref<1x4096xi32, #tpu.memory_space<vmem>> -> memref<4096xi32, #tpu.memory_space<vmem>>
      %dma_start3A_66 = tpu.memref_slice %arg4[%mul3A_53] : memref<327680xi32, #tpu.memory_space<hbm>> -> memref<4096xi32, #tpu.memory_space<hbm>>
      %dma_start3A_67 = arith.constant 0 : i32
      %dma_start3A_68 = tpu.memref_slice %arg12[%dma_start3A_62, %dma_start3A_67] : memref<2x4096xi32, #tpu.memory_space<vmem>> -> memref<1x4096xi32, #tpu.memory_space<vmem>>
      %dma_start3A_69 = tpu.memref_squeeze %dma_start3A_68 : memref<1x4096xi32, #tpu.memory_space<vmem>> -> memref<4096xi32, #tpu.memory_space<vmem>>
      %dma_start3A_70 = tpu.memref_slice %arg4[%mul3A_53] : memref<327680xi32, #tpu.memory_space<hbm>> -> memref<4096xi32, #tpu.memory_space<hbm>>
      tpu.enqueue_dma source(%dma_start3A_70 : memref<4096xi32, #tpu.memory_space<hbm>>) target(%dma_start3A_69 : memref<4096xi32, #tpu.memory_space<vmem>>) target_semaphore(%arg16 : memref<!tpu.dma_semaphore, #tpu.memory_space<semaphore_mem>>)
      %dma_start3A_71 = arith.constant 0 : i32
      %dma_start3A_72 = arith.constant 0 : i32
      %dma_start3A_73 = tpu.memref_slice %arg13[%dma_start3A_71, %dma_start3A_72] : memref<2x4096xf32, #tpu.memory_space<vmem>> -> memref<1x4096xf32, #tpu.memory_space<vmem>>
      %dma_start3A_74 = tpu.memref_squeeze %dma_start3A_73 : memref<1x4096xf32, #tpu.memory_space<vmem>> -> memref<4096xf32, #tpu.memory_space<vmem>>
      %dma_start3A_75 = tpu.memref_slice %arg5[%mul3A_53] : memref<327680xf32, #tpu.memory_space<hbm>> -> memref<4096xf32, #tpu.memory_space<hbm>>
      %dma_start3A_76 = arith.constant 0 : i32
      %dma_start3A_77 = tpu.memref_slice %arg13[%dma_start3A_71, %dma_start3A_76] : memref<2x4096xf32, #tpu.memory_space<vmem>> -> memref<1x4096xf32, #tpu.memory_space<vmem>>
      %dma_start3A_78 = tpu.memref_squeeze %dma_start3A_77 : memref<1x4096xf32, #tpu.memory_space<vmem>> -> memref<4096xf32, #tpu.memory_space<vmem>>
      %dma_start3A_79 = tpu.memref_slice %arg5[%mul3A_53] : memref<327680xf32, #tpu.memory_space<hbm>> -> memref<4096xf32, #tpu.memory_space<hbm>>
      tpu.enqueue_dma source(%dma_start3A_79 : memref<4096xf32, #tpu.memory_space<hbm>>) target(%dma_start3A_78 : memref<4096xf32, #tpu.memory_space<vmem>>) target_semaphore(%arg18 : memref<!tpu.dma_semaphore, #tpu.memory_space<semaphore_mem>>)
      %scan3A_80 = arith.constant 0 : i32
      %scan3A_81 = arith.constant 0 : i32
      %scan3A_82 = arith.constant 40 : i32
      %scan3A_83 = arith.addi %scan3A_81, %scan3A_82 : i32
      %scan3A_84 = arith.constant 1 : i32
      scf.for %scan3A_130 = %scan3A_81 to %scan3A_83 step %scan3A_84  : i32 {
        %mul3A_131 = arith.constant 2 : i32
        %mul3A_132 = arith.muli %mul3A_131, %scan3A_130 : i32
        %add3A_133 = arith.constant 1 : i32
        %add3A_134 = arith.addi %mul3A_132, %add3A_133 : i32
        %add3A_135 = arith.addi %mul3A_35, %add3A_134 : i32
        %mul3A_136 = arith.constant 4096 : i32
        %mul3A_137 = arith.muli %add3A_135, %mul3A_136 : i32
        %dma_start3A_138 = arith.constant 1 : i32
        %dma_start3A_139 = arith.constant 0 : i32
        %dma_start3A_140 = tpu.memref_slice %arg11[%dma_start3A_138, %dma_start3A_139] : memref<2x4096xi32, #tpu.memory_space<vmem>> -> memref<1x4096xi32, #tpu.memory_space<vmem>>
        %dma_start3A_141 = tpu.memref_squeeze %dma_start3A_140 : memref<1x4096xi32, #tpu.memory_space<vmem>> -> memref<4096xi32, #tpu.memory_space<vmem>>
        %dma_start3A_142 = tpu.memref_slice %arg3[%mul3A_137] : memref<327680xi32, #tpu.memory_space<hbm>> -> memref<4096xi32, #tpu.memory_space<hbm>>
        %dma_start3A_143 = arith.constant 0 : i32
        %dma_start3A_144 = tpu.memref_slice %arg11[%dma_start3A_138, %dma_start3A_143] : memref<2x4096xi32, #tpu.memory_space<vmem>> -> memref<1x4096xi32, #tpu.memory_space<vmem>>
        %dma_start3A_145 = tpu.memref_squeeze %dma_start3A_144 : memref<1x4096xi32, #tpu.memory_space<vmem>> -> memref<4096xi32, #tpu.memory_space<vmem>>
        %dma_start3A_146 = tpu.memref_slice %arg3[%mul3A_137] : memref<327680xi32, #tpu.memory_space<hbm>> -> memref<4096xi32, #tpu.memory_space<hbm>>
        tpu.enqueue_dma source(%dma_start3A_146 : memref<4096xi32, #tpu.memory_space<hbm>>) target(%dma_start3A_145 : memref<4096xi32, #tpu.memory_space<vmem>>) target_semaphore(%arg15 : memref<!tpu.dma_semaphore, #tpu.memory_space<semaphore_mem>>)
        %dma_start3A_147 = arith.constant 1 : i32
        %dma_start3A_148 = arith.constant 0 : i32
        %dma_start3A_149 = tpu.memref_slice %arg12[%dma_start3A_147, %dma_start3A_148] : memref<2x4096xi32, #tpu.memory_space<vmem>> -> memref<1x4096xi32, #tpu.memory_space<vmem>>
        %dma_start3A_150 = tpu.memref_squeeze %dma_start3A_149 : memref<1x4096xi32, #tpu.memory_space<vmem>> -> memref<4096xi32, #tpu.memory_space<vmem>>
        %dma_start3A_151 = tpu.memref_slice %arg4[%mul3A_137] : memref<327680xi32, #tpu.memory_space<hbm>> -> memref<4096xi32, #tpu.memory_space<hbm>>
        %dma_start3A_152 = arith.constant 0 : i32
        %dma_start3A_153 = tpu.memref_slice %arg12[%dma_start3A_147, %dma_start3A_152] : memref<2x4096xi32, #tpu.memory_space<vmem>> -> memref<1x4096xi32, #tpu.memory_space<vmem>>
        %dma_start3A_154 = tpu.memref_squeeze %dma_start3A_153 : memref<1x4096xi32, #tpu.memory_space<vmem>> -> memref<4096xi32, #tpu.memory_space<vmem>>
        %dma_start3A_155 = tpu.memref_slice %arg4[%mul3A_137] : memref<327680xi32, #tpu.memory_space<hbm>> -> memref<4096xi32, #tpu.memory_space<hbm>>
        tpu.enqueue_dma source(%dma_start3A_155 : memref<4096xi32, #tpu.memory_space<hbm>>) target(%dma_start3A_154 : memref<4096xi32, #tpu.memory_space<vmem>>) target_semaphore(%arg17 : memref<!tpu.dma_semaphore, #tpu.memory_space<semaphore_mem>>)
        %dma_start3A_156 = arith.constant 1 : i32
        %dma_start3A_157 = arith.constant 0 : i32
        %dma_start3A_158 = tpu.memref_slice %arg13[%dma_start3A_156, %dma_start3A_157] : memref<2x4096xf32, #tpu.memory_space<vmem>> -> memref<1x4096xf32, #tpu.memory_space<vmem>>
        %dma_start3A_159 = tpu.memref_squeeze %dma_start3A_158 : memref<1x4096xf32, #tpu.memory_space<vmem>> -> memref<4096xf32, #tpu.memory_space<vmem>>
        %dma_start3A_160 = tpu.memref_slice %arg5[%mul3A_137] : memref<327680xf32, #tpu.memory_space<hbm>> -> memref<4096xf32, #tpu.memory_space<hbm>>
        %dma_start3A_161 = arith.constant 0 : i32
        %dma_start3A_162 = tpu.memref_slice %arg13[%dma_start3A_156, %dma_start3A_161] : memref<2x4096xf32, #tpu.memory_space<vmem>> -> memref<1x4096xf32, #tpu.memory_space<vmem>>
        %dma_start3A_163 = tpu.memref_squeeze %dma_start3A_162 : memref<1x4096xf32, #tpu.memory_space<vmem>> -> memref<4096xf32, #tpu.memory_space<vmem>>
        %dma_start3A_164 = tpu.memref_slice %arg5[%mul3A_137] : memref<327680xf32, #tpu.memory_space<hbm>> -> memref<4096xf32, #tpu.memory_space<hbm>>
        tpu.enqueue_dma source(%dma_start3A_164 : memref<4096xf32, #tpu.memory_space<hbm>>) target(%dma_start3A_163 : memref<4096xf32, #tpu.memory_space<vmem>>) target_semaphore(%arg19 : memref<!tpu.dma_semaphore, #tpu.memory_space<semaphore_mem>>)
        %add3A_165 = arith.addi %mul3A_35, %mul3A_132 : i32
        %mul3A_166 = arith.constant 4096 : i32
        %mul3A_167 = arith.muli %add3A_165, %mul3A_166 : i32
        %dma_wait3A_168 = arith.constant 0 : i32
        %dma_wait3A_169 = arith.constant 0 : i32
        %dma_wait3A_170 = tpu.memref_slice %arg11[%dma_wait3A_168, %dma_wait3A_169] : memref<2x4096xi32, #tpu.memory_space<vmem>> -> memref<1x4096xi32, #tpu.memory_space<vmem>>
        %dma_wait3A_171 = tpu.memref_squeeze %dma_wait3A_170 : memref<1x4096xi32, #tpu.memory_space<vmem>> -> memref<4096xi32, #tpu.memory_space<vmem>>
        %dma_wait3A_172 = tpu.memref_slice %arg3[%mul3A_167] : memref<327680xi32, #tpu.memory_space<hbm>> -> memref<4096xi32, #tpu.memory_space<hbm>>
        %dma_wait3A_173 = arith.constant 0 : i32
        %dma_wait3A_174 = tpu.memref_slice %arg11[%dma_wait3A_168, %dma_wait3A_173] : memref<2x4096xi32, #tpu.memory_space<vmem>> -> memref<1x4096xi32, #tpu.memory_space<vmem>>
        %dma_wait3A_175 = tpu.memref_squeeze %dma_wait3A_174 : memref<1x4096xi32, #tpu.memory_space<vmem>> -> memref<4096xi32, #tpu.memory_space<vmem>>
        %dma_wait3A_176 = tpu.memref_slice %arg3[%mul3A_167] : memref<327680xi32, #tpu.memory_space<hbm>> -> memref<4096xi32, #tpu.memory_space<hbm>>
        tpu.wait_dma2 semaphore(%arg14 : memref<!tpu.dma_semaphore, #tpu.memory_space<semaphore_mem>>) src(%dma_wait3A_176 : memref<4096xi32, #tpu.memory_space<hbm>>) dst(%dma_wait3A_175 : memref<4096xi32, #tpu.memory_space<vmem>>)
        %dma_wait3A_177 = arith.constant 0 : i32
        %dma_wait3A_178 = arith.constant 0 : i32
        %dma_wait3A_179 = tpu.memref_slice %arg12[%dma_wait3A_177, %dma_wait3A_178] : memref<2x4096xi32, #tpu.memory_space<vmem>> -> memref<1x4096xi32, #tpu.memory_space<vmem>>
        %dma_wait3A_180 = tpu.memref_squeeze %dma_wait3A_179 : memref<1x4096xi32, #tpu.memory_space<vmem>> -> memref<4096xi32, #tpu.memory_space<vmem>>
        %dma_wait3A_181 = tpu.memref_slice %arg4[%mul3A_167] : memref<327680xi32, #tpu.memory_space<hbm>> -> memref<4096xi32, #tpu.memory_space<hbm>>
        %dma_wait3A_182 = arith.constant 0 : i32
        %dma_wait3A_183 = tpu.memref_slice %arg12[%dma_wait3A_177, %dma_wait3A_182] : memref<2x4096xi32, #tpu.memory_space<vmem>> -> memref<1x4096xi32, #tpu.memory_space<vmem>>
        %dma_wait3A_184 = tpu.memref_squeeze %dma_wait3A_183 : memref<1x4096xi32, #tpu.memory_space<vmem>> -> memref<4096xi32, #tpu.memory_space<vmem>>
        %dma_wait3A_185 = tpu.memref_slice %arg4[%mul3A_167] : memref<327680xi32, #tpu.memory_space<hbm>> -> memref<4096xi32, #tpu.memory_space<hbm>>
        tpu.wait_dma2 semaphore(%arg16 : memref<!tpu.dma_semaphore, #tpu.memory_space<semaphore_mem>>) src(%dma_wait3A_185 : memref<4096xi32, #tpu.memory_space<hbm>>) dst(%dma_wait3A_184 : memref<4096xi32, #tpu.memory_space<vmem>>)
        %dma_wait3A_186 = arith.constant 0 : i32
        %dma_wait3A_187 = arith.constant 0 : i32
        %dma_wait3A_188 = tpu.memref_slice %arg13[%dma_wait3A_186, %dma_wait3A_187] : memref<2x4096xf32, #tpu.memory_space<vmem>> -> memref<1x4096xf32, #tpu.memory_space<vmem>>
        %dma_wait3A_189 = tpu.memref_squeeze %dma_wait3A_188 : memref<1x4096xf32, #tpu.memory_space<vmem>> -> memref<4096xf32, #tpu.memory_space<vmem>>
        %dma_wait3A_190 = tpu.memref_slice %arg5[%mul3A_167] : memref<327680xf32, #tpu.memory_space<hbm>> -> memref<4096xf32, #tpu.memory_space<hbm>>
        %dma_wait3A_191 = arith.constant 0 : i32
        %dma_wait3A_192 = tpu.memref_slice %arg13[%dma_wait3A_186, %dma_wait3A_191] : memref<2x4096xf32, #tpu.memory_space<vmem>> -> memref<1x4096xf32, #tpu.memory_space<vmem>>
        %dma_wait3A_193 = tpu.memref_squeeze %dma_wait3A_192 : memref<1x4096xf32, #tpu.memory_space<vmem>> -> memref<4096xf32, #tpu.memory_space<vmem>>
        %dma_wait3A_194 = tpu.memref_slice %arg5[%mul3A_167] : memref<327680xf32, #tpu.memory_space<hbm>> -> memref<4096xf32, #tpu.memory_space<hbm>>
        tpu.wait_dma2 semaphore(%arg18 : memref<!tpu.dma_semaphore, #tpu.memory_space<semaphore_mem>>) src(%dma_wait3A_194 : memref<4096xf32, #tpu.memory_space<hbm>>) dst(%dma_wait3A_193 : memref<4096xf32, #tpu.memory_space<vmem>>)
        %scan3A_195 = arith.constant 0 : i32
        %scan3A_196 = arith.constant 0 : i32
        %scan3A_197 = arith.constant 64 : i32
        %scan3A_198 = arith.addi %scan3A_196, %scan3A_197 : i32
        %scan3A_199 = arith.constant 1 : i32
        scf.for %scan3A_270 = %scan3A_196 to %scan3A_198 step %scan3A_199  : i32 {
          %mul3A_271 = arith.constant 4 : i32
          %mul3A_272 = arith.muli %scan3A_270, %mul3A_271 : i32
          %add3A_273 = arith.constant 0 : i32
          %add3A_274 = arith.addi %mul3A_272, %add3A_273 : i32
          %mul3A_275 = arith.constant 16 : i32
          %mul3A_276 = arith.muli %add3A_274, %mul3A_275 : i32
          %get3A = arith.constant 0 : i32
          %get3A_277 = arith.index_cast %get3A : i32 to index
          %get3A_278 = arith.index_cast %mul3A_276 : i32 to index
          %get3A_279 = tpu.vector_load %arg11[%get3A_277, %get3A_278] {strides = array<i32>} : memref<2x4096xi32, #tpu.memory_space<vmem>>, vector<16xi32>,
          %get3A_280 = arith.constant 0 : i32
          %get3A_281 = arith.index_cast %get3A_280 : i32 to index
          %get3A_282 = arith.index_cast %mul3A_276 : i32 to index
          %get3A_283 = tpu.vector_load %arg12[%get3A_281, %get3A_282] {strides = array<i32>} : memref<2x4096xi32, #tpu.memory_space<vmem>>, vector<16xi32>,
          %get3A_284 = arith.constant 0 : i32
          %get3A_285 = arith.index_cast %get3A_284 : i32 to index
          %get3A_286 = arith.index_cast %mul3A_276 : i32 to index
          %get3A_287 = tpu.vector_load %arg13[%get3A_285, %get3A_286] {strides = array<i32>} : memref<2x4096xf32, #tpu.memory_space<vmem>>, vector<16xf32>,
          %mul3A_288 = arith.constant 4 : i32
          %mul3A_289 = arith.muli %scan3A_270, %mul3A_288 : i32
          %add3A_290 = arith.constant 1 : i32
          %add3A_291 = arith.addi %mul3A_289, %add3A_290 : i32
          %mul3A_292 = arith.constant 16 : i32
          %mul3A_293 = arith.muli %add3A_291, %mul3A_292 : i32
          %get3A_294 = arith.constant 0 : i32
          %get3A_295 = arith.index_cast %get3A_294 : i32 to index
          %get3A_296 = arith.index_cast %mul3A_293 : i32 to index
          %get3A_297 = tpu.vector_load %arg11[%get3A_295, %get3A_296] {strides = array<i32>} : memref<2x4096xi32, #tpu.memory_space<vmem>>, vector<16xi32>,
          %get3A_298 = arith.constant 0 : i32
          %get3A_299 = arith.index_cast %get3A_298 : i32 to index
          %get3A_300 = arith.index_cast %mul3A_293 : i32 to index
          %get3A_301 = tpu.vector_load %arg12[%get3A_299, %get3A_300] {strides = array<i32>} : memref<2x4096xi32, #tpu.memory_space<vmem>>, vector<16xi32>,
          %get3A_302 = arith.constant 0 : i32
          %get3A_303 = arith.index_cast %get3A_302 : i32 to index
          %get3A_304 = arith.index_cast %mul3A_293 : i32 to index
          %get3A_305 = tpu.vector_load %arg13[%get3A_303, %get3A_304] {strides = array<i32>} : memref<2x4096xf32, #tpu.memory_space<vmem>>, vector<16xf32>,
          %mul3A_306 = arith.constant 4 : i32
          %mul3A_307 = arith.muli %scan3A_270, %mul3A_306 : i32
          %add3A_308 = arith.constant 2 : i32
          %add3A_309 = arith.addi %mul3A_307, %add3A_308 : i32
          %mul3A_310 = arith.constant 16 : i32
          %mul3A_311 = arith.muli %add3A_309, %mul3A_310 : i32
          %get3A_312 = arith.constant 0 : i32
          %get3A_313 = arith.index_cast %get3A_312 : i32 to index
          %get3A_314 = arith.index_cast %mul3A_311 : i32 to index
          %get3A_315 = tpu.vector_load %arg11[%get3A_313, %get3A_314] {strides = array<i32>} : memref<2x4096xi32, #tpu.memory_space<vmem>>, vector<16xi32>,
          %get3A_316 = arith.constant 0 : i32
          %get3A_317 = arith.index_cast %get3A_316 : i32 to index
          %get3A_318 = arith.index_cast %mul3A_311 : i32 to index
          %get3A_319 = tpu.vector_load %arg12[%get3A_317, %get3A_318] {strides = array<i32>} : memref<2x4096xi32, #tpu.memory_space<vmem>>, vector<16xi32>,
          %get3A_320 = arith.constant 0 : i32
          %get3A_321 = arith.index_cast %get3A_320 : i32 to index
          %get3A_322 = arith.index_cast %mul3A_311 : i32 to index
          %get3A_323 = tpu.vector_load %arg13[%get3A_321, %get3A_322] {strides = array<i32>} : memref<2x4096xf32, #tpu.memory_space<vmem>>, vector<16xf32>,
          %mul3A_324 = arith.constant 4 : i32
          %mul3A_325 = arith.muli %scan3A_270, %mul3A_324 : i32
          %add3A_326 = arith.constant 3 : i32
          %add3A_327 = arith.addi %mul3A_325, %add3A_326 : i32
          %mul3A_328 = arith.constant 16 : i32
          %mul3A_329 = arith.muli %add3A_327, %mul3A_328 : i32
          %get3A_330 = arith.constant 0 : i32
          %get3A_331 = arith.index_cast %get3A_330 : i32 to index
          %get3A_332 = arith.index_cast %mul3A_329 : i32 to index
          %get3A_333 = tpu.vector_load %arg11[%get3A_331, %get3A_332] {strides = array<i32>} : memref<2x4096xi32, #tpu.memory_space<vmem>>, vector<16xi32>,
          %get3A_334 = arith.constant 0 : i32
          %get3A_335 = arith.index_cast %get3A_334 : i32 to index
          %get3A_336 = arith.index_cast %mul3A_329 : i32 to index
          %get3A_337 = tpu.vector_load %arg12[%get3A_335, %get3A_336] {strides = array<i32>} : memref<2x4096xi32, #tpu.memory_space<vmem>>, vector<16xi32>,
          %get3A_338 = arith.constant 0 : i32
          %get3A_339 = arith.index_cast %get3A_338 : i32 to index
          %get3A_340 = arith.index_cast %mul3A_329 : i32 to index
          %get3A_341 = tpu.vector_load %arg13[%get3A_339, %get3A_340] {strides = array<i32>} : memref<2x4096xf32, #tpu.memory_space<vmem>>, vector<16xf32>,
          %gather3A = tpu.vector_load_idx %arg7[%get3A_279] : memref<10000xf32, #tpu.memory_space<vmem>>[vector<16xi32>], vector<16xf32>,
          %gather3A_342 = tpu.vector_load_idx %arg7[%get3A_297] : memref<10000xf32, #tpu.memory_space<vmem>>[vector<16xi32>], vector<16xf32>,
          %gather3A_343 = tpu.vector_load_idx %arg7[%get3A_315] : memref<10000xf32, #tpu.memory_space<vmem>>[vector<16xi32>], vector<16xf32>,
          %gather3A_344 = tpu.vector_load_idx %arg7[%get3A_333] : memref<10000xf32, #tpu.memory_space<vmem>>[vector<16xi32>], vector<16xf32>,
          %mul3A_345 = arith.mulf %gather3A, %get3A_287 : vector<16xf32>
          tpu.vector_store_idx %arg9[%get3A_283], %mul3A_345 {add = true} : memref<10000xf32, #tpu.memory_space<vmem>>[vector<16xi32>], vector<16xf32>,
          %mul3A_346 = arith.mulf %gather3A_342, %get3A_305 : vector<16xf32>
          tpu.vector_store_idx %arg9[%get3A_301], %mul3A_346 {add = true} : memref<10000xf32, #tpu.memory_space<vmem>>[vector<16xi32>], vector<16xf32>,
          %mul3A_347 = arith.mulf %gather3A_343, %get3A_323 : vector<16xf32>
          tpu.vector_store_idx %arg9[%get3A_319], %mul3A_347 {add = true} : memref<10000xf32, #tpu.memory_space<vmem>>[vector<16xi32>], vector<16xf32>,
          %mul3A_348 = arith.mulf %gather3A_344, %get3A_341 : vector<16xf32>
          tpu.vector_store_idx %arg9[%get3A_337], %mul3A_348 {add = true} : memref<10000xf32, #tpu.memory_space<vmem>>[vector<16xi32>], vector<16xf32>,
          %gather3A_349 = tpu.vector_load_idx %arg8[%get3A_279] : memref<10000xf32, #tpu.memory_space<vmem>>[vector<16xi32>], vector<16xf32>,
          %gather3A_350 = tpu.vector_load_idx %arg8[%get3A_297] : memref<10000xf32, #tpu.memory_space<vmem>>[vector<16xi32>], vector<16xf32>,
          %gather3A_351 = tpu.vector_load_idx %arg8[%get3A_315] : memref<10000xf32, #tpu.memory_space<vmem>>[vector<16xi32>], vector<16xf32>,
          %gather3A_352 = tpu.vector_load_idx %arg8[%get3A_333] : memref<10000xf32, #tpu.memory_space<vmem>>[vector<16xi32>], vector<16xf32>,
          %mul3A_353 = arith.mulf %gather3A_349, %get3A_287 : vector<16xf32>
          tpu.vector_store_idx %arg10[%get3A_283], %mul3A_353 {add = true} : memref<10000xf32, #tpu.memory_space<vmem>>[vector<16xi32>], vector<16xf32>,
          %mul3A_354 = arith.mulf %gather3A_350, %get3A_305 : vector<16xf32>
          tpu.vector_store_idx %arg10[%get3A_301], %mul3A_354 {add = true} : memref<10000xf32, #tpu.memory_space<vmem>>[vector<16xi32>], vector<16xf32>,
          %mul3A_355 = arith.mulf %gather3A_351, %get3A_323 : vector<16xf32>
          tpu.vector_store_idx %arg10[%get3A_319], %mul3A_355 {add = true} : memref<10000xf32, #tpu.memory_space<vmem>>[vector<16xi32>], vector<16xf32>,
          %mul3A_356 = arith.mulf %gather3A_352, %get3A_341 : vector<16xf32>
          tpu.vector_store_idx %arg10[%get3A_337], %mul3A_356 {add = true} : memref<10000xf32, #tpu.memory_space<vmem>>[vector<16xi32>], vector<16xf32>,
        }
        %scan3A_200 = arith.constant 64 : i32
        %add3A_201 = arith.constant 2 : i32
        %add3A_202 = arith.addi %mul3A_132, %add3A_201 : i32
        %min3A = arith.constant 79 : i32
        %min3A_203 = arith.minsi %add3A_202, %min3A : i32
        %add3A_204 = arith.addi %mul3A_35, %min3A_203 : i32
        %mul3A_205 = arith.constant 4096 : i32
        %mul3A_206 = arith.muli %add3A_204, %mul3A_205 : i32
        %dma_start3A_207 = arith.constant 0 : i32
        %dma_start3A_208 = arith.constant 0 : i32
        %dma_start3A_209 = tpu.memref_slice %arg11[%dma_start3A_207, %dma_start3A_208] : memref<2x4096xi32, #tpu.memory_space<vmem>> -> memref<1x4096xi32, #tpu.memory_space<vmem>>
        %dma_start3A_210 = tpu.memref_squeeze %dma_start3A_209 : memref<1x4096xi32, #tpu.memory_space<vmem>> -> memref<4096xi32, #tpu.memory_space<vmem>>
        %dma_start3A_211 = tpu.memref_slice %arg3[%mul3A_206] : memref<327680xi32, #tpu.memory_space<hbm>> -> memref<4096xi32, #tpu.memory_space<hbm>>
        %dma_start3A_212 = arith.constant 0 : i32
        %dma_start3A_213 = tpu.memref_slice %arg11[%dma_start3A_207, %dma_start3A_212] : memref<2x4096xi32, #tpu.memory_space<vmem>> -> memref<1x4096xi32, #tpu.memory_space<vmem>>
        %dma_start3A_214 = tpu.memref_squeeze %dma_start3A_213 : memref<1x4096xi32, #tpu.memory_space<vmem>> -> memref<4096xi32, #tpu.memory_space<vmem>>
        %dma_start3A_215 = tpu.memref_slice %arg3[%mul3A_206] : memref<327680xi32, #tpu.memory_space<hbm>> -> memref<4096xi32, #tpu.memory_space<hbm>>
        tpu.enqueue_dma source(%dma_start3A_215 : memref<4096xi32, #tpu.memory_space<hbm>>) target(%dma_start3A_214 : memref<4096xi32, #tpu.memory_space<vmem>>) target_semaphore(%arg14 : memref<!tpu.dma_semaphore, #tpu.memory_space<semaphore_mem>>)
        %dma_start3A_216 = arith.constant 0 : i32
        %dma_start3A_217 = arith.constant 0 : i32
        %dma_start3A_218 = tpu.memref_slice %arg12[%dma_start3A_216, %dma_start3A_217] : memref<2x4096xi32, #tpu.memory_space<vmem>> -> memref<1x4096xi32, #tpu.memory_space<vmem>>
        %dma_start3A_219 = tpu.memref_squeeze %dma_start3A_218 : memref<1x4096xi32, #tpu.memory_space<vmem>> -> memref<4096xi32, #tpu.memory_space<vmem>>
        %dma_start3A_220 = tpu.memref_slice %arg4[%mul3A_206] : memref<327680xi32, #tpu.memory_space<hbm>> -> memref<4096xi32, #tpu.memory_space<hbm>>
        %dma_start3A_221 = arith.constant 0 : i32
        %dma_start3A_222 = tpu.memref_slice %arg12[%dma_start3A_216, %dma_start3A_221] : memref<2x4096xi32, #tpu.memory_space<vmem>> -> memref<1x4096xi32, #tpu.memory_space<vmem>>
        %dma_start3A_223 = tpu.memref_squeeze %dma_start3A_222 : memref<1x4096xi32, #tpu.memory_space<vmem>> -> memref<4096xi32, #tpu.memory_space<vmem>>
        %dma_start3A_224 = tpu.memref_slice %arg4[%mul3A_206] : memref<327680xi32, #tpu.memory_space<hbm>> -> memref<4096xi32, #tpu.memory_space<hbm>>
        tpu.enqueue_dma source(%dma_start3A_224 : memref<4096xi32, #tpu.memory_space<hbm>>) target(%dma_start3A_223 : memref<4096xi32, #tpu.memory_space<vmem>>) target_semaphore(%arg16 : memref<!tpu.dma_semaphore, #tpu.memory_space<semaphore_mem>>)
        %dma_start3A_225 = arith.constant 0 : i32
        %dma_start3A_226 = arith.constant 0 : i32
        %dma_start3A_227 = tpu.memref_slice %arg13[%dma_start3A_225, %dma_start3A_226] : memref<2x4096xf32, #tpu.memory_space<vmem>> -> memref<1x4096xf32, #tpu.memory_space<vmem>>
        %dma_start3A_228 = tpu.memref_squeeze %dma_start3A_227 : memref<1x4096xf32, #tpu.memory_space<vmem>> -> memref<4096xf32, #tpu.memory_space<vmem>>
        %dma_start3A_229 = tpu.memref_slice %arg5[%mul3A_206] : memref<327680xf32, #tpu.memory_space<hbm>> -> memref<4096xf32, #tpu.memory_space<hbm>>
        %dma_start3A_230 = arith.constant 0 : i32
        %dma_start3A_231 = tpu.memref_slice %arg13[%dma_start3A_225, %dma_start3A_230] : memref<2x4096xf32, #tpu.memory_space<vmem>> -> memref<1x4096xf32, #tpu.memory_space<vmem>>
        %dma_start3A_232 = tpu.memref_squeeze %dma_start3A_231 : memref<1x4096xf32, #tpu.memory_space<vmem>> -> memref<4096xf32, #tpu.memory_space<vmem>>
        %dma_start3A_233 = tpu.memref_slice %arg5[%mul3A_206] : memref<327680xf32, #tpu.memory_space<hbm>> -> memref<4096xf32, #tpu.memory_space<hbm>>
        tpu.enqueue_dma source(%dma_start3A_233 : memref<4096xf32, #tpu.memory_space<hbm>>) target(%dma_start3A_232 : memref<4096xf32, #tpu.memory_space<vmem>>) target_semaphore(%arg18 : memref<!tpu.dma_semaphore, #tpu.memory_space<semaphore_mem>>)
        %add3A_234 = arith.addi %mul3A_35, %add3A_134 : i32
        %mul3A_235 = arith.constant 4096 : i32
        %mul3A_236 = arith.muli %add3A_234, %mul3A_235 : i32
        %dma_wait3A_237 = arith.constant 1 : i32
        %dma_wait3A_238 = arith.constant 0 : i32
        %dma_wait3A_239 = tpu.memref_slice %arg11[%dma_wait3A_237, %dma_wait3A_238] : memref<2x4096xi32, #tpu.memory_space<vmem>> -> memref<1x4096xi32, #tpu.memory_space<vmem>>
        %dma_wait3A_240 = tpu.memref_squeeze %dma_wait3A_239 : memref<1x4096xi32, #tpu.memory_space<vmem>> -> memref<4096xi32, #tpu.memory_space<vmem>>
        %dma_wait3A_241 = tpu.memref_slice %arg3[%mul3A_236] : memref<327680xi32, #tpu.memory_space<hbm>> -> memref<4096xi32, #tpu.memory_space<hbm>>
        %dma_wait3A_242 = arith.constant 0 : i32
        %dma_wait3A_243 = tpu.memref_slice %arg11[%dma_wait3A_237, %dma_wait3A_242] : memref<2x4096xi32, #tpu.memory_space<vmem>> -> memref<1x4096xi32, #tpu.memory_space<vmem>>
        %dma_wait3A_244 = tpu.memref_squeeze %dma_wait3A_243 : memref<1x4096xi32, #tpu.memory_space<vmem>> -> memref<4096xi32, #tpu.memory_space<vmem>>
        %dma_wait3A_245 = tpu.memref_slice %arg3[%mul3A_236] : memref<327680xi32, #tpu.memory_space<hbm>> -> memref<4096xi32, #tpu.memory_space<hbm>>
        tpu.wait_dma2 semaphore(%arg15 : memref<!tpu.dma_semaphore, #tpu.memory_space<semaphore_mem>>) src(%dma_wait3A_245 : memref<4096xi32, #tpu.memory_space<hbm>>) dst(%dma_wait3A_244 : memref<4096xi32, #tpu.memory_space<vmem>>)
        %dma_wait3A_246 = arith.constant 1 : i32
        %dma_wait3A_247 = arith.constant 0 : i32
        %dma_wait3A_248 = tpu.memref_slice %arg12[%dma_wait3A_246, %dma_wait3A_247] : memref<2x4096xi32, #tpu.memory_space<vmem>> -> memref<1x4096xi32, #tpu.memory_space<vmem>>
        %dma_wait3A_249 = tpu.memref_squeeze %dma_wait3A_248 : memref<1x4096xi32, #tpu.memory_space<vmem>> -> memref<4096xi32, #tpu.memory_space<vmem>>
        %dma_wait3A_250 = tpu.memref_slice %arg4[%mul3A_236] : memref<327680xi32, #tpu.memory_space<hbm>> -> memref<4096xi32, #tpu.memory_space<hbm>>
        %dma_wait3A_251 = arith.constant 0 : i32
        %dma_wait3A_252 = tpu.memref_slice %arg12[%dma_wait3A_246, %dma_wait3A_251] : memref<2x4096xi32, #tpu.memory_space<vmem>> -> memref<1x4096xi32, #tpu.memory_space<vmem>>
        %dma_wait3A_253 = tpu.memref_squeeze %dma_wait3A_252 : memref<1x4096xi32, #tpu.memory_space<vmem>> -> memref<4096xi32, #tpu.memory_space<vmem>>
        %dma_wait3A_254 = tpu.memref_slice %arg4[%mul3A_236] : memref<327680xi32, #tpu.memory_space<hbm>> -> memref<4096xi32, #tpu.memory_space<hbm>>
        tpu.wait_dma2 semaphore(%arg17 : memref<!tpu.dma_semaphore, #tpu.memory_space<semaphore_mem>>) src(%dma_wait3A_254 : memref<4096xi32, #tpu.memory_space<hbm>>) dst(%dma_wait3A_253 : memref<4096xi32, #tpu.memory_space<vmem>>)
        %dma_wait3A_255 = arith.constant 1 : i32
        %dma_wait3A_256 = arith.constant 0 : i32
        %dma_wait3A_257 = tpu.memref_slice %arg13[%dma_wait3A_255, %dma_wait3A_256] : memref<2x4096xf32, #tpu.memory_space<vmem>> -> memref<1x4096xf32, #tpu.memory_space<vmem>>
        %dma_wait3A_258 = tpu.memref_squeeze %dma_wait3A_257 : memref<1x4096xf32, #tpu.memory_space<vmem>> -> memref<4096xf32, #tpu.memory_space<vmem>>
        %dma_wait3A_259 = tpu.memref_slice %arg5[%mul3A_236] : memref<327680xf32, #tpu.memory_space<hbm>> -> memref<4096xf32, #tpu.memory_space<hbm>>
        %dma_wait3A_260 = arith.constant 0 : i32
        %dma_wait3A_261 = tpu.memref_slice %arg13[%dma_wait3A_255, %dma_wait3A_260] : memref<2x4096xf32, #tpu.memory_space<vmem>> -> memref<1x4096xf32, #tpu.memory_space<vmem>>
        %dma_wait3A_262 = tpu.memref_squeeze %dma_wait3A_261 : memref<1x4096xf32, #tpu.memory_space<vmem>> -> memref<4096xf32, #tpu.memory_space<vmem>>
        %dma_wait3A_263 = tpu.memref_slice %arg5[%mul3A_236] : memref<327680xf32, #tpu.memory_space<hbm>> -> memref<4096xf32, #tpu.memory_space<hbm>>
        tpu.wait_dma2 semaphore(%arg19 : memref<!tpu.dma_semaphore, #tpu.memory_space<semaphore_mem>>) src(%dma_wait3A_263 : memref<4096xf32, #tpu.memory_space<hbm>>) dst(%dma_wait3A_262 : memref<4096xf32, #tpu.memory_space<vmem>>)
        %scan3A_264 = arith.constant 0 : i32
        %scan3A_265 = arith.constant 0 : i32
        %scan3A_266 = arith.constant 64 : i32
        %scan3A_267 = arith.addi %scan3A_265, %scan3A_266 : i32
        %scan3A_268 = arith.constant 1 : i32
        scf.for %scan3A_270 = %scan3A_265 to %scan3A_267 step %scan3A_268  : i32 {
          %mul3A_271 = arith.constant 4 : i32
          %mul3A_272 = arith.muli %scan3A_270, %mul3A_271 : i32
          %add3A_273 = arith.constant 0 : i32
          %add3A_274 = arith.addi %mul3A_272, %add3A_273 : i32
          %mul3A_275 = arith.constant 16 : i32
          %mul3A_276 = arith.muli %add3A_274, %mul3A_275 : i32
          %get3A = arith.constant 1 : i32
          %get3A_277 = arith.index_cast %get3A : i32 to index
          %get3A_278 = arith.index_cast %mul3A_276 : i32 to index
          %get3A_279 = tpu.vector_load %arg11[%get3A_277, %get3A_278] {strides = array<i32>} : memref<2x4096xi32, #tpu.memory_space<vmem>>, vector<16xi32>,
          %get3A_280 = arith.constant 1 : i32
          %get3A_281 = arith.index_cast %get3A_280 : i32 to index
          %get3A_282 = arith.index_cast %mul3A_276 : i32 to index
          %get3A_283 = tpu.vector_load %arg12[%get3A_281, %get3A_282] {strides = array<i32>} : memref<2x4096xi32, #tpu.memory_space<vmem>>, vector<16xi32>,
          %get3A_284 = arith.constant 1 : i32
          %get3A_285 = arith.index_cast %get3A_284 : i32 to index
          %get3A_286 = arith.index_cast %mul3A_276 : i32 to index
          %get3A_287 = tpu.vector_load %arg13[%get3A_285, %get3A_286] {strides = array<i32>} : memref<2x4096xf32, #tpu.memory_space<vmem>>, vector<16xf32>,
          %mul3A_288 = arith.constant 4 : i32
          %mul3A_289 = arith.muli %scan3A_270, %mul3A_288 : i32
          %add3A_290 = arith.constant 1 : i32
          %add3A_291 = arith.addi %mul3A_289, %add3A_290 : i32
          %mul3A_292 = arith.constant 16 : i32
          %mul3A_293 = arith.muli %add3A_291, %mul3A_292 : i32
          %get3A_294 = arith.constant 1 : i32
          %get3A_295 = arith.index_cast %get3A_294 : i32 to index
          %get3A_296 = arith.index_cast %mul3A_293 : i32 to index
          %get3A_297 = tpu.vector_load %arg11[%get3A_295, %get3A_296] {strides = array<i32>} : memref<2x4096xi32, #tpu.memory_space<vmem>>, vector<16xi32>,
          %get3A_298 = arith.constant 1 : i32
          %get3A_299 = arith.index_cast %get3A_298 : i32 to index
          %get3A_300 = arith.index_cast %mul3A_293 : i32 to index
          %get3A_301 = tpu.vector_load %arg12[%get3A_299, %get3A_300] {strides = array<i32>} : memref<2x4096xi32, #tpu.memory_space<vmem>>, vector<16xi32>,
          %get3A_302 = arith.constant 1 : i32
          %get3A_303 = arith.index_cast %get3A_302 : i32 to index
          %get3A_304 = arith.index_cast %mul3A_293 : i32 to index
          %get3A_305 = tpu.vector_load %arg13[%get3A_303, %get3A_304] {strides = array<i32>} : memref<2x4096xf32, #tpu.memory_space<vmem>>, vector<16xf32>,
          %mul3A_306 = arith.constant 4 : i32
          %mul3A_307 = arith.muli %scan3A_270, %mul3A_306 : i32
          %add3A_308 = arith.constant 2 : i32
          %add3A_309 = arith.addi %mul3A_307, %add3A_308 : i32
          %mul3A_310 = arith.constant 16 : i32
          %mul3A_311 = arith.muli %add3A_309, %mul3A_310 : i32
          %get3A_312 = arith.constant 1 : i32
          %get3A_313 = arith.index_cast %get3A_312 : i32 to index
          %get3A_314 = arith.index_cast %mul3A_311 : i32 to index
          %get3A_315 = tpu.vector_load %arg11[%get3A_313, %get3A_314] {strides = array<i32>} : memref<2x4096xi32, #tpu.memory_space<vmem>>, vector<16xi32>,
          %get3A_316 = arith.constant 1 : i32
          %get3A_317 = arith.index_cast %get3A_316 : i32 to index
          %get3A_318 = arith.index_cast %mul3A_311 : i32 to index
          %get3A_319 = tpu.vector_load %arg12[%get3A_317, %get3A_318] {strides = array<i32>} : memref<2x4096xi32, #tpu.memory_space<vmem>>, vector<16xi32>,
          %get3A_320 = arith.constant 1 : i32
          %get3A_321 = arith.index_cast %get3A_320 : i32 to index
          %get3A_322 = arith.index_cast %mul3A_311 : i32 to index
          %get3A_323 = tpu.vector_load %arg13[%get3A_321, %get3A_322] {strides = array<i32>} : memref<2x4096xf32, #tpu.memory_space<vmem>>, vector<16xf32>,
          %mul3A_324 = arith.constant 4 : i32
          %mul3A_325 = arith.muli %scan3A_270, %mul3A_324 : i32
          %add3A_326 = arith.constant 3 : i32
          %add3A_327 = arith.addi %mul3A_325, %add3A_326 : i32
          %mul3A_328 = arith.constant 16 : i32
          %mul3A_329 = arith.muli %add3A_327, %mul3A_328 : i32
          %get3A_330 = arith.constant 1 : i32
          %get3A_331 = arith.index_cast %get3A_330 : i32 to index
          %get3A_332 = arith.index_cast %mul3A_329 : i32 to index
          %get3A_333 = tpu.vector_load %arg11[%get3A_331, %get3A_332] {strides = array<i32>} : memref<2x4096xi32, #tpu.memory_space<vmem>>, vector<16xi32>,
          %get3A_334 = arith.constant 1 : i32
          %get3A_335 = arith.index_cast %get3A_334 : i32 to index
          %get3A_336 = arith.index_cast %mul3A_329 : i32 to index
          %get3A_337 = tpu.vector_load %arg12[%get3A_335, %get3A_336] {strides = array<i32>} : memref<2x4096xi32, #tpu.memory_space<vmem>>, vector<16xi32>,
          %get3A_338 = arith.constant 1 : i32
          %get3A_339 = arith.index_cast %get3A_338 : i32 to index
          %get3A_340 = arith.index_cast %mul3A_329 : i32 to index
          %get3A_341 = tpu.vector_load %arg13[%get3A_339, %get3A_340] {strides = array<i32>} : memref<2x4096xf32, #tpu.memory_space<vmem>>, vector<16xf32>,
          %gather3A = tpu.vector_load_idx %arg7[%get3A_279] : memref<10000xf32, #tpu.memory_space<vmem>>[vector<16xi32>], vector<16xf32>,
          %gather3A_342 = tpu.vector_load_idx %arg7[%get3A_297] : memref<10000xf32, #tpu.memory_space<vmem>>[vector<16xi32>], vector<16xf32>,
          %gather3A_343 = tpu.vector_load_idx %arg7[%get3A_315] : memref<10000xf32, #tpu.memory_space<vmem>>[vector<16xi32>], vector<16xf32>,
          %gather3A_344 = tpu.vector_load_idx %arg7[%get3A_333] : memref<10000xf32, #tpu.memory_space<vmem>>[vector<16xi32>], vector<16xf32>,
          %mul3A_345 = arith.mulf %gather3A, %get3A_287 : vector<16xf32>
          tpu.vector_store_idx %arg9[%get3A_283], %mul3A_345 {add = true} : memref<10000xf32, #tpu.memory_space<vmem>>[vector<16xi32>], vector<16xf32>,
          %mul3A_346 = arith.mulf %gather3A_342, %get3A_305 : vector<16xf32>
          tpu.vector_store_idx %arg9[%get3A_301], %mul3A_346 {add = true} : memref<10000xf32, #tpu.memory_space<vmem>>[vector<16xi32>], vector<16xf32>,
          %mul3A_347 = arith.mulf %gather3A_343, %get3A_323 : vector<16xf32>
          tpu.vector_store_idx %arg9[%get3A_319], %mul3A_347 {add = true} : memref<10000xf32, #tpu.memory_space<vmem>>[vector<16xi32>], vector<16xf32>,
          %mul3A_348 = arith.mulf %gather3A_344, %get3A_341 : vector<16xf32>
          tpu.vector_store_idx %arg9[%get3A_337], %mul3A_348 {add = true} : memref<10000xf32, #tpu.memory_space<vmem>>[vector<16xi32>], vector<16xf32>,
          %gather3A_349 = tpu.vector_load_idx %arg8[%get3A_279] : memref<10000xf32, #tpu.memory_space<vmem>>[vector<16xi32>], vector<16xf32>,
          %gather3A_350 = tpu.vector_load_idx %arg8[%get3A_297] : memref<10000xf32, #tpu.memory_space<vmem>>[vector<16xi32>], vector<16xf32>,
          %gather3A_351 = tpu.vector_load_idx %arg8[%get3A_315] : memref<10000xf32, #tpu.memory_space<vmem>>[vector<16xi32>], vector<16xf32>,
          %gather3A_352 = tpu.vector_load_idx %arg8[%get3A_333] : memref<10000xf32, #tpu.memory_space<vmem>>[vector<16xi32>], vector<16xf32>,
          %mul3A_353 = arith.mulf %gather3A_349, %get3A_287 : vector<16xf32>
          tpu.vector_store_idx %arg10[%get3A_283], %mul3A_353 {add = true} : memref<10000xf32, #tpu.memory_space<vmem>>[vector<16xi32>], vector<16xf32>,
          %mul3A_354 = arith.mulf %gather3A_350, %get3A_305 : vector<16xf32>
          tpu.vector_store_idx %arg10[%get3A_301], %mul3A_354 {add = true} : memref<10000xf32, #tpu.memory_space<vmem>>[vector<16xi32>], vector<16xf32>,
          %mul3A_355 = arith.mulf %gather3A_351, %get3A_323 : vector<16xf32>
          tpu.vector_store_idx %arg10[%get3A_319], %mul3A_355 {add = true} : memref<10000xf32, #tpu.memory_space<vmem>>[vector<16xi32>], vector<16xf32>,
          %mul3A_356 = arith.mulf %gather3A_352, %get3A_341 : vector<16xf32>
          tpu.vector_store_idx %arg10[%get3A_337], %mul3A_356 {add = true} : memref<10000xf32, #tpu.memory_space<vmem>>[vector<16xi32>], vector<16xf32>,
        }
        %scan3A_269 = arith.constant 64 : i32
      }
      %scan3A_85 = arith.constant 40 : i32
      %add3A_86 = arith.constant 79 : i32
      %add3A_87 = arith.addi %mul3A_35, %add3A_86 : i32
      %mul3A_88 = arith.constant 4096 : i32
      %mul3A_89 = arith.muli %add3A_87, %mul3A_88 : i32
      %dma_wait3A = arith.constant 0 : i32
      %dma_wait3A_90 = arith.constant 0 : i32
      %dma_wait3A_91 = tpu.memref_slice %arg11[%dma_wait3A, %dma_wait3A_90] : memref<2x4096xi32, #tpu.memory_space<vmem>> -> memref<1x4096xi32, #tpu.memory_space<vmem>>
      %dma_wait3A_92 = tpu.memref_squeeze %dma_wait3A_91 : memref<1x4096xi32, #tpu.memory_space<vmem>> -> memref<4096xi32, #tpu.memory_space<vmem>>
      %dma_wait3A_93 = tpu.memref_slice %arg3[%mul3A_89] : memref<327680xi32, #tpu.memory_space<hbm>> -> memref<4096xi32, #tpu.memory_space<hbm>>
      %dma_wait3A_94 = arith.constant 0 : i32
      %dma_wait3A_95 = tpu.memref_slice %arg11[%dma_wait3A, %dma_wait3A_94] : memref<2x4096xi32, #tpu.memory_space<vmem>> -> memref<1x4096xi32, #tpu.memory_space<vmem>>
      %dma_wait3A_96 = tpu.memref_squeeze %dma_wait3A_95 : memref<1x4096xi32, #tpu.memory_space<vmem>> -> memref<4096xi32, #tpu.memory_space<vmem>>
      %dma_wait3A_97 = tpu.memref_slice %arg3[%mul3A_89] : memref<327680xi32, #tpu.memory_space<hbm>> -> memref<4096xi32, #tpu.memory_space<hbm>>
      tpu.wait_dma2 semaphore(%arg14 : memref<!tpu.dma_semaphore, #tpu.memory_space<semaphore_mem>>) src(%dma_wait3A_97 : memref<4096xi32, #tpu.memory_space<hbm>>) dst(%dma_wait3A_96 : memref<4096xi32, #tpu.memory_space<vmem>>)
      %dma_wait3A_98 = arith.constant 0 : i32
      %dma_wait3A_99 = arith.constant 0 : i32
      %dma_wait3A_100 = tpu.memref_slice %arg12[%dma_wait3A_98, %dma_wait3A_99] : memref<2x4096xi32, #tpu.memory_space<vmem>> -> memref<1x4096xi32, #tpu.memory_space<vmem>>
      %dma_wait3A_101 = tpu.memref_squeeze %dma_wait3A_100 : memref<1x4096xi32, #tpu.memory_space<vmem>> -> memref<4096xi32, #tpu.memory_space<vmem>>
      %dma_wait3A_102 = tpu.memref_slice %arg4[%mul3A_89] : memref<327680xi32, #tpu.memory_space<hbm>> -> memref<4096xi32, #tpu.memory_space<hbm>>
      %dma_wait3A_103 = arith.constant 0 : i32
      %dma_wait3A_104 = tpu.memref_slice %arg12[%dma_wait3A_98, %dma_wait3A_103] : memref<2x4096xi32, #tpu.memory_space<vmem>> -> memref<1x4096xi32, #tpu.memory_space<vmem>>
      %dma_wait3A_105 = tpu.memref_squeeze %dma_wait3A_104 : memref<1x4096xi32, #tpu.memory_space<vmem>> -> memref<4096xi32, #tpu.memory_space<vmem>>
      %dma_wait3A_106 = tpu.memref_slice %arg4[%mul3A_89] : memref<327680xi32, #tpu.memory_space<hbm>> -> memref<4096xi32, #tpu.memory_space<hbm>>
      tpu.wait_dma2 semaphore(%arg16 : memref<!tpu.dma_semaphore, #tpu.memory_space<semaphore_mem>>) src(%dma_wait3A_106 : memref<4096xi32, #tpu.memory_space<hbm>>) dst(%dma_wait3A_105 : memref<4096xi32, #tpu.memory_space<vmem>>)
      %dma_wait3A_107 = arith.constant 0 : i32
      %dma_wait3A_108 = arith.constant 0 : i32
      %dma_wait3A_109 = tpu.memref_slice %arg13[%dma_wait3A_107, %dma_wait3A_108] : memref<2x4096xf32, #tpu.memory_space<vmem>> -> memref<1x4096xf32, #tpu.memory_space<vmem>>
      %dma_wait3A_110 = tpu.memref_squeeze %dma_wait3A_109 : memref<1x4096xf32, #tpu.memory_space<vmem>> -> memref<4096xf32, #tpu.memory_space<vmem>>
      %dma_wait3A_111 = tpu.memref_slice %arg5[%mul3A_89] : memref<327680xf32, #tpu.memory_space<hbm>> -> memref<4096xf32, #tpu.memory_space<hbm>>
      %dma_wait3A_112 = arith.constant 0 : i32
      %dma_wait3A_113 = tpu.memref_slice %arg13[%dma_wait3A_107, %dma_wait3A_112] : memref<2x4096xf32, #tpu.memory_space<vmem>> -> memref<1x4096xf32, #tpu.memory_space<vmem>>
      %dma_wait3A_114 = tpu.memref_squeeze %dma_wait3A_113 : memref<1x4096xf32, #tpu.memory_space<vmem>> -> memref<4096xf32, #tpu.memory_space<vmem>>
      %dma_wait3A_115 = tpu.memref_slice %arg5[%mul3A_89] : memref<327680xf32, #tpu.memory_space<hbm>> -> memref<4096xf32, #tpu.memory_space<hbm>>
      tpu.wait_dma2 semaphore(%arg18 : memref<!tpu.dma_semaphore, #tpu.memory_space<semaphore_mem>>) src(%dma_wait3A_115 : memref<4096xf32, #tpu.memory_space<hbm>>) dst(%dma_wait3A_114 : memref<4096xf32, #tpu.memory_space<vmem>>)
      %mul3A_116 = arith.constant 64 : i32
      %mul3A_117 = arith.muli %select_n3A, %mul3A_116 : i32
      %mul3A_118 = arith.constant 2 : i32
      %mul3A_119 = arith.muli %select_n3A_33, %mul3A_118 : i32
      %add3A_120 = arith.addi %mul3A_117, %mul3A_119 : i32
      %add3A_121 = arith.constant 0 : i32
      %add3A_122 = arith.addi %add3A_120, %add3A_121 : i32
      "tpu.region"() ({
        %run_scoped3A = tpu.sem_alloc : memref<!tpu.dma_semaphore, #tpu.memory_space<semaphore_mem>>
        %dma_start3A_130 = arith.constant 0 : i32
        %dma_start3A_131 = tpu.memref_slice %arg6[%add3A_122, %dma_start3A_130] : memref<64x10000xf32, #tpu.memory_space<hbm>> -> memref<1x10000xf32, #tpu.memory_space<hbm>>
        %dma_start3A_132 = tpu.memref_squeeze %dma_start3A_131 : memref<1x10000xf32, #tpu.memory_space<hbm>> -> memref<10000xf32, #tpu.memory_space<hbm>>
        %dma_start3A_133 = arith.constant 0 : i32
        %dma_start3A_134 = tpu.memref_slice %arg6[%add3A_122, %dma_start3A_133] : memref<64x10000xf32, #tpu.memory_space<hbm>> -> memref<1x10000xf32, #tpu.memory_space<hbm>>
        %dma_start3A_135 = tpu.memref_squeeze %dma_start3A_134 : memref<1x10000xf32, #tpu.memory_space<hbm>> -> memref<10000xf32, #tpu.memory_space<hbm>>
        tpu.enqueue_dma source(%arg9 : memref<10000xf32, #tpu.memory_space<vmem>>) target(%dma_start3A_135 : memref<10000xf32, #tpu.memory_space<hbm>>) target_semaphore(%run_scoped3A : memref<!tpu.dma_semaphore, #tpu.memory_space<semaphore_mem>>)
        %dma_wait3A_136 = arith.constant 0 : i32
        %dma_wait3A_137 = tpu.memref_slice %arg6[%add3A_122, %dma_wait3A_136] : memref<64x10000xf32, #tpu.memory_space<hbm>> -> memref<1x10000xf32, #tpu.memory_space<hbm>>
        %dma_wait3A_138 = tpu.memref_squeeze %dma_wait3A_137 : memref<1x10000xf32, #tpu.memory_space<hbm>> -> memref<10000xf32, #tpu.memory_space<hbm>>
        %dma_wait3A_139 = arith.constant 0 : i32
        %dma_wait3A_140 = tpu.memref_slice %arg6[%add3A_122, %dma_wait3A_139] : memref<64x10000xf32, #tpu.memory_space<hbm>> -> memref<1x10000xf32, #tpu.memory_space<hbm>>
        %dma_wait3A_141 = tpu.memref_squeeze %dma_wait3A_140 : memref<1x10000xf32, #tpu.memory_space<hbm>> -> memref<10000xf32, #tpu.memory_space<hbm>>
        tpu.wait_dma2 semaphore(%run_scoped3A : memref<!tpu.dma_semaphore, #tpu.memory_space<semaphore_mem>>) src(%arg9 : memref<10000xf32, #tpu.memory_space<vmem>>) dst(%dma_wait3A_141 : memref<10000xf32, #tpu.memory_space<hbm>>)
        tpu.yield
      }) : () -> ()
      %mul3A_123 = arith.constant 64 : i32
      %mul3A_124 = arith.muli %select_n3A, %mul3A_123 : i32
      %mul3A_125 = arith.constant 2 : i32
      %mul3A_126 = arith.muli %select_n3A_33, %mul3A_125 : i32
      %add3A_127 = arith.addi %mul3A_124, %mul3A_126 : i32
      %add3A_128 = arith.constant 1 : i32
      %add3A_129 = arith.addi %add3A_127, %add3A_128 : i32
      "tpu.region"() ({
        %run_scoped3A = tpu.sem_alloc : memref<!tpu.dma_semaphore, #tpu.memory_space<semaphore_mem>>
        %dma_start3A_130 = arith.constant 0 : i32
        %dma_start3A_131 = tpu.memref_slice %arg6[%add3A_129, %dma_start3A_130] : memref<64x10000xf32, #tpu.memory_space<hbm>> -> memref<1x10000xf32, #tpu.memory_space<hbm>>
        %dma_start3A_132 = tpu.memref_squeeze %dma_start3A_131 : memref<1x10000xf32, #tpu.memory_space<hbm>> -> memref<10000xf32, #tpu.memory_space<hbm>>
        %dma_start3A_133 = arith.constant 0 : i32
        %dma_start3A_134 = tpu.memref_slice %arg6[%add3A_129, %dma_start3A_133] : memref<64x10000xf32, #tpu.memory_space<hbm>> -> memref<1x10000xf32, #tpu.memory_space<hbm>>
        %dma_start3A_135 = tpu.memref_squeeze %dma_start3A_134 : memref<1x10000xf32, #tpu.memory_space<hbm>> -> memref<10000xf32, #tpu.memory_space<hbm>>
        tpu.enqueue_dma source(%arg10 : memref<10000xf32, #tpu.memory_space<vmem>>) target(%dma_start3A_135 : memref<10000xf32, #tpu.memory_space<hbm>>) target_semaphore(%run_scoped3A : memref<!tpu.dma_semaphore, #tpu.memory_space<semaphore_mem>>)
        %dma_wait3A_136 = arith.constant 0 : i32
        %dma_wait3A_137 = tpu.memref_slice %arg6[%add3A_129, %dma_wait3A_136] : memref<64x10000xf32, #tpu.memory_space<hbm>> -> memref<1x10000xf32, #tpu.memory_space<hbm>>
        %dma_wait3A_138 = tpu.memref_squeeze %dma_wait3A_137 : memref<1x10000xf32, #tpu.memory_space<hbm>> -> memref<10000xf32, #tpu.memory_space<hbm>>
        %dma_wait3A_139 = arith.constant 0 : i32
        %dma_wait3A_140 = tpu.memref_slice %arg6[%add3A_129, %dma_wait3A_139] : memref<64x10000xf32, #tpu.memory_space<hbm>> -> memref<1x10000xf32, #tpu.memory_space<hbm>>
        %dma_wait3A_141 = tpu.memref_squeeze %dma_wait3A_140 : memref<1x10000xf32, #tpu.memory_space<hbm>> -> memref<10000xf32, #tpu.memory_space<hbm>>
        tpu.wait_dma2 semaphore(%run_scoped3A : memref<!tpu.dma_semaphore, #tpu.memory_space<semaphore_mem>>) src(%arg10 : memref<10000xf32, #tpu.memory_space<vmem>>) dst(%dma_wait3A_141 : memref<10000xf32, #tpu.memory_space<hbm>>)
        tpu.yield
      }) : () -> ()
    } else {
    }
    return
  }
}

#map = affine_map<(d0, d1) -> (0, 0)>
#map1 = affine_map<(d0, d1) -> (0)>
module attributes {stable_mosaic.version = 14 : i64} {
  func.func @spmm(%arg0: i32, %arg1: i32, %arg2: memref<16x10000xf32, #tpu.memory_space<hbm>>, %arg3: memref<327680xi32, #tpu.memory_space<hbm>>, %arg4: memref<327680xi32, #tpu.memory_space<hbm>>, %arg5: memref<327680xf32, #tpu.memory_space<hbm>>, %arg6: memref<32x10000xf32, #tpu.memory_space<hbm>>, %arg7: memref<10000xf32, #tpu.memory_space<vmem>>, %arg8: memref<10000xf32, #tpu.memory_space<vmem>>, %arg9: memref<10000xf32, #tpu.memory_space<vmem>>, %arg10: memref<10000xf32, #tpu.memory_space<vmem>>, %arg11: memref<2x4096xi32, #tpu.memory_space<vmem>>, %arg12: memref<2x4096xi32, #tpu.memory_space<vmem>>, %arg13: memref<2x4096xf32, #tpu.memory_space<vmem>>, %arg14: memref<!tpu.dma_semaphore, #tpu.memory_space<semaphore_mem>>, %arg15: memref<!tpu.dma_semaphore, #tpu.memory_space<semaphore_mem>>, %arg16: memref<!tpu.dma_semaphore, #tpu.memory_space<semaphore_mem>>, %arg17: memref<!tpu.dma_semaphore, #tpu.memory_space<semaphore_mem>>, %arg18: memref<!tpu.dma_semaphore, #tpu.memory_space<semaphore_mem>>, %arg19: memref<!tpu.dma_semaphore, #tpu.memory_space<semaphore_mem>>) attributes {dimension_semantics = [#tpu.dimension_semantics<core_parallel>, #tpu.dimension_semantics<subcore_parallel>], iteration_bounds = array<i64: 2, 16>, scalar_prefetch = 0 : i64, scratch_operands = 13 : i64, tpu.core_type = #tpu.core_type<sc_vector_subcore>, window_params = [{transform_indices = #map}, {transform_indices = #map1}, {transform_indices = #map1}, {transform_indices = #map1}, {transform_indices = #map}]} {
    %mul3A = arith.constant 2 : i32
    %mul3A_0 = arith.muli %arg1, %mul3A : i32
    %add3A = arith.addi %mul3A_0, %arg0 : i32
    %lt3A = arith.constant 32 : i32
    %lt3A_1 = arith.cmpi slt, %add3A, %lt3A : i32
    %convert_element_type3A = arith.extui %lt3A_1 : i1 to i32
    %cond3A = arith.constant 0 : i32
    %cond3A_2 = arith.cmpi ne, %convert_element_type3A, %cond3A : i32
    scf.if %cond3A_2 {
      %jit3A = arith.constant 16 : i32
      %div3A = arith.divsi %add3A, %jit3A : i32
      %sign3A = arith.constant 0 : i32
      %sign3A_3 = arith.cmpi sgt, %add3A, %sign3A : i32
      %sign3A_4 = arith.extui %sign3A_3 : i1 to i32
      %sign3A_5 = arith.constant 0 : i32
      %sign3A_6 = arith.cmpi slt, %add3A, %sign3A_5 : i32
      %sign3A_7 = arith.extui %sign3A_6 : i1 to i32
      %sign3A_8 = arith.subi %sign3A_4, %sign3A_7 : i32
      %sign3A_9 = arith.constant 0 : i32
      %sign3A_10 = arith.cmpi sgt, %jit3A, %sign3A_9 : i32
      %sign3A_11 = arith.extui %sign3A_10 : i1 to i32
      %sign3A_12 = arith.constant 0 : i32
      %sign3A_13 = arith.cmpi slt, %jit3A, %sign3A_12 : i32
      %sign3A_14 = arith.extui %sign3A_13 : i1 to i32
      %sign3A_15 = arith.subi %sign3A_11, %sign3A_14 : i32
      %ne3A = arith.cmpi ne, %sign3A_8, %sign3A_15 : i32
      %rem3A = arith.remsi %add3A, %jit3A : i32
      %ne3A_16 = arith.constant 0 : i32
      %ne3A_17 = arith.cmpi ne, %rem3A, %ne3A_16 : i32
      %and3A = arith.andi %ne3A, %ne3A_17 : i1
      %sub3A = arith.constant 1 : i32
      %sub3A_18 = arith.subi %div3A, %sub3A : i32
      %select_n3A = arith.select %and3A, %sub3A_18, %div3A : i32
      %jit3A_19 = arith.constant 16 : i32
      %eq3A = arith.constant 0 : i32
      %eq3A_20 = arith.cmpi eq, %jit3A_19, %eq3A : i32
      %jit3A_21 = arith.constant 1 : i32
      %select_n3A_22 = arith.select %eq3A_20, %jit3A_21, %jit3A_19 : i32
      %rem3A_23 = arith.remsi %add3A, %select_n3A_22 : i32
      %ne3A_24 = arith.constant 0 : i32
      %ne3A_25 = arith.cmpi ne, %rem3A_23, %ne3A_24 : i32
      %lt3A_26 = arith.constant 0 : i32
      %lt3A_27 = arith.cmpi slt, %rem3A_23, %lt3A_26 : i32
      %lt3A_28 = arith.constant 0 : i32
      %lt3A_29 = arith.cmpi slt, %select_n3A_22, %lt3A_28 : i32
      %ne3A_30 = arith.xori %lt3A_27, %lt3A_29 : i1
      %and3A_31 = arith.andi %ne3A_30, %ne3A_25 : i1
      %add3A_32 = arith.addi %rem3A_23, %select_n3A_22 : i32
      %select_n3A_33 = arith.select %and3A_31, %add3A_32, %rem3A_23 : i32
      %mul3A_34 = arith.constant 40 : i32
      %mul3A_35 = arith.muli %select_n3A, %mul3A_34 : i32
      %mul3A_36 = arith.constant 1 : i32
      %mul3A_37 = arith.muli %select_n3A_33, %mul3A_36 : i32
      %add3A_38 = arith.constant 0 : i32
      %add3A_39 = arith.addi %mul3A_37, %add3A_38 : i32
      "tpu.region"() ({
        %run_scoped3A = tpu.sem_alloc : memref<!tpu.dma_semaphore, #tpu.memory_space<semaphore_mem>>
        %dma_start3A_101 = arith.constant 0 : i32
        %dma_start3A_102 = tpu.memref_slice %arg2[%add3A_39, %dma_start3A_101] : memref<16x10000xf32, #tpu.memory_space<hbm>> -> memref<1x10000xf32, #tpu.memory_space<hbm>>
        %dma_start3A_103 = tpu.memref_squeeze %dma_start3A_102 : memref<1x10000xf32, #tpu.memory_space<hbm>> -> memref<10000xf32, #tpu.memory_space<hbm>>
        %dma_start3A_104 = arith.constant 0 : i32
        %dma_start3A_105 = tpu.memref_slice %arg2[%add3A_39, %dma_start3A_104] : memref<16x10000xf32, #tpu.memory_space<hbm>> -> memref<1x10000xf32, #tpu.memory_space<hbm>>
        %dma_start3A_106 = tpu.memref_squeeze %dma_start3A_105 : memref<1x10000xf32, #tpu.memory_space<hbm>> -> memref<10000xf32, #tpu.memory_space<hbm>>
        tpu.enqueue_dma source(%dma_start3A_106 : memref<10000xf32, #tpu.memory_space<hbm>>) target(%arg7 : memref<10000xf32, #tpu.memory_space<vmem>>) target_semaphore(%run_scoped3A : memref<!tpu.dma_semaphore, #tpu.memory_space<semaphore_mem>>)
        %dma_wait3A_107 = arith.constant 0 : i32
        %dma_wait3A_108 = tpu.memref_slice %arg2[%add3A_39, %dma_wait3A_107] : memref<16x10000xf32, #tpu.memory_space<hbm>> -> memref<1x10000xf32, #tpu.memory_space<hbm>>
        %dma_wait3A_109 = tpu.memref_squeeze %dma_wait3A_108 : memref<1x10000xf32, #tpu.memory_space<hbm>> -> memref<10000xf32, #tpu.memory_space<hbm>>
        %dma_wait3A_110 = arith.constant 0 : i32
        %dma_wait3A_111 = tpu.memref_slice %arg2[%add3A_39, %dma_wait3A_110] : memref<16x10000xf32, #tpu.memory_space<hbm>> -> memref<1x10000xf32, #tpu.memory_space<hbm>>
        %dma_wait3A_112 = tpu.memref_squeeze %dma_wait3A_111 : memref<1x10000xf32, #tpu.memory_space<hbm>> -> memref<10000xf32, #tpu.memory_space<hbm>>
        tpu.wait_dma2 semaphore(%run_scoped3A : memref<!tpu.dma_semaphore, #tpu.memory_space<semaphore_mem>>) src(%dma_wait3A_112 : memref<10000xf32, #tpu.memory_space<hbm>>) dst(%arg7 : memref<10000xf32, #tpu.memory_space<vmem>>)
        tpu.yield
      }) : () -> ()
      %broadcast_in_dim3A = arith.constant 0.000000e+00 : f32
      %broadcast_in_dim3A_40 = vector.broadcast %broadcast_in_dim3A : f32 to vector<16xf32>
      %scan3A = arith.constant 0 : i32
      %scan3A_41 = arith.constant 0 : i32
      %scan3A_42 = arith.constant 625 : i32
      %scan3A_43 = arith.addi %scan3A_41, %scan3A_42 : i32
      %scan3A_44 = arith.constant 1 : i32
      scf.for %scan3A_101 = %scan3A_41 to %scan3A_43 step %scan3A_44  : i32 {
        %mul3A_102 = arith.constant 16 : i32
        %mul3A_103 = arith.muli %scan3A_101, %mul3A_102 : i32
        %swap3A = arith.index_cast %mul3A_103 : i32 to index
        %swap3A_104 = tpu.vector_load %arg9[%swap3A] {strides = array<i32>} : memref<10000xf32, #tpu.memory_space<vmem>>, vector<16xf32>,
        tpu.vector_store %arg9[%swap3A], %broadcast_in_dim3A_40 {strides = array<i32>} : memref<10000xf32, #tpu.memory_space<vmem>>, vector<16xf32>,
      }
      %scan3A_45 = arith.constant 625 : i32
      %add3A_46 = arith.constant 0 : i32
      %add3A_47 = arith.addi %mul3A_35, %add3A_46 : i32
      %mul3A_48 = arith.constant 4096 : i32
      %mul3A_49 = arith.muli %add3A_47, %mul3A_48 : i32
      %dma_start3A = arith.constant 0 : i32
      %dma_start3A_50 = arith.constant 0 : i32
      %dma_start3A_51 = tpu.memref_slice %arg11[%dma_start3A, %dma_start3A_50] : memref<2x4096xi32, #tpu.memory_space<vmem>> -> memref<1x4096xi32, #tpu.memory_space<vmem>>
      %dma_start3A_52 = tpu.memref_squeeze %dma_start3A_51 : memref<1x4096xi32, #tpu.memory_space<vmem>> -> memref<4096xi32, #tpu.memory_space<vmem>>
      %dma_start3A_53 = tpu.memref_slice %arg3[%mul3A_49] : memref<327680xi32, #tpu.memory_space<hbm>> -> memref<4096xi32, #tpu.memory_space<hbm>>
      %dma_start3A_54 = arith.constant 0 : i32
      %dma_start3A_55 = tpu.memref_slice %arg11[%dma_start3A, %dma_start3A_54] : memref<2x4096xi32, #tpu.memory_space<vmem>> -> memref<1x4096xi32, #tpu.memory_space<vmem>>
      %dma_start3A_56 = tpu.memref_squeeze %dma_start3A_55 : memref<1x4096xi32, #tpu.memory_space<vmem>> -> memref<4096xi32, #tpu.memory_space<vmem>>
      %dma_start3A_57 = tpu.memref_slice %arg3[%mul3A_49] : memref<327680xi32, #tpu.memory_space<hbm>> -> memref<4096xi32, #tpu.memory_space<hbm>>
      tpu.enqueue_dma source(%dma_start3A_57 : memref<4096xi32, #tpu.memory_space<hbm>>) target(%dma_start3A_56 : memref<4096xi32, #tpu.memory_space<vmem>>) target_semaphore(%arg14 : memref<!tpu.dma_semaphore, #tpu.memory_space<semaphore_mem>>)
      %dma_start3A_58 = arith.constant 0 : i32
      %dma_start3A_59 = arith.constant 0 : i32
      %dma_start3A_60 = tpu.memref_slice %arg13[%dma_start3A_58, %dma_start3A_59] : memref<2x4096xf32, #tpu.memory_space<vmem>> -> memref<1x4096xf32, #tpu.memory_space<vmem>>
      %dma_start3A_61 = tpu.memref_squeeze %dma_start3A_60 : memref<1x4096xf32, #tpu.memory_space<vmem>> -> memref<4096xf32, #tpu.memory_space<vmem>>
      %dma_start3A_62 = tpu.memref_slice %arg5[%mul3A_49] : memref<327680xf32, #tpu.memory_space<hbm>> -> memref<4096xf32, #tpu.memory_space<hbm>>
      %dma_start3A_63 = arith.constant 0 : i32
      %dma_start3A_64 = tpu.memref_slice %arg13[%dma_start3A_58, %dma_start3A_63] : memref<2x4096xf32, #tpu.memory_space<vmem>> -> memref<1x4096xf32, #tpu.memory_space<vmem>>
      %dma_start3A_65 = tpu.memref_squeeze %dma_start3A_64 : memref<1x4096xf32, #tpu.memory_space<vmem>> -> memref<4096xf32, #tpu.memory_space<vmem>>
      %dma_start3A_66 = tpu.memref_slice %arg5[%mul3A_49] : memref<327680xf32, #tpu.memory_space<hbm>> -> memref<4096xf32, #tpu.memory_space<hbm>>
      tpu.enqueue_dma source(%dma_start3A_66 : memref<4096xf32, #tpu.memory_space<hbm>>) target(%dma_start3A_65 : memref<4096xf32, #tpu.memory_space<vmem>>) target_semaphore(%arg18 : memref<!tpu.dma_semaphore, #tpu.memory_space<semaphore_mem>>)
      %scan3A_67 = arith.constant 0 : i32
      %scan3A_68 = arith.constant 0 : i32
      %scan3A_69 = arith.constant 20 : i32
      %scan3A_70 = arith.addi %scan3A_68, %scan3A_69 : i32
      %scan3A_71 = arith.constant 1 : i32
      scf.for %scan3A_101 = %scan3A_68 to %scan3A_70 step %scan3A_71  : i32 {
        %mul3A_102 = arith.constant 2 : i32
        %mul3A_103 = arith.muli %mul3A_102, %scan3A_101 : i32
        %add3A_104 = arith.constant 1 : i32
        %add3A_105 = arith.addi %mul3A_103, %add3A_104 : i32
        %add3A_106 = arith.addi %mul3A_35, %add3A_105 : i32
        %mul3A_107 = arith.constant 4096 : i32
        %mul3A_108 = arith.muli %add3A_106, %mul3A_107 : i32
        %dma_start3A_109 = arith.constant 1 : i32
        %dma_start3A_110 = arith.constant 0 : i32
        %dma_start3A_111 = tpu.memref_slice %arg11[%dma_start3A_109, %dma_start3A_110] : memref<2x4096xi32, #tpu.memory_space<vmem>> -> memref<1x4096xi32, #tpu.memory_space<vmem>>
        %dma_start3A_112 = tpu.memref_squeeze %dma_start3A_111 : memref<1x4096xi32, #tpu.memory_space<vmem>> -> memref<4096xi32, #tpu.memory_space<vmem>>
        %dma_start3A_113 = tpu.memref_slice %arg3[%mul3A_108] : memref<327680xi32, #tpu.memory_space<hbm>> -> memref<4096xi32, #tpu.memory_space<hbm>>
        %dma_start3A_114 = arith.constant 0 : i32
        %dma_start3A_115 = tpu.memref_slice %arg11[%dma_start3A_109, %dma_start3A_114] : memref<2x4096xi32, #tpu.memory_space<vmem>> -> memref<1x4096xi32, #tpu.memory_space<vmem>>
        %dma_start3A_116 = tpu.memref_squeeze %dma_start3A_115 : memref<1x4096xi32, #tpu.memory_space<vmem>> -> memref<4096xi32, #tpu.memory_space<vmem>>
        %dma_start3A_117 = tpu.memref_slice %arg3[%mul3A_108] : memref<327680xi32, #tpu.memory_space<hbm>> -> memref<4096xi32, #tpu.memory_space<hbm>>
        tpu.enqueue_dma source(%dma_start3A_117 : memref<4096xi32, #tpu.memory_space<hbm>>) target(%dma_start3A_116 : memref<4096xi32, #tpu.memory_space<vmem>>) target_semaphore(%arg15 : memref<!tpu.dma_semaphore, #tpu.memory_space<semaphore_mem>>)
        %dma_start3A_118 = arith.constant 1 : i32
        %dma_start3A_119 = arith.constant 0 : i32
        %dma_start3A_120 = tpu.memref_slice %arg13[%dma_start3A_118, %dma_start3A_119] : memref<2x4096xf32, #tpu.memory_space<vmem>> -> memref<1x4096xf32, #tpu.memory_space<vmem>>
        %dma_start3A_121 = tpu.memref_squeeze %dma_start3A_120 : memref<1x4096xf32, #tpu.memory_space<vmem>> -> memref<4096xf32, #tpu.memory_space<vmem>>
        %dma_start3A_122 = tpu.memref_slice %arg5[%mul3A_108] : memref<327680xf32, #tpu.memory_space<hbm>> -> memref<4096xf32, #tpu.memory_space<hbm>>
        %dma_start3A_123 = arith.constant 0 : i32
        %dma_start3A_124 = tpu.memref_slice %arg13[%dma_start3A_118, %dma_start3A_123] : memref<2x4096xf32, #tpu.memory_space<vmem>> -> memref<1x4096xf32, #tpu.memory_space<vmem>>
        %dma_start3A_125 = tpu.memref_squeeze %dma_start3A_124 : memref<1x4096xf32, #tpu.memory_space<vmem>> -> memref<4096xf32, #tpu.memory_space<vmem>>
        %dma_start3A_126 = tpu.memref_slice %arg5[%mul3A_108] : memref<327680xf32, #tpu.memory_space<hbm>> -> memref<4096xf32, #tpu.memory_space<hbm>>
        tpu.enqueue_dma source(%dma_start3A_126 : memref<4096xf32, #tpu.memory_space<hbm>>) target(%dma_start3A_125 : memref<4096xf32, #tpu.memory_space<vmem>>) target_semaphore(%arg19 : memref<!tpu.dma_semaphore, #tpu.memory_space<semaphore_mem>>)
        %add3A_127 = arith.addi %mul3A_35, %mul3A_103 : i32
        %mul3A_128 = arith.constant 4096 : i32
        %mul3A_129 = arith.muli %add3A_127, %mul3A_128 : i32
        %dma_wait3A_130 = arith.constant 0 : i32
        %dma_wait3A_131 = arith.constant 0 : i32
        %dma_wait3A_132 = tpu.memref_slice %arg11[%dma_wait3A_130, %dma_wait3A_131] : memref<2x4096xi32, #tpu.memory_space<vmem>> -> memref<1x4096xi32, #tpu.memory_space<vmem>>
        %dma_wait3A_133 = tpu.memref_squeeze %dma_wait3A_132 : memref<1x4096xi32, #tpu.memory_space<vmem>> -> memref<4096xi32, #tpu.memory_space<vmem>>
        %dma_wait3A_134 = tpu.memref_slice %arg3[%mul3A_129] : memref<327680xi32, #tpu.memory_space<hbm>> -> memref<4096xi32, #tpu.memory_space<hbm>>
        %dma_wait3A_135 = arith.constant 0 : i32
        %dma_wait3A_136 = tpu.memref_slice %arg11[%dma_wait3A_130, %dma_wait3A_135] : memref<2x4096xi32, #tpu.memory_space<vmem>> -> memref<1x4096xi32, #tpu.memory_space<vmem>>
        %dma_wait3A_137 = tpu.memref_squeeze %dma_wait3A_136 : memref<1x4096xi32, #tpu.memory_space<vmem>> -> memref<4096xi32, #tpu.memory_space<vmem>>
        %dma_wait3A_138 = tpu.memref_slice %arg3[%mul3A_129] : memref<327680xi32, #tpu.memory_space<hbm>> -> memref<4096xi32, #tpu.memory_space<hbm>>
        tpu.wait_dma2 semaphore(%arg14 : memref<!tpu.dma_semaphore, #tpu.memory_space<semaphore_mem>>) src(%dma_wait3A_138 : memref<4096xi32, #tpu.memory_space<hbm>>) dst(%dma_wait3A_137 : memref<4096xi32, #tpu.memory_space<vmem>>)
        %dma_wait3A_139 = arith.constant 0 : i32
        %dma_wait3A_140 = arith.constant 0 : i32
        %dma_wait3A_141 = tpu.memref_slice %arg13[%dma_wait3A_139, %dma_wait3A_140] : memref<2x4096xf32, #tpu.memory_space<vmem>> -> memref<1x4096xf32, #tpu.memory_space<vmem>>
        %dma_wait3A_142 = tpu.memref_squeeze %dma_wait3A_141 : memref<1x4096xf32, #tpu.memory_space<vmem>> -> memref<4096xf32, #tpu.memory_space<vmem>>
        %dma_wait3A_143 = tpu.memref_slice %arg5[%mul3A_129] : memref<327680xf32, #tpu.memory_space<hbm>> -> memref<4096xf32, #tpu.memory_space<hbm>>
        %dma_wait3A_144 = arith.constant 0 : i32
        %dma_wait3A_145 = tpu.memref_slice %arg13[%dma_wait3A_139, %dma_wait3A_144] : memref<2x4096xf32, #tpu.memory_space<vmem>> -> memref<1x4096xf32, #tpu.memory_space<vmem>>
        %dma_wait3A_146 = tpu.memref_squeeze %dma_wait3A_145 : memref<1x4096xf32, #tpu.memory_space<vmem>> -> memref<4096xf32, #tpu.memory_space<vmem>>
        %dma_wait3A_147 = tpu.memref_slice %arg5[%mul3A_129] : memref<327680xf32, #tpu.memory_space<hbm>> -> memref<4096xf32, #tpu.memory_space<hbm>>
        tpu.wait_dma2 semaphore(%arg18 : memref<!tpu.dma_semaphore, #tpu.memory_space<semaphore_mem>>) src(%dma_wait3A_147 : memref<4096xf32, #tpu.memory_space<hbm>>) dst(%dma_wait3A_146 : memref<4096xf32, #tpu.memory_space<vmem>>)
        %scan3A_148 = arith.constant 0 : i32
        %scan3A_149 = arith.constant 0 : i32
        %scan3A_150 = arith.constant 32 : i32
        %scan3A_151 = arith.addi %scan3A_149, %scan3A_150 : i32
        %scan3A_152 = arith.constant 1 : i32
        scf.for %scan3A_205 = %scan3A_149 to %scan3A_151 step %scan3A_152  : i32 {
          %mul3A_206 = arith.constant 8 : i32
          %mul3A_207 = arith.muli %scan3A_205, %mul3A_206 : i32
          %add3A_208 = arith.constant 0 : i32
          %add3A_209 = arith.addi %mul3A_207, %add3A_208 : i32
          %mul3A_210 = arith.constant 16 : i32
          %mul3A_211 = arith.muli %add3A_209, %mul3A_210 : i32
          %get3A = arith.constant 0 : i32
          %get3A_212 = arith.index_cast %get3A : i32 to index
          %get3A_213 = arith.index_cast %mul3A_211 : i32 to index
          %get3A_214 = tpu.vector_load %arg11[%get3A_212, %get3A_213] {strides = array<i32>} : memref<2x4096xi32, #tpu.memory_space<vmem>>, vector<16xi32>,
          %and3A_215 = arith.constant 16383 : i32
          %and3A_216 = vector.broadcast %and3A_215 : i32 to vector<16xi32>
          %and3A_217 = arith.andi %get3A_214, %and3A_216 : vector<16xi32>
          %shift_right_logical3A = arith.constant 14 : i32
          %shift_right_logical3A_218 = vector.broadcast %shift_right_logical3A : i32 to vector<16xi32>
          %shift_right_logical3A_219 = arith.shrui %get3A_214, %shift_right_logical3A_218 : vector<16xi32>
          %get3A_220 = arith.constant 0 : i32
          %get3A_221 = arith.index_cast %get3A_220 : i32 to index
          %get3A_222 = arith.index_cast %mul3A_211 : i32 to index
          %get3A_223 = tpu.vector_load %arg13[%get3A_221, %get3A_222] {strides = array<i32>} : memref<2x4096xf32, #tpu.memory_space<vmem>>, vector<16xf32>,
          %mul3A_224 = arith.constant 8 : i32
          %mul3A_225 = arith.muli %scan3A_205, %mul3A_224 : i32
          %add3A_226 = arith.constant 1 : i32
          %add3A_227 = arith.addi %mul3A_225, %add3A_226 : i32
          %mul3A_228 = arith.constant 16 : i32
          %mul3A_229 = arith.muli %add3A_227, %mul3A_228 : i32
          %get3A_230 = arith.constant 0 : i32
          %get3A_231 = arith.index_cast %get3A_230 : i32 to index
          %get3A_232 = arith.index_cast %mul3A_229 : i32 to index
          %get3A_233 = tpu.vector_load %arg11[%get3A_231, %get3A_232] {strides = array<i32>} : memref<2x4096xi32, #tpu.memory_space<vmem>>, vector<16xi32>,
          %and3A_234 = arith.constant 16383 : i32
          %and3A_235 = vector.broadcast %and3A_234 : i32 to vector<16xi32>
          %and3A_236 = arith.andi %get3A_233, %and3A_235 : vector<16xi32>
          %shift_right_logical3A_237 = arith.constant 14 : i32
          %shift_right_logical3A_238 = vector.broadcast %shift_right_logical3A_237 : i32 to vector<16xi32>
          %shift_right_logical3A_239 = arith.shrui %get3A_233, %shift_right_logical3A_238 : vector<16xi32>
          %get3A_240 = arith.constant 0 : i32
          %get3A_241 = arith.index_cast %get3A_240 : i32 to index
          %get3A_242 = arith.index_cast %mul3A_229 : i32 to index
          %get3A_243 = tpu.vector_load %arg13[%get3A_241, %get3A_242] {strides = array<i32>} : memref<2x4096xf32, #tpu.memory_space<vmem>>, vector<16xf32>,
          %mul3A_244 = arith.constant 8 : i32
          %mul3A_245 = arith.muli %scan3A_205, %mul3A_244 : i32
          %add3A_246 = arith.constant 2 : i32
          %add3A_247 = arith.addi %mul3A_245, %add3A_246 : i32
          %mul3A_248 = arith.constant 16 : i32
          %mul3A_249 = arith.muli %add3A_247, %mul3A_248 : i32
          %get3A_250 = arith.constant 0 : i32
          %get3A_251 = arith.index_cast %get3A_250 : i32 to index
          %get3A_252 = arith.index_cast %mul3A_249 : i32 to index
          %get3A_253 = tpu.vector_load %arg11[%get3A_251, %get3A_252] {strides = array<i32>} : memref<2x4096xi32, #tpu.memory_space<vmem>>, vector<16xi32>,
          %and3A_254 = arith.constant 16383 : i32
          %and3A_255 = vector.broadcast %and3A_254 : i32 to vector<16xi32>
          %and3A_256 = arith.andi %get3A_253, %and3A_255 : vector<16xi32>
          %shift_right_logical3A_257 = arith.constant 14 : i32
          %shift_right_logical3A_258 = vector.broadcast %shift_right_logical3A_257 : i32 to vector<16xi32>
          %shift_right_logical3A_259 = arith.shrui %get3A_253, %shift_right_logical3A_258 : vector<16xi32>
          %get3A_260 = arith.constant 0 : i32
          %get3A_261 = arith.index_cast %get3A_260 : i32 to index
          %get3A_262 = arith.index_cast %mul3A_249 : i32 to index
          %get3A_263 = tpu.vector_load %arg13[%get3A_261, %get3A_262] {strides = array<i32>} : memref<2x4096xf32, #tpu.memory_space<vmem>>, vector<16xf32>,
          %mul3A_264 = arith.constant 8 : i32
          %mul3A_265 = arith.muli %scan3A_205, %mul3A_264 : i32
          %add3A_266 = arith.constant 3 : i32
          %add3A_267 = arith.addi %mul3A_265, %add3A_266 : i32
          %mul3A_268 = arith.constant 16 : i32
          %mul3A_269 = arith.muli %add3A_267, %mul3A_268 : i32
          %get3A_270 = arith.constant 0 : i32
          %get3A_271 = arith.index_cast %get3A_270 : i32 to index
          %get3A_272 = arith.index_cast %mul3A_269 : i32 to index
          %get3A_273 = tpu.vector_load %arg11[%get3A_271, %get3A_272] {strides = array<i32>} : memref<2x4096xi32, #tpu.memory_space<vmem>>, vector<16xi32>,
          %and3A_274 = arith.constant 16383 : i32
          %and3A_275 = vector.broadcast %and3A_274 : i32 to vector<16xi32>
          %and3A_276 = arith.andi %get3A_273, %and3A_275 : vector<16xi32>
          %shift_right_logical3A_277 = arith.constant 14 : i32
          %shift_right_logical3A_278 = vector.broadcast %shift_right_logical3A_277 : i32 to vector<16xi32>
          %shift_right_logical3A_279 = arith.shrui %get3A_273, %shift_right_logical3A_278 : vector<16xi32>
          %get3A_280 = arith.constant 0 : i32
          %get3A_281 = arith.index_cast %get3A_280 : i32 to index
          %get3A_282 = arith.index_cast %mul3A_269 : i32 to index
          %get3A_283 = tpu.vector_load %arg13[%get3A_281, %get3A_282] {strides = array<i32>} : memref<2x4096xf32, #tpu.memory_space<vmem>>, vector<16xf32>,
          %mul3A_284 = arith.constant 8 : i32
          %mul3A_285 = arith.muli %scan3A_205, %mul3A_284 : i32
          %add3A_286 = arith.constant 4 : i32
          %add3A_287 = arith.addi %mul3A_285, %add3A_286 : i32
          %mul3A_288 = arith.constant 16 : i32
          %mul3A_289 = arith.muli %add3A_287, %mul3A_288 : i32
          %get3A_290 = arith.constant 0 : i32
          %get3A_291 = arith.index_cast %get3A_290 : i32 to index
          %get3A_292 = arith.index_cast %mul3A_289 : i32 to index
          %get3A_293 = tpu.vector_load %arg11[%get3A_291, %get3A_292] {strides = array<i32>} : memref<2x4096xi32, #tpu.memory_space<vmem>>, vector<16xi32>,
          %and3A_294 = arith.constant 16383 : i32
          %and3A_295 = vector.broadcast %and3A_294 : i32 to vector<16xi32>
          %and3A_296 = arith.andi %get3A_293, %and3A_295 : vector<16xi32>
          %shift_right_logical3A_297 = arith.constant 14 : i32
          %shift_right_logical3A_298 = vector.broadcast %shift_right_logical3A_297 : i32 to vector<16xi32>
          %shift_right_logical3A_299 = arith.shrui %get3A_293, %shift_right_logical3A_298 : vector<16xi32>
          %get3A_300 = arith.constant 0 : i32
          %get3A_301 = arith.index_cast %get3A_300 : i32 to index
          %get3A_302 = arith.index_cast %mul3A_289 : i32 to index
          %get3A_303 = tpu.vector_load %arg13[%get3A_301, %get3A_302] {strides = array<i32>} : memref<2x4096xf32, #tpu.memory_space<vmem>>, vector<16xf32>,
          %mul3A_304 = arith.constant 8 : i32
          %mul3A_305 = arith.muli %scan3A_205, %mul3A_304 : i32
          %add3A_306 = arith.constant 5 : i32
          %add3A_307 = arith.addi %mul3A_305, %add3A_306 : i32
          %mul3A_308 = arith.constant 16 : i32
          %mul3A_309 = arith.muli %add3A_307, %mul3A_308 : i32
          %get3A_310 = arith.constant 0 : i32
          %get3A_311 = arith.index_cast %get3A_310 : i32 to index
          %get3A_312 = arith.index_cast %mul3A_309 : i32 to index
          %get3A_313 = tpu.vector_load %arg11[%get3A_311, %get3A_312] {strides = array<i32>} : memref<2x4096xi32, #tpu.memory_space<vmem>>, vector<16xi32>,
          %and3A_314 = arith.constant 16383 : i32
          %and3A_315 = vector.broadcast %and3A_314 : i32 to vector<16xi32>
          %and3A_316 = arith.andi %get3A_313, %and3A_315 : vector<16xi32>
          %shift_right_logical3A_317 = arith.constant 14 : i32
          %shift_right_logical3A_318 = vector.broadcast %shift_right_logical3A_317 : i32 to vector<16xi32>
          %shift_right_logical3A_319 = arith.shrui %get3A_313, %shift_right_logical3A_318 : vector<16xi32>
          %get3A_320 = arith.constant 0 : i32
          %get3A_321 = arith.index_cast %get3A_320 : i32 to index
          %get3A_322 = arith.index_cast %mul3A_309 : i32 to index
          %get3A_323 = tpu.vector_load %arg13[%get3A_321, %get3A_322] {strides = array<i32>} : memref<2x4096xf32, #tpu.memory_space<vmem>>, vector<16xf32>,
          %mul3A_324 = arith.constant 8 : i32
          %mul3A_325 = arith.muli %scan3A_205, %mul3A_324 : i32
          %add3A_326 = arith.constant 6 : i32
          %add3A_327 = arith.addi %mul3A_325, %add3A_326 : i32
          %mul3A_328 = arith.constant 16 : i32
          %mul3A_329 = arith.muli %add3A_327, %mul3A_328 : i32
          %get3A_330 = arith.constant 0 : i32
          %get3A_331 = arith.index_cast %get3A_330 : i32 to index
          %get3A_332 = arith.index_cast %mul3A_329 : i32 to index
          %get3A_333 = tpu.vector_load %arg11[%get3A_331, %get3A_332] {strides = array<i32>} : memref<2x4096xi32, #tpu.memory_space<vmem>>, vector<16xi32>,
          %and3A_334 = arith.constant 16383 : i32
          %and3A_335 = vector.broadcast %and3A_334 : i32 to vector<16xi32>
          %and3A_336 = arith.andi %get3A_333, %and3A_335 : vector<16xi32>
          %shift_right_logical3A_337 = arith.constant 14 : i32
          %shift_right_logical3A_338 = vector.broadcast %shift_right_logical3A_337 : i32 to vector<16xi32>
          %shift_right_logical3A_339 = arith.shrui %get3A_333, %shift_right_logical3A_338 : vector<16xi32>
          %get3A_340 = arith.constant 0 : i32
          %get3A_341 = arith.index_cast %get3A_340 : i32 to index
          %get3A_342 = arith.index_cast %mul3A_329 : i32 to index
          %get3A_343 = tpu.vector_load %arg13[%get3A_341, %get3A_342] {strides = array<i32>} : memref<2x4096xf32, #tpu.memory_space<vmem>>, vector<16xf32>,
          %mul3A_344 = arith.constant 8 : i32
          %mul3A_345 = arith.muli %scan3A_205, %mul3A_344 : i32
          %add3A_346 = arith.constant 7 : i32
          %add3A_347 = arith.addi %mul3A_345, %add3A_346 : i32
          %mul3A_348 = arith.constant 16 : i32
          %mul3A_349 = arith.muli %add3A_347, %mul3A_348 : i32
          %get3A_350 = arith.constant 0 : i32
          %get3A_351 = arith.index_cast %get3A_350 : i32 to index
          %get3A_352 = arith.index_cast %mul3A_349 : i32 to index
          %get3A_353 = tpu.vector_load %arg11[%get3A_351, %get3A_352] {strides = array<i32>} : memref<2x4096xi32, #tpu.memory_space<vmem>>, vector<16xi32>,
          %and3A_354 = arith.constant 16383 : i32
          %and3A_355 = vector.broadcast %and3A_354 : i32 to vector<16xi32>
          %and3A_356 = arith.andi %get3A_353, %and3A_355 : vector<16xi32>
          %shift_right_logical3A_357 = arith.constant 14 : i32
          %shift_right_logical3A_358 = vector.broadcast %shift_right_logical3A_357 : i32 to vector<16xi32>
          %shift_right_logical3A_359 = arith.shrui %get3A_353, %shift_right_logical3A_358 : vector<16xi32>
          %get3A_360 = arith.constant 0 : i32
          %get3A_361 = arith.index_cast %get3A_360 : i32 to index
          %get3A_362 = arith.index_cast %mul3A_349 : i32 to index
          %get3A_363 = tpu.vector_load %arg13[%get3A_361, %get3A_362] {strides = array<i32>} : memref<2x4096xf32, #tpu.memory_space<vmem>>, vector<16xf32>,
          %gather3A = tpu.vector_load_idx %arg7[%and3A_217] : memref<10000xf32, #tpu.memory_space<vmem>>[vector<16xi32>], vector<16xf32>,
          %gather3A_364 = tpu.vector_load_idx %arg7[%and3A_236] : memref<10000xf32, #tpu.memory_space<vmem>>[vector<16xi32>], vector<16xf32>,
          %gather3A_365 = tpu.vector_load_idx %arg7[%and3A_256] : memref<10000xf32, #tpu.memory_space<vmem>>[vector<16xi32>], vector<16xf32>,
          %gather3A_366 = tpu.vector_load_idx %arg7[%and3A_276] : memref<10000xf32, #tpu.memory_space<vmem>>[vector<16xi32>], vector<16xf32>,
          %gather3A_367 = tpu.vector_load_idx %arg7[%and3A_296] : memref<10000xf32, #tpu.memory_space<vmem>>[vector<16xi32>], vector<16xf32>,
          %gather3A_368 = tpu.vector_load_idx %arg7[%and3A_316] : memref<10000xf32, #tpu.memory_space<vmem>>[vector<16xi32>], vector<16xf32>,
          %gather3A_369 = tpu.vector_load_idx %arg7[%and3A_336] : memref<10000xf32, #tpu.memory_space<vmem>>[vector<16xi32>], vector<16xf32>,
          %gather3A_370 = tpu.vector_load_idx %arg7[%and3A_356] : memref<10000xf32, #tpu.memory_space<vmem>>[vector<16xi32>], vector<16xf32>,
          %mul3A_371 = arith.mulf %gather3A, %get3A_223 : vector<16xf32>
          tpu.vector_store_idx %arg9[%shift_right_logical3A_219], %mul3A_371 {add = true} : memref<10000xf32, #tpu.memory_space<vmem>>[vector<16xi32>], vector<16xf32>,
          %mul3A_372 = arith.mulf %gather3A_364, %get3A_243 : vector<16xf32>
          tpu.vector_store_idx %arg9[%shift_right_logical3A_239], %mul3A_372 {add = true} : memref<10000xf32, #tpu.memory_space<vmem>>[vector<16xi32>], vector<16xf32>,
          %mul3A_373 = arith.mulf %gather3A_365, %get3A_263 : vector<16xf32>
          tpu.vector_store_idx %arg9[%shift_right_logical3A_259], %mul3A_373 {add = true} : memref<10000xf32, #tpu.memory_space<vmem>>[vector<16xi32>], vector<16xf32>,
          %mul3A_374 = arith.mulf %gather3A_366, %get3A_283 : vector<16xf32>
          tpu.vector_store_idx %arg9[%shift_right_logical3A_279], %mul3A_374 {add = true} : memref<10000xf32, #tpu.memory_space<vmem>>[vector<16xi32>], vector<16xf32>,
          %mul3A_375 = arith.mulf %gather3A_367, %get3A_303 : vector<16xf32>
          tpu.vector_store_idx %arg9[%shift_right_logical3A_299], %mul3A_375 {add = true} : memref<10000xf32, #tpu.memory_space<vmem>>[vector<16xi32>], vector<16xf32>,
          %mul3A_376 = arith.mulf %gather3A_368, %get3A_323 : vector<16xf32>
          tpu.vector_store_idx %arg9[%shift_right_logical3A_319], %mul3A_376 {add = true} : memref<10000xf32, #tpu.memory_space<vmem>>[vector<16xi32>], vector<16xf32>,
          %mul3A_377 = arith.mulf %gather3A_369, %get3A_343 : vector<16xf32>
          tpu.vector_store_idx %arg9[%shift_right_logical3A_339], %mul3A_377 {add = true} : memref<10000xf32, #tpu.memory_space<vmem>>[vector<16xi32>], vector<16xf32>,
          %mul3A_378 = arith.mulf %gather3A_370, %get3A_363 : vector<16xf32>
          tpu.vector_store_idx %arg9[%shift_right_logical3A_359], %mul3A_378 {add = true} : memref<10000xf32, #tpu.memory_space<vmem>>[vector<16xi32>], vector<16xf32>,
        }
        %scan3A_153 = arith.constant 32 : i32
        %add3A_154 = arith.constant 2 : i32
        %add3A_155 = arith.addi %mul3A_103, %add3A_154 : i32
        %min3A = arith.constant 39 : i32
        %min3A_156 = arith.minsi %add3A_155, %min3A : i32
        %add3A_157 = arith.addi %mul3A_35, %min3A_156 : i32
        %mul3A_158 = arith.constant 4096 : i32
        %mul3A_159 = arith.muli %add3A_157, %mul3A_158 : i32
        %dma_start3A_160 = arith.constant 0 : i32
        %dma_start3A_161 = arith.constant 0 : i32
        %dma_start3A_162 = tpu.memref_slice %arg11[%dma_start3A_160, %dma_start3A_161] : memref<2x4096xi32, #tpu.memory_space<vmem>> -> memref<1x4096xi32, #tpu.memory_space<vmem>>
        %dma_start3A_163 = tpu.memref_squeeze %dma_start3A_162 : memref<1x4096xi32, #tpu.memory_space<vmem>> -> memref<4096xi32, #tpu.memory_space<vmem>>
        %dma_start3A_164 = tpu.memref_slice %arg3[%mul3A_159] : memref<327680xi32, #tpu.memory_space<hbm>> -> memref<4096xi32, #tpu.memory_space<hbm>>
        %dma_start3A_165 = arith.constant 0 : i32
        %dma_start3A_166 = tpu.memref_slice %arg11[%dma_start3A_160, %dma_start3A_165] : memref<2x4096xi32, #tpu.memory_space<vmem>> -> memref<1x4096xi32, #tpu.memory_space<vmem>>
        %dma_start3A_167 = tpu.memref_squeeze %dma_start3A_166 : memref<1x4096xi32, #tpu.memory_space<vmem>> -> memref<4096xi32, #tpu.memory_space<vmem>>
        %dma_start3A_168 = tpu.memref_slice %arg3[%mul3A_159] : memref<327680xi32, #tpu.memory_space<hbm>> -> memref<4096xi32, #tpu.memory_space<hbm>>
        tpu.enqueue_dma source(%dma_start3A_168 : memref<4096xi32, #tpu.memory_space<hbm>>) target(%dma_start3A_167 : memref<4096xi32, #tpu.memory_space<vmem>>) target_semaphore(%arg14 : memref<!tpu.dma_semaphore, #tpu.memory_space<semaphore_mem>>)
        %dma_start3A_169 = arith.constant 0 : i32
        %dma_start3A_170 = arith.constant 0 : i32
        %dma_start3A_171 = tpu.memref_slice %arg13[%dma_start3A_169, %dma_start3A_170] : memref<2x4096xf32, #tpu.memory_space<vmem>> -> memref<1x4096xf32, #tpu.memory_space<vmem>>
        %dma_start3A_172 = tpu.memref_squeeze %dma_start3A_171 : memref<1x4096xf32, #tpu.memory_space<vmem>> -> memref<4096xf32, #tpu.memory_space<vmem>>
        %dma_start3A_173 = tpu.memref_slice %arg5[%mul3A_159] : memref<327680xf32, #tpu.memory_space<hbm>> -> memref<4096xf32, #tpu.memory_space<hbm>>
        %dma_start3A_174 = arith.constant 0 : i32
        %dma_start3A_175 = tpu.memref_slice %arg13[%dma_start3A_169, %dma_start3A_174] : memref<2x4096xf32, #tpu.memory_space<vmem>> -> memref<1x4096xf32, #tpu.memory_space<vmem>>
        %dma_start3A_176 = tpu.memref_squeeze %dma_start3A_175 : memref<1x4096xf32, #tpu.memory_space<vmem>> -> memref<4096xf32, #tpu.memory_space<vmem>>
        %dma_start3A_177 = tpu.memref_slice %arg5[%mul3A_159] : memref<327680xf32, #tpu.memory_space<hbm>> -> memref<4096xf32, #tpu.memory_space<hbm>>
        tpu.enqueue_dma source(%dma_start3A_177 : memref<4096xf32, #tpu.memory_space<hbm>>) target(%dma_start3A_176 : memref<4096xf32, #tpu.memory_space<vmem>>) target_semaphore(%arg18 : memref<!tpu.dma_semaphore, #tpu.memory_space<semaphore_mem>>)
        %add3A_178 = arith.addi %mul3A_35, %add3A_105 : i32
        %mul3A_179 = arith.constant 4096 : i32
        %mul3A_180 = arith.muli %add3A_178, %mul3A_179 : i32
        %dma_wait3A_181 = arith.constant 1 : i32
        %dma_wait3A_182 = arith.constant 0 : i32
        %dma_wait3A_183 = tpu.memref_slice %arg11[%dma_wait3A_181, %dma_wait3A_182] : memref<2x4096xi32, #tpu.memory_space<vmem>> -> memref<1x4096xi32, #tpu.memory_space<vmem>>
        %dma_wait3A_184 = tpu.memref_squeeze %dma_wait3A_183 : memref<1x4096xi32, #tpu.memory_space<vmem>> -> memref<4096xi32, #tpu.memory_space<vmem>>
        %dma_wait3A_185 = tpu.memref_slice %arg3[%mul3A_180] : memref<327680xi32, #tpu.memory_space<hbm>> -> memref<4096xi32, #tpu.memory_space<hbm>>
        %dma_wait3A_186 = arith.constant 0 : i32
        %dma_wait3A_187 = tpu.memref_slice %arg11[%dma_wait3A_181, %dma_wait3A_186] : memref<2x4096xi32, #tpu.memory_space<vmem>> -> memref<1x4096xi32, #tpu.memory_space<vmem>>
        %dma_wait3A_188 = tpu.memref_squeeze %dma_wait3A_187 : memref<1x4096xi32, #tpu.memory_space<vmem>> -> memref<4096xi32, #tpu.memory_space<vmem>>
        %dma_wait3A_189 = tpu.memref_slice %arg3[%mul3A_180] : memref<327680xi32, #tpu.memory_space<hbm>> -> memref<4096xi32, #tpu.memory_space<hbm>>
        tpu.wait_dma2 semaphore(%arg15 : memref<!tpu.dma_semaphore, #tpu.memory_space<semaphore_mem>>) src(%dma_wait3A_189 : memref<4096xi32, #tpu.memory_space<hbm>>) dst(%dma_wait3A_188 : memref<4096xi32, #tpu.memory_space<vmem>>)
        %dma_wait3A_190 = arith.constant 1 : i32
        %dma_wait3A_191 = arith.constant 0 : i32
        %dma_wait3A_192 = tpu.memref_slice %arg13[%dma_wait3A_190, %dma_wait3A_191] : memref<2x4096xf32, #tpu.memory_space<vmem>> -> memref<1x4096xf32, #tpu.memory_space<vmem>>
        %dma_wait3A_193 = tpu.memref_squeeze %dma_wait3A_192 : memref<1x4096xf32, #tpu.memory_space<vmem>> -> memref<4096xf32, #tpu.memory_space<vmem>>
        %dma_wait3A_194 = tpu.memref_slice %arg5[%mul3A_180] : memref<327680xf32, #tpu.memory_space<hbm>> -> memref<4096xf32, #tpu.memory_space<hbm>>
        %dma_wait3A_195 = arith.constant 0 : i32
        %dma_wait3A_196 = tpu.memref_slice %arg13[%dma_wait3A_190, %dma_wait3A_195] : memref<2x4096xf32, #tpu.memory_space<vmem>> -> memref<1x4096xf32, #tpu.memory_space<vmem>>
        %dma_wait3A_197 = tpu.memref_squeeze %dma_wait3A_196 : memref<1x4096xf32, #tpu.memory_space<vmem>> -> memref<4096xf32, #tpu.memory_space<vmem>>
        %dma_wait3A_198 = tpu.memref_slice %arg5[%mul3A_180] : memref<327680xf32, #tpu.memory_space<hbm>> -> memref<4096xf32, #tpu.memory_space<hbm>>
        tpu.wait_dma2 semaphore(%arg19 : memref<!tpu.dma_semaphore, #tpu.memory_space<semaphore_mem>>) src(%dma_wait3A_198 : memref<4096xf32, #tpu.memory_space<hbm>>) dst(%dma_wait3A_197 : memref<4096xf32, #tpu.memory_space<vmem>>)
        %scan3A_199 = arith.constant 0 : i32
        %scan3A_200 = arith.constant 0 : i32
        %scan3A_201 = arith.constant 32 : i32
        %scan3A_202 = arith.addi %scan3A_200, %scan3A_201 : i32
        %scan3A_203 = arith.constant 1 : i32
        scf.for %scan3A_205 = %scan3A_200 to %scan3A_202 step %scan3A_203  : i32 {
          %mul3A_206 = arith.constant 8 : i32
          %mul3A_207 = arith.muli %scan3A_205, %mul3A_206 : i32
          %add3A_208 = arith.constant 0 : i32
          %add3A_209 = arith.addi %mul3A_207, %add3A_208 : i32
          %mul3A_210 = arith.constant 16 : i32
          %mul3A_211 = arith.muli %add3A_209, %mul3A_210 : i32
          %get3A = arith.constant 1 : i32
          %get3A_212 = arith.index_cast %get3A : i32 to index
          %get3A_213 = arith.index_cast %mul3A_211 : i32 to index
          %get3A_214 = tpu.vector_load %arg11[%get3A_212, %get3A_213] {strides = array<i32>} : memref<2x4096xi32, #tpu.memory_space<vmem>>, vector<16xi32>,
          %and3A_215 = arith.constant 16383 : i32
          %and3A_216 = vector.broadcast %and3A_215 : i32 to vector<16xi32>
          %and3A_217 = arith.andi %get3A_214, %and3A_216 : vector<16xi32>
          %shift_right_logical3A = arith.constant 14 : i32
          %shift_right_logical3A_218 = vector.broadcast %shift_right_logical3A : i32 to vector<16xi32>
          %shift_right_logical3A_219 = arith.shrui %get3A_214, %shift_right_logical3A_218 : vector<16xi32>
          %get3A_220 = arith.constant 1 : i32
          %get3A_221 = arith.index_cast %get3A_220 : i32 to index
          %get3A_222 = arith.index_cast %mul3A_211 : i32 to index
          %get3A_223 = tpu.vector_load %arg13[%get3A_221, %get3A_222] {strides = array<i32>} : memref<2x4096xf32, #tpu.memory_space<vmem>>, vector<16xf32>,
          %mul3A_224 = arith.constant 8 : i32
          %mul3A_225 = arith.muli %scan3A_205, %mul3A_224 : i32
          %add3A_226 = arith.constant 1 : i32
          %add3A_227 = arith.addi %mul3A_225, %add3A_226 : i32
          %mul3A_228 = arith.constant 16 : i32
          %mul3A_229 = arith.muli %add3A_227, %mul3A_228 : i32
          %get3A_230 = arith.constant 1 : i32
          %get3A_231 = arith.index_cast %get3A_230 : i32 to index
          %get3A_232 = arith.index_cast %mul3A_229 : i32 to index
          %get3A_233 = tpu.vector_load %arg11[%get3A_231, %get3A_232] {strides = array<i32>} : memref<2x4096xi32, #tpu.memory_space<vmem>>, vector<16xi32>,
          %and3A_234 = arith.constant 16383 : i32
          %and3A_235 = vector.broadcast %and3A_234 : i32 to vector<16xi32>
          %and3A_236 = arith.andi %get3A_233, %and3A_235 : vector<16xi32>
          %shift_right_logical3A_237 = arith.constant 14 : i32
          %shift_right_logical3A_238 = vector.broadcast %shift_right_logical3A_237 : i32 to vector<16xi32>
          %shift_right_logical3A_239 = arith.shrui %get3A_233, %shift_right_logical3A_238 : vector<16xi32>
          %get3A_240 = arith.constant 1 : i32
          %get3A_241 = arith.index_cast %get3A_240 : i32 to index
          %get3A_242 = arith.index_cast %mul3A_229 : i32 to index
          %get3A_243 = tpu.vector_load %arg13[%get3A_241, %get3A_242] {strides = array<i32>} : memref<2x4096xf32, #tpu.memory_space<vmem>>, vector<16xf32>,
          %mul3A_244 = arith.constant 8 : i32
          %mul3A_245 = arith.muli %scan3A_205, %mul3A_244 : i32
          %add3A_246 = arith.constant 2 : i32
          %add3A_247 = arith.addi %mul3A_245, %add3A_246 : i32
          %mul3A_248 = arith.constant 16 : i32
          %mul3A_249 = arith.muli %add3A_247, %mul3A_248 : i32
          %get3A_250 = arith.constant 1 : i32
          %get3A_251 = arith.index_cast %get3A_250 : i32 to index
          %get3A_252 = arith.index_cast %mul3A_249 : i32 to index
          %get3A_253 = tpu.vector_load %arg11[%get3A_251, %get3A_252] {strides = array<i32>} : memref<2x4096xi32, #tpu.memory_space<vmem>>, vector<16xi32>,
          %and3A_254 = arith.constant 16383 : i32
          %and3A_255 = vector.broadcast %and3A_254 : i32 to vector<16xi32>
          %and3A_256 = arith.andi %get3A_253, %and3A_255 : vector<16xi32>
          %shift_right_logical3A_257 = arith.constant 14 : i32
          %shift_right_logical3A_258 = vector.broadcast %shift_right_logical3A_257 : i32 to vector<16xi32>
          %shift_right_logical3A_259 = arith.shrui %get3A_253, %shift_right_logical3A_258 : vector<16xi32>
          %get3A_260 = arith.constant 1 : i32
          %get3A_261 = arith.index_cast %get3A_260 : i32 to index
          %get3A_262 = arith.index_cast %mul3A_249 : i32 to index
          %get3A_263 = tpu.vector_load %arg13[%get3A_261, %get3A_262] {strides = array<i32>} : memref<2x4096xf32, #tpu.memory_space<vmem>>, vector<16xf32>,
          %mul3A_264 = arith.constant 8 : i32
          %mul3A_265 = arith.muli %scan3A_205, %mul3A_264 : i32
          %add3A_266 = arith.constant 3 : i32
          %add3A_267 = arith.addi %mul3A_265, %add3A_266 : i32
          %mul3A_268 = arith.constant 16 : i32
          %mul3A_269 = arith.muli %add3A_267, %mul3A_268 : i32
          %get3A_270 = arith.constant 1 : i32
          %get3A_271 = arith.index_cast %get3A_270 : i32 to index
          %get3A_272 = arith.index_cast %mul3A_269 : i32 to index
          %get3A_273 = tpu.vector_load %arg11[%get3A_271, %get3A_272] {strides = array<i32>} : memref<2x4096xi32, #tpu.memory_space<vmem>>, vector<16xi32>,
          %and3A_274 = arith.constant 16383 : i32
          %and3A_275 = vector.broadcast %and3A_274 : i32 to vector<16xi32>
          %and3A_276 = arith.andi %get3A_273, %and3A_275 : vector<16xi32>
          %shift_right_logical3A_277 = arith.constant 14 : i32
          %shift_right_logical3A_278 = vector.broadcast %shift_right_logical3A_277 : i32 to vector<16xi32>
          %shift_right_logical3A_279 = arith.shrui %get3A_273, %shift_right_logical3A_278 : vector<16xi32>
          %get3A_280 = arith.constant 1 : i32
          %get3A_281 = arith.index_cast %get3A_280 : i32 to index
          %get3A_282 = arith.index_cast %mul3A_269 : i32 to index
          %get3A_283 = tpu.vector_load %arg13[%get3A_281, %get3A_282] {strides = array<i32>} : memref<2x4096xf32, #tpu.memory_space<vmem>>, vector<16xf32>,
          %mul3A_284 = arith.constant 8 : i32
          %mul3A_285 = arith.muli %scan3A_205, %mul3A_284 : i32
          %add3A_286 = arith.constant 4 : i32
          %add3A_287 = arith.addi %mul3A_285, %add3A_286 : i32
          %mul3A_288 = arith.constant 16 : i32
          %mul3A_289 = arith.muli %add3A_287, %mul3A_288 : i32
          %get3A_290 = arith.constant 1 : i32
          %get3A_291 = arith.index_cast %get3A_290 : i32 to index
          %get3A_292 = arith.index_cast %mul3A_289 : i32 to index
          %get3A_293 = tpu.vector_load %arg11[%get3A_291, %get3A_292] {strides = array<i32>} : memref<2x4096xi32, #tpu.memory_space<vmem>>, vector<16xi32>,
          %and3A_294 = arith.constant 16383 : i32
          %and3A_295 = vector.broadcast %and3A_294 : i32 to vector<16xi32>
          %and3A_296 = arith.andi %get3A_293, %and3A_295 : vector<16xi32>
          %shift_right_logical3A_297 = arith.constant 14 : i32
          %shift_right_logical3A_298 = vector.broadcast %shift_right_logical3A_297 : i32 to vector<16xi32>
          %shift_right_logical3A_299 = arith.shrui %get3A_293, %shift_right_logical3A_298 : vector<16xi32>
          %get3A_300 = arith.constant 1 : i32
          %get3A_301 = arith.index_cast %get3A_300 : i32 to index
          %get3A_302 = arith.index_cast %mul3A_289 : i32 to index
          %get3A_303 = tpu.vector_load %arg13[%get3A_301, %get3A_302] {strides = array<i32>} : memref<2x4096xf32, #tpu.memory_space<vmem>>, vector<16xf32>,
          %mul3A_304 = arith.constant 8 : i32
          %mul3A_305 = arith.muli %scan3A_205, %mul3A_304 : i32
          %add3A_306 = arith.constant 5 : i32
          %add3A_307 = arith.addi %mul3A_305, %add3A_306 : i32
          %mul3A_308 = arith.constant 16 : i32
          %mul3A_309 = arith.muli %add3A_307, %mul3A_308 : i32
          %get3A_310 = arith.constant 1 : i32
          %get3A_311 = arith.index_cast %get3A_310 : i32 to index
          %get3A_312 = arith.index_cast %mul3A_309 : i32 to index
          %get3A_313 = tpu.vector_load %arg11[%get3A_311, %get3A_312] {strides = array<i32>} : memref<2x4096xi32, #tpu.memory_space<vmem>>, vector<16xi32>,
          %and3A_314 = arith.constant 16383 : i32
          %and3A_315 = vector.broadcast %and3A_314 : i32 to vector<16xi32>
          %and3A_316 = arith.andi %get3A_313, %and3A_315 : vector<16xi32>
          %shift_right_logical3A_317 = arith.constant 14 : i32
          %shift_right_logical3A_318 = vector.broadcast %shift_right_logical3A_317 : i32 to vector<16xi32>
          %shift_right_logical3A_319 = arith.shrui %get3A_313, %shift_right_logical3A_318 : vector<16xi32>
          %get3A_320 = arith.constant 1 : i32
          %get3A_321 = arith.index_cast %get3A_320 : i32 to index
          %get3A_322 = arith.index_cast %mul3A_309 : i32 to index
          %get3A_323 = tpu.vector_load %arg13[%get3A_321, %get3A_322] {strides = array<i32>} : memref<2x4096xf32, #tpu.memory_space<vmem>>, vector<16xf32>,
          %mul3A_324 = arith.constant 8 : i32
          %mul3A_325 = arith.muli %scan3A_205, %mul3A_324 : i32
          %add3A_326 = arith.constant 6 : i32
          %add3A_327 = arith.addi %mul3A_325, %add3A_326 : i32
          %mul3A_328 = arith.constant 16 : i32
          %mul3A_329 = arith.muli %add3A_327, %mul3A_328 : i32
          %get3A_330 = arith.constant 1 : i32
          %get3A_331 = arith.index_cast %get3A_330 : i32 to index
          %get3A_332 = arith.index_cast %mul3A_329 : i32 to index
          %get3A_333 = tpu.vector_load %arg11[%get3A_331, %get3A_332] {strides = array<i32>} : memref<2x4096xi32, #tpu.memory_space<vmem>>, vector<16xi32>,
          %and3A_334 = arith.constant 16383 : i32
          %and3A_335 = vector.broadcast %and3A_334 : i32 to vector<16xi32>
          %and3A_336 = arith.andi %get3A_333, %and3A_335 : vector<16xi32>
          %shift_right_logical3A_337 = arith.constant 14 : i32
          %shift_right_logical3A_338 = vector.broadcast %shift_right_logical3A_337 : i32 to vector<16xi32>
          %shift_right_logical3A_339 = arith.shrui %get3A_333, %shift_right_logical3A_338 : vector<16xi32>
          %get3A_340 = arith.constant 1 : i32
          %get3A_341 = arith.index_cast %get3A_340 : i32 to index
          %get3A_342 = arith.index_cast %mul3A_329 : i32 to index
          %get3A_343 = tpu.vector_load %arg13[%get3A_341, %get3A_342] {strides = array<i32>} : memref<2x4096xf32, #tpu.memory_space<vmem>>, vector<16xf32>,
          %mul3A_344 = arith.constant 8 : i32
          %mul3A_345 = arith.muli %scan3A_205, %mul3A_344 : i32
          %add3A_346 = arith.constant 7 : i32
          %add3A_347 = arith.addi %mul3A_345, %add3A_346 : i32
          %mul3A_348 = arith.constant 16 : i32
          %mul3A_349 = arith.muli %add3A_347, %mul3A_348 : i32
          %get3A_350 = arith.constant 1 : i32
          %get3A_351 = arith.index_cast %get3A_350 : i32 to index
          %get3A_352 = arith.index_cast %mul3A_349 : i32 to index
          %get3A_353 = tpu.vector_load %arg11[%get3A_351, %get3A_352] {strides = array<i32>} : memref<2x4096xi32, #tpu.memory_space<vmem>>, vector<16xi32>,
          %and3A_354 = arith.constant 16383 : i32
          %and3A_355 = vector.broadcast %and3A_354 : i32 to vector<16xi32>
          %and3A_356 = arith.andi %get3A_353, %and3A_355 : vector<16xi32>
          %shift_right_logical3A_357 = arith.constant 14 : i32
          %shift_right_logical3A_358 = vector.broadcast %shift_right_logical3A_357 : i32 to vector<16xi32>
          %shift_right_logical3A_359 = arith.shrui %get3A_353, %shift_right_logical3A_358 : vector<16xi32>
          %get3A_360 = arith.constant 1 : i32
          %get3A_361 = arith.index_cast %get3A_360 : i32 to index
          %get3A_362 = arith.index_cast %mul3A_349 : i32 to index
          %get3A_363 = tpu.vector_load %arg13[%get3A_361, %get3A_362] {strides = array<i32>} : memref<2x4096xf32, #tpu.memory_space<vmem>>, vector<16xf32>,
          %gather3A = tpu.vector_load_idx %arg7[%and3A_217] : memref<10000xf32, #tpu.memory_space<vmem>>[vector<16xi32>], vector<16xf32>,
          %gather3A_364 = tpu.vector_load_idx %arg7[%and3A_236] : memref<10000xf32, #tpu.memory_space<vmem>>[vector<16xi32>], vector<16xf32>,
          %gather3A_365 = tpu.vector_load_idx %arg7[%and3A_256] : memref<10000xf32, #tpu.memory_space<vmem>>[vector<16xi32>], vector<16xf32>,
          %gather3A_366 = tpu.vector_load_idx %arg7[%and3A_276] : memref<10000xf32, #tpu.memory_space<vmem>>[vector<16xi32>], vector<16xf32>,
          %gather3A_367 = tpu.vector_load_idx %arg7[%and3A_296] : memref<10000xf32, #tpu.memory_space<vmem>>[vector<16xi32>], vector<16xf32>,
          %gather3A_368 = tpu.vector_load_idx %arg7[%and3A_316] : memref<10000xf32, #tpu.memory_space<vmem>>[vector<16xi32>], vector<16xf32>,
          %gather3A_369 = tpu.vector_load_idx %arg7[%and3A_336] : memref<10000xf32, #tpu.memory_space<vmem>>[vector<16xi32>], vector<16xf32>,
          %gather3A_370 = tpu.vector_load_idx %arg7[%and3A_356] : memref<10000xf32, #tpu.memory_space<vmem>>[vector<16xi32>], vector<16xf32>,
          %mul3A_371 = arith.mulf %gather3A, %get3A_223 : vector<16xf32>
          tpu.vector_store_idx %arg9[%shift_right_logical3A_219], %mul3A_371 {add = true} : memref<10000xf32, #tpu.memory_space<vmem>>[vector<16xi32>], vector<16xf32>,
          %mul3A_372 = arith.mulf %gather3A_364, %get3A_243 : vector<16xf32>
          tpu.vector_store_idx %arg9[%shift_right_logical3A_239], %mul3A_372 {add = true} : memref<10000xf32, #tpu.memory_space<vmem>>[vector<16xi32>], vector<16xf32>,
          %mul3A_373 = arith.mulf %gather3A_365, %get3A_263 : vector<16xf32>
          tpu.vector_store_idx %arg9[%shift_right_logical3A_259], %mul3A_373 {add = true} : memref<10000xf32, #tpu.memory_space<vmem>>[vector<16xi32>], vector<16xf32>,
          %mul3A_374 = arith.mulf %gather3A_366, %get3A_283 : vector<16xf32>
          tpu.vector_store_idx %arg9[%shift_right_logical3A_279], %mul3A_374 {add = true} : memref<10000xf32, #tpu.memory_space<vmem>>[vector<16xi32>], vector<16xf32>,
          %mul3A_375 = arith.mulf %gather3A_367, %get3A_303 : vector<16xf32>
          tpu.vector_store_idx %arg9[%shift_right_logical3A_299], %mul3A_375 {add = true} : memref<10000xf32, #tpu.memory_space<vmem>>[vector<16xi32>], vector<16xf32>,
          %mul3A_376 = arith.mulf %gather3A_368, %get3A_323 : vector<16xf32>
          tpu.vector_store_idx %arg9[%shift_right_logical3A_319], %mul3A_376 {add = true} : memref<10000xf32, #tpu.memory_space<vmem>>[vector<16xi32>], vector<16xf32>,
          %mul3A_377 = arith.mulf %gather3A_369, %get3A_343 : vector<16xf32>
          tpu.vector_store_idx %arg9[%shift_right_logical3A_339], %mul3A_377 {add = true} : memref<10000xf32, #tpu.memory_space<vmem>>[vector<16xi32>], vector<16xf32>,
          %mul3A_378 = arith.mulf %gather3A_370, %get3A_363 : vector<16xf32>
          tpu.vector_store_idx %arg9[%shift_right_logical3A_359], %mul3A_378 {add = true} : memref<10000xf32, #tpu.memory_space<vmem>>[vector<16xi32>], vector<16xf32>,
        }
        %scan3A_204 = arith.constant 32 : i32
      }
      %scan3A_72 = arith.constant 20 : i32
      %add3A_73 = arith.constant 39 : i32
      %add3A_74 = arith.addi %mul3A_35, %add3A_73 : i32
      %mul3A_75 = arith.constant 4096 : i32
      %mul3A_76 = arith.muli %add3A_74, %mul3A_75 : i32
      %dma_wait3A = arith.constant 0 : i32
      %dma_wait3A_77 = arith.constant 0 : i32
      %dma_wait3A_78 = tpu.memref_slice %arg11[%dma_wait3A, %dma_wait3A_77] : memref<2x4096xi32, #tpu.memory_space<vmem>> -> memref<1x4096xi32, #tpu.memory_space<vmem>>
      %dma_wait3A_79 = tpu.memref_squeeze %dma_wait3A_78 : memref<1x4096xi32, #tpu.memory_space<vmem>> -> memref<4096xi32, #tpu.memory_space<vmem>>
      %dma_wait3A_80 = tpu.memref_slice %arg3[%mul3A_76] : memref<327680xi32, #tpu.memory_space<hbm>> -> memref<4096xi32, #tpu.memory_space<hbm>>
      %dma_wait3A_81 = arith.constant 0 : i32
      %dma_wait3A_82 = tpu.memref_slice %arg11[%dma_wait3A, %dma_wait3A_81] : memref<2x4096xi32, #tpu.memory_space<vmem>> -> memref<1x4096xi32, #tpu.memory_space<vmem>>
      %dma_wait3A_83 = tpu.memref_squeeze %dma_wait3A_82 : memref<1x4096xi32, #tpu.memory_space<vmem>> -> memref<4096xi32, #tpu.memory_space<vmem>>
      %dma_wait3A_84 = tpu.memref_slice %arg3[%mul3A_76] : memref<327680xi32, #tpu.memory_space<hbm>> -> memref<4096xi32, #tpu.memory_space<hbm>>
      tpu.wait_dma2 semaphore(%arg14 : memref<!tpu.dma_semaphore, #tpu.memory_space<semaphore_mem>>) src(%dma_wait3A_84 : memref<4096xi32, #tpu.memory_space<hbm>>) dst(%dma_wait3A_83 : memref<4096xi32, #tpu.memory_space<vmem>>)
      %dma_wait3A_85 = arith.constant 0 : i32
      %dma_wait3A_86 = arith.constant 0 : i32
      %dma_wait3A_87 = tpu.memref_slice %arg13[%dma_wait3A_85, %dma_wait3A_86] : memref<2x4096xf32, #tpu.memory_space<vmem>> -> memref<1x4096xf32, #tpu.memory_space<vmem>>
      %dma_wait3A_88 = tpu.memref_squeeze %dma_wait3A_87 : memref<1x4096xf32, #tpu.memory_space<vmem>> -> memref<4096xf32, #tpu.memory_space<vmem>>
      %dma_wait3A_89 = tpu.memref_slice %arg5[%mul3A_76] : memref<327680xf32, #tpu.memory_space<hbm>> -> memref<4096xf32, #tpu.memory_space<hbm>>
      %dma_wait3A_90 = arith.constant 0 : i32
      %dma_wait3A_91 = tpu.memref_slice %arg13[%dma_wait3A_85, %dma_wait3A_90] : memref<2x4096xf32, #tpu.memory_space<vmem>> -> memref<1x4096xf32, #tpu.memory_space<vmem>>
      %dma_wait3A_92 = tpu.memref_squeeze %dma_wait3A_91 : memref<1x4096xf32, #tpu.memory_space<vmem>> -> memref<4096xf32, #tpu.memory_space<vmem>>
      %dma_wait3A_93 = tpu.memref_slice %arg5[%mul3A_76] : memref<327680xf32, #tpu.memory_space<hbm>> -> memref<4096xf32, #tpu.memory_space<hbm>>
      tpu.wait_dma2 semaphore(%arg18 : memref<!tpu.dma_semaphore, #tpu.memory_space<semaphore_mem>>) src(%dma_wait3A_93 : memref<4096xf32, #tpu.memory_space<hbm>>) dst(%dma_wait3A_92 : memref<4096xf32, #tpu.memory_space<vmem>>)
      %mul3A_94 = arith.constant 16 : i32
      %mul3A_95 = arith.muli %select_n3A, %mul3A_94 : i32
      %mul3A_96 = arith.constant 1 : i32
      %mul3A_97 = arith.muli %select_n3A_33, %mul3A_96 : i32
      %add3A_98 = arith.addi %mul3A_95, %mul3A_97 : i32
      %add3A_99 = arith.constant 0 : i32
      %add3A_100 = arith.addi %add3A_98, %add3A_99 : i32
      "tpu.region"() ({
        %run_scoped3A = tpu.sem_alloc : memref<!tpu.dma_semaphore, #tpu.memory_space<semaphore_mem>>
        %dma_start3A_101 = arith.constant 0 : i32
        %dma_start3A_102 = tpu.memref_slice %arg6[%add3A_100, %dma_start3A_101] : memref<32x10000xf32, #tpu.memory_space<hbm>> -> memref<1x10000xf32, #tpu.memory_space<hbm>>
        %dma_start3A_103 = tpu.memref_squeeze %dma_start3A_102 : memref<1x10000xf32, #tpu.memory_space<hbm>> -> memref<10000xf32, #tpu.memory_space<hbm>>
        %dma_start3A_104 = arith.constant 0 : i32
        %dma_start3A_105 = tpu.memref_slice %arg6[%add3A_100, %dma_start3A_104] : memref<32x10000xf32, #tpu.memory_space<hbm>> -> memref<1x10000xf32, #tpu.memory_space<hbm>>
        %dma_start3A_106 = tpu.memref_squeeze %dma_start3A_105 : memref<1x10000xf32, #tpu.memory_space<hbm>> -> memref<10000xf32, #tpu.memory_space<hbm>>
        tpu.enqueue_dma source(%arg9 : memref<10000xf32, #tpu.memory_space<vmem>>) target(%dma_start3A_106 : memref<10000xf32, #tpu.memory_space<hbm>>) target_semaphore(%run_scoped3A : memref<!tpu.dma_semaphore, #tpu.memory_space<semaphore_mem>>)
        %dma_wait3A_107 = arith.constant 0 : i32
        %dma_wait3A_108 = tpu.memref_slice %arg6[%add3A_100, %dma_wait3A_107] : memref<32x10000xf32, #tpu.memory_space<hbm>> -> memref<1x10000xf32, #tpu.memory_space<hbm>>
        %dma_wait3A_109 = tpu.memref_squeeze %dma_wait3A_108 : memref<1x10000xf32, #tpu.memory_space<hbm>> -> memref<10000xf32, #tpu.memory_space<hbm>>
        %dma_wait3A_110 = arith.constant 0 : i32
        %dma_wait3A_111 = tpu.memref_slice %arg6[%add3A_100, %dma_wait3A_110] : memref<32x10000xf32, #tpu.memory_space<hbm>> -> memref<1x10000xf32, #tpu.memory_space<hbm>>
        %dma_wait3A_112 = tpu.memref_squeeze %dma_wait3A_111 : memref<1x10000xf32, #tpu.memory_space<hbm>> -> memref<10000xf32, #tpu.memory_space<hbm>>
        tpu.wait_dma2 semaphore(%run_scoped3A : memref<!tpu.dma_semaphore, #tpu.memory_space<semaphore_mem>>) src(%arg9 : memref<10000xf32, #tpu.memory_space<vmem>>) dst(%dma_wait3A_112 : memref<10000xf32, #tpu.memory_space<hbm>>)
        tpu.yield
      }) : () -> ()
    } else {
    }
    return
  }
}

module attributes {stable_mosaic.version = 14 : i64} {
  func.func @_prep_body(%arg0: memref<128x10000xf32, #tpu.memory_space<vmem>>, %arg1: memref<32x128xf32, #tpu.memory_space<vmem>>, %arg2: memref<32x10000xf32, #tpu.memory_space<vmem>>, %arg3: memref<64x10000xf32, #tpu.memory_space<vmem>>) attributes {dimension_semantics = [], scalar_prefetch = 0 : i64, scratch_operands = 0 : i64, tpu.core_type = #tpu.core_type<tc>} {
    %get3A = arith.constant 0 : index
    %get3A_0 = arith.constant 0 : index
    %get3A_1 = vector.load %arg1[%get3A, %get3A_0] : memref<32x128xf32, #tpu.memory_space<vmem>>, vector<32x128xf32>
    %get3A_2 = arith.constant 0 : index
    %get3A_3 = arith.constant 0 : index
    %get3A_4 = vector.load %arg0[%get3A_2, %get3A_3] : memref<128x10000xf32, #tpu.memory_space<vmem>>, vector<128x10000xf32>
    %dot_general3A = arith.constant dense<0.000000e+00> : vector<32x10000xf32>
    %dot_general3A_5 = tpu.matmul %get3A_1, %get3A_4, %dot_general3A {dimension_numbers = #tpu.dot_dimension_numbers<[1], [0], [0], [1], [0, 0, 1, 1], [], []>, transpose_lhs_hint = false} : vector<32x128xf32>, vector<128x10000xf32>, vector<32x10000xf32> -> vector<32x10000xf32>
    %swap3A = arith.constant 0 : index
    %swap3A_6 = arith.constant 0 : index
    %swap3A_7 = vector.load %arg3[%swap3A, %swap3A_6] : memref<64x10000xf32, #tpu.memory_space<vmem>>, vector<32x10000xf32>
    tpu.vector_store %arg3[%swap3A, %swap3A_6], %dot_general3A_5 {strides = array<i32>} : memref<64x10000xf32, #tpu.memory_space<vmem>>, vector<32x10000xf32>,
    %get3A_8 = arith.constant 0 : index
    %get3A_9 = arith.constant 0 : index
    %get3A_10 = vector.load %arg2[%get3A_8, %get3A_9] : memref<32x10000xf32, #tpu.memory_space<vmem>>, vector<32x10000xf32>
    %swap3A_11 = arith.constant 32 : index
    %swap3A_12 = arith.constant 0 : index
    %swap3A_13 = vector.load %arg3[%swap3A_11, %swap3A_12] : memref<64x10000xf32, #tpu.memory_space<vmem>>, vector<32x10000xf32>
    tpu.vector_store %arg3[%swap3A_11, %swap3A_12], %get3A_10 {strides = array<i32>} : memref<64x10000xf32, #tpu.memory_space<vmem>>, vector<32x10000xf32>,
    return
  }
}

module attributes {stable_mosaic.version = 14 : i64} {
  func.func @_mid1_body(%arg0: memref<64x10000xf32, #tpu.memory_space<vmem>>, %arg1: memref<32x32xf32, #tpu.memory_space<vmem>>, %arg2: memref<32x10000xf32, #tpu.memory_space<vmem>>, %arg3: memref<10000x32xf32, #tpu.memory_space<vmem>>) attributes {dimension_semantics = [], scalar_prefetch = 0 : i64, scratch_operands = 0 : i64, tpu.core_type = #tpu.core_type<tc>} {
    %get3A = arith.constant 0 : index
    %get3A_0 = arith.constant 0 : index
    %get3A_1 = vector.load %arg0[%get3A, %get3A_0] : memref<64x10000xf32, #tpu.memory_space<vmem>>, vector<32x10000xf32>
    %max3A = arith.constant 0.000000e+00 : f32
    %max3A_2 = vector.broadcast %max3A : f32 to vector<32x10000xf32>
    %max3A_3 = arith.maximumf %get3A_1, %max3A_2 : vector<32x10000xf32>
    %get3A_4 = arith.constant 32 : index
    %get3A_5 = arith.constant 0 : index
    %get3A_6 = vector.load %arg0[%get3A_4, %get3A_5] : memref<64x10000xf32, #tpu.memory_space<vmem>>, vector<32x10000xf32>
    %max3A_7 = arith.constant 0.000000e+00 : f32
    %max3A_8 = vector.broadcast %max3A_7 : f32 to vector<32x10000xf32>
    %max3A_9 = arith.maximumf %get3A_6, %max3A_8 : vector<32x10000xf32>
    %add3A = arith.addf %max3A_3, %max3A_9 : vector<32x10000xf32>
    %get3A_10 = arith.constant 0 : index
    %get3A_11 = arith.constant 0 : index
    %get3A_12 = vector.load %arg1[%get3A_10, %get3A_11] : memref<32x32xf32, #tpu.memory_space<vmem>>, vector<32x32xf32>
    %dot_general3A = arith.constant dense<0.000000e+00> : vector<32x10000xf32>
    %dot_general3A_13 = tpu.matmul %get3A_12, %add3A, %dot_general3A {dimension_numbers = #tpu.dot_dimension_numbers<[1], [0], [0], [1], [0, 0, 1, 1], [], []>, transpose_lhs_hint = false} : vector<32x32xf32>, vector<32x10000xf32>, vector<32x10000xf32> -> vector<32x10000xf32>
    %swap3A = arith.constant 0 : index
    %swap3A_14 = arith.constant 0 : index
    %swap3A_15 = vector.load %arg2[%swap3A, %swap3A_14] : memref<32x10000xf32, #tpu.memory_space<vmem>>, vector<32x10000xf32>
    tpu.vector_store %arg2[%swap3A, %swap3A_14], %dot_general3A_13 {strides = array<i32>} : memref<32x10000xf32, #tpu.memory_space<vmem>>, vector<32x10000xf32>,
    %get3A_16 = arith.constant 32 : index
    %get3A_17 = arith.constant 0 : index
    %get3A_18 = vector.load %arg0[%get3A_16, %get3A_17] : memref<64x10000xf32, #tpu.memory_space<vmem>>, vector<32x10000xf32>
    %transpose3A = tpu.transpose %get3A_18, [1, 0] : vector<32x10000xf32> -> vector<10000x32xf32>
    %swap3A_19 = arith.constant 0 : index
    %swap3A_20 = arith.constant 0 : index
    %swap3A_21 = vector.load %arg3[%swap3A_19, %swap3A_20] : memref<10000x32xf32, #tpu.memory_space<vmem>>, vector<10000x32xf32>
    tpu.vector_store %arg3[%swap3A_19, %swap3A_20], %transpose3A {strides = array<i32>} : memref<10000x32xf32, #tpu.memory_space<vmem>>, vector<10000x32xf32>,
    return
  }
}

module attributes {stable_mosaic.version = 14 : i64} {
  func.func @_mid2_body(%arg0: memref<32x10000xf32, #tpu.memory_space<vmem>>, %arg1: memref<64x10000xf32, #tpu.memory_space<vmem>>, %arg2: memref<16x32xf32, #tpu.memory_space<vmem>>, %arg3: memref<16x10000xf32, #tpu.memory_space<vmem>>) attributes {dimension_semantics = [], scalar_prefetch = 0 : i64, scratch_operands = 0 : i64, tpu.core_type = #tpu.core_type<tc>} {
    %get3A = arith.constant 32 : index
    %get3A_0 = arith.constant 0 : index
    %get3A_1 = vector.load %arg1[%get3A, %get3A_0] : memref<64x10000xf32, #tpu.memory_space<vmem>>, vector<32x10000xf32>
    %max3A = arith.constant 0.000000e+00 : f32
    %max3A_2 = vector.broadcast %max3A : f32 to vector<32x10000xf32>
    %max3A_3 = arith.maximumf %get3A_1, %max3A_2 : vector<32x10000xf32>
    %get3A_4 = arith.constant 0 : index
    %get3A_5 = arith.constant 0 : index
    %get3A_6 = vector.load %arg0[%get3A_4, %get3A_5] : memref<32x10000xf32, #tpu.memory_space<vmem>>, vector<32x10000xf32>
    %max3A_7 = arith.constant 0.000000e+00 : f32
    %max3A_8 = vector.broadcast %max3A_7 : f32 to vector<32x10000xf32>
    %max3A_9 = arith.maximumf %get3A_6, %max3A_8 : vector<32x10000xf32>
    %add3A = arith.addf %max3A_9, %max3A_3 : vector<32x10000xf32>
    %get3A_10 = arith.constant 0 : index
    %get3A_11 = arith.constant 0 : index
    %get3A_12 = vector.load %arg2[%get3A_10, %get3A_11] : memref<16x32xf32, #tpu.memory_space<vmem>>, vector<16x32xf32>
    %dot_general3A = arith.constant dense<0.000000e+00> : vector<16x10000xf32>
    %dot_general3A_13 = tpu.matmul %get3A_12, %add3A, %dot_general3A {dimension_numbers = #tpu.dot_dimension_numbers<[1], [0], [0], [1], [0, 0, 1, 1], [], []>, transpose_lhs_hint = false} : vector<16x32xf32>, vector<32x10000xf32>, vector<16x10000xf32> -> vector<16x10000xf32>
    %swap3A = arith.constant 0 : index
    %swap3A_14 = arith.constant 0 : index
    %swap3A_15 = vector.load %arg3[%swap3A, %swap3A_14] : memref<16x10000xf32, #tpu.memory_space<vmem>>, vector<16x10000xf32>
    tpu.vector_store %arg3[%swap3A, %swap3A_14], %dot_general3A_13 {strides = array<i32>} : memref<16x10000xf32, #tpu.memory_space<vmem>>, vector<16x10000xf32>,
    return
  }
}

module attributes {stable_mosaic.version = 14 : i64} {
  func.func @_adjrec_body(%arg0: i32, %arg1: memref<400x32xf32, #tpu.memory_space<vmem>>, %arg2: memref<32x10000xf32, #tpu.memory_space<vmem>>, %arg3: memref<400x10000xf32, #tpu.memory_space<vmem>>) attributes {dimension_semantics = [#tpu.dimension_semantics<arbitrary>], iteration_bounds = array<i64: 25>, scalar_prefetch = 0 : i64, scratch_operands = 0 : i64, tpu.core_type = #tpu.core_type<tc>, window_params = [{transform_indices = @transform_0, window_bounds = array<i64: 400, 32>}, {pipeline_mode = #tpu.pipeline_mode<synchronous>, transform_indices = @transform_1, window_bounds = array<i64: 32, 10000>}, {transform_indices = @transform_2, window_bounds = array<i64: 400, 10000>}]} {
    %get3A = arith.constant 0 : index
    %get3A_0 = arith.constant 0 : index
    %get3A_1 = vector.load %arg1[%get3A, %get3A_0] : memref<400x32xf32, #tpu.memory_space<vmem>>, vector<400x32xf32>
    %max3A = arith.constant 0.000000e+00 : f32
    %max3A_2 = vector.broadcast %max3A : f32 to vector<400x32xf32>
    %max3A_3 = arith.maximumf %get3A_1, %max3A_2 : vector<400x32xf32>
    %get3A_4 = arith.constant 0 : index
    %get3A_5 = arith.constant 0 : index
    %get3A_6 = vector.load %arg2[%get3A_4, %get3A_5] : memref<32x10000xf32, #tpu.memory_space<vmem>>, vector<32x10000xf32>
    %dot_general3A = arith.constant dense<0.000000e+00> : vector<400x10000xf32>
    %dot_general3A_7 = tpu.matmul %max3A_3, %get3A_6, %dot_general3A {dimension_numbers = #tpu.dot_dimension_numbers<[1], [0], [0], [1], [0, 0, 1, 1], [], []>, transpose_lhs_hint = false} : vector<400x32xf32>, vector<32x10000xf32>, vector<400x10000xf32> -> vector<400x10000xf32>
    %max3A_8 = arith.constant 0.000000e+00 : f32
    %max3A_9 = vector.broadcast %max3A_8 : f32 to vector<400x10000xf32>
    %max3A_10 = arith.maximumf %dot_general3A_7, %max3A_9 : vector<400x10000xf32>
    %swap3A = arith.constant 0 : index
    %swap3A_11 = arith.constant 0 : index
    %swap3A_12 = vector.load %arg3[%swap3A, %swap3A_11] : memref<400x10000xf32, #tpu.memory_space<vmem>>, vector<400x10000xf32>
    tpu.vector_store %arg3[%swap3A, %swap3A_11], %max3A_10 {strides = array<i32>} : memref<400x10000xf32, #tpu.memory_space<vmem>>, vector<400x10000xf32>,
    return
  }
  func.func @transform_0(%arg0: i32) -> (i32, i32) {
    %c0_i32 = arith.constant 0 : i32
    %c0_i32_0 = arith.constant 0 : i32
    return %arg0, %c0_i32 : i32, i32
  }
  func.func @transform_1(%arg0: i32) -> (i32, i32) {
    %c0_i32 = arith.constant 0 : i32
    %c0_i32_0 = arith.constant 0 : i32
    %c0_i32_1 = arith.constant 0 : i32
    return %c0_i32, %c0_i32_0 : i32, i32
  }
  func.func @transform_2(%arg0: i32) -> (i32, i32) {
    %c0_i32 = arith.constant 0 : i32
    %c0_i32_0 = arith.constant 0 : i32
    return %arg0, %c0_i32 : i32, i32
  }
}

module attributes {stable_mosaic.version = 14 : i64} {
  func.func @_tr_body(%arg0: memref<32x10000xf32, #tpu.memory_space<vmem>>, %arg1: memref<10000x32xf32, #tpu.memory_space<vmem>>) attributes {dimension_semantics = [], scalar_prefetch = 0 : i64, scratch_operands = 0 : i64, tpu.core_type = #tpu.core_type<tc>} {
    %get3A = arith.constant 0 : index
    %get3A_0 = arith.constant 0 : index
    %get3A_1 = vector.load %arg0[%get3A, %get3A_0] : memref<32x10000xf32, #tpu.memory_space<vmem>>, vector<32x10000xf32>
    %transpose3A = tpu.transpose %get3A_1, [1, 0] : vector<32x10000xf32> -> vector<10000x32xf32>
    %swap3A = arith.constant 0 : index
    %swap3A_2 = arith.constant 0 : index
    %swap3A_3 = vector.load %arg1[%swap3A, %swap3A_2] : memref<10000x32xf32, #tpu.memory_space<vmem>>, vector<10000x32xf32>
    tpu.vector_store %arg1[%swap3A, %swap3A_2], %transpose3A {strides = array<i32>} : memref<10000x32xf32, #tpu.memory_space<vmem>>, vector<10000x32xf32>,
    return
  }
}

module attributes {stable_mosaic.version = 14 : i64} {
  func.func @_zzt_body(%arg0: i32, %arg1: memref<400x32xf32, #tpu.memory_space<vmem>>, %arg2: memref<10000x32xf32, #tpu.memory_space<vmem>>, %arg3: memref<400x10000xf32, #tpu.memory_space<vmem>>) attributes {dimension_semantics = [#tpu.dimension_semantics<arbitrary>], iteration_bounds = array<i64: 25>, scalar_prefetch = 0 : i64, scratch_operands = 0 : i64, tpu.core_type = #tpu.core_type<tc>, window_params = [{transform_indices = @transform_0, window_bounds = array<i64: 400, 32>}, {pipeline_mode = #tpu.pipeline_mode<synchronous>, transform_indices = @transform_1, window_bounds = array<i64: 10000, 32>}, {transform_indices = @transform_2, window_bounds = array<i64: 400, 10000>}]} {
    %get3A = arith.constant 0 : index
    %get3A_0 = arith.constant 0 : index
    %get3A_1 = vector.load %arg1[%get3A, %get3A_0] : memref<400x32xf32, #tpu.memory_space<vmem>>, vector<400x16xf32>
    %get3A_2 = arith.constant 0 : index
    %get3A_3 = arith.constant 16 : index
    %get3A_4 = vector.load %arg1[%get3A_2, %get3A_3] : memref<400x32xf32, #tpu.memory_space<vmem>>, vector<400x16xf32>
    %add3A = arith.addf %get3A_1, %get3A_4 : vector<400x16xf32>
    %get3A_5 = arith.constant 0 : index
    %get3A_6 = arith.constant 0 : index
    %get3A_7 = vector.load %arg2[%get3A_5, %get3A_6] : memref<10000x32xf32, #tpu.memory_space<vmem>>, vector<10000x16xf32>
    %get3A_8 = arith.constant 0 : index
    %get3A_9 = arith.constant 16 : index
    %get3A_10 = vector.load %arg2[%get3A_8, %get3A_9] : memref<10000x32xf32, #tpu.memory_space<vmem>>, vector<10000x16xf32>
    %add3A_11 = arith.addf %get3A_7, %get3A_10 : vector<10000x16xf32>
    %dot_general3A = arith.constant dense<0.000000e+00> : vector<400x10000xf32>
    %dot_general3A_12 = tpu.matmul %add3A, %add3A_11, %dot_general3A {dimension_numbers = #tpu.dot_dimension_numbers<[1], [1], [0], [0], [0, 0, 1, 0], [], []>, transpose_lhs_hint = false} : vector<400x16xf32>, vector<10000x16xf32>, vector<400x10000xf32> -> vector<400x10000xf32>
    %swap3A = arith.constant 0 : index
    %swap3A_13 = arith.constant 0 : index
    %swap3A_14 = vector.load %arg3[%swap3A, %swap3A_13] : memref<400x10000xf32, #tpu.memory_space<vmem>>, vector<400x10000xf32>
    tpu.vector_store %arg3[%swap3A, %swap3A_13], %dot_general3A_12 {strides = array<i32>} : memref<400x10000xf32, #tpu.memory_space<vmem>>, vector<400x10000xf32>,
    return
  }
  func.func @transform_0(%arg0: i32) -> (i32, i32) {
    %c0_i32 = arith.constant 0 : i32
    %c0_i32_0 = arith.constant 0 : i32
    return %arg0, %c0_i32 : i32, i32
  }
  func.func @transform_1(%arg0: i32) -> (i32, i32) {
    %c0_i32 = arith.constant 0 : i32
    %c0_i32_0 = arith.constant 0 : i32
    %c0_i32_1 = arith.constant 0 : i32
    return %c0_i32, %c0_i32_0 : i32, i32
  }
  func.func @transform_2(%arg0: i32) -> (i32, i32) {
    %c0_i32 = arith.constant 0 : i32
    %c0_i32_0 = arith.constant 0 : i32
    return %arg0, %c0_i32 : i32, i32
  }
}

</mosaic_0001>

<sc_bundles>
// kernel: kernel.11.cloned.1.call-start
scs
__scs_entry_jumppad:
0x0: {  	(pc) =	sbr.rel $0x88, $3  }
0x1: {  	(tag) =	ssettag $0x0;
	lr =	simm.s32 $0x1  }
0x2: {  	[smem:$0x3F99] =	sst lr;
	_ =	strace $0xD0000000  }
0x3: {  	_ = 	snop  }
0x4: {  	_ = 	snop  }
0x5: {  	_ = 	snop  }
0x6: {  	_ = 	snop  }
0x7: {  	_ = 	snop  }
__scs_overlays_trampoline_lowered:
0x8: {  	[smem:$0x3FA8] =	sst s0  }
0x9: {  	[smem:$0x3FA9] =	sst s1  }
0xa: {  	[smem:$0x3FAA] =	sst s2  }
0xb: {  	[smem:$0x3FAB] =	sst s3  }
0xc: {  	[smem:$0x3FAC] =	sst s4  }
0xd: {  	[smem:$0x3FAD] =	sst s5  }
0xe: {  	[smem:$0x3FAE] =	sst s6  }
0xf: {  	[smem:$0x3FAF] =	sst s7  }
0x10: {  	[smem:$0x3FB0] =	sst s8  }
0x11: {  	[smem:$0x3FB1] =	sst s9;
	s0 =	simm.s32 @!p0 $0x0  }
0x12: {  	s1 =	sld [smem:$0x3F97];
	s0 =	simm.s32 @p0 $0x1  }
0x13: {  	[smem:$0x3FB2] =	sst s0;
	s0 =	simm.s32 @!p1 $0x0  }
0x14: {  	s2 =	sld [smem:$0x3F96];
	s0 =	simm.s32 @p1 $0x1  }
0x15: {  	[smem:$0x3FB3] =	sst s0;
	s0 =	simm.s32 @!p2 $0x0  }
0x16: {  	s3 =	sld [smem:$0x3FDB];
	s0 =	simm.s32 @p2 $0x1  }
0x17: {  	s4 =	simm.s32 $0x1BF5;
	[smem:$0x3FB5] =	sst s0  }
0x18: {  	s0 =	sld [smem:$0x3F98];
	_ =	swait.ge [sflag:s4], $0x0  }
0x19: {  	s7 =	sld [smem:$0x3F99]  }
0x1a: {  	s8 =	sadd.s32 $0xFFFFE003, lr  }
0x1b: {  	s9 =	sadd.s32 $0xFFFFFEF7, lr;
	s5 =	simm.s32 $0xFFFFFFFF;
	p2 =	slt.u32 s8, $0xFFFFF086  }
0x1c: {  	p1 =	slt.u32 s9, $0xF7A;
	s5 =	simm.s32 @!p2 $0x0  }
0x1d: {  	s5 =	simm.s32 @p1 $0x1;
	p0 =	seq.s32 s7, s2  }
0x1e: {  	s7 =	smul.u32 @!p0 $0xF7A, s2;
	p2 =	seq.s32 @!p0 s5, $0x0  }
0x1f: {  	s9 =	smul.u32 $0xF7A, s1;
	s8 =	simm.s32 @!p0 $0x1BF5;
	p2 =	por !p2, p0  }
0x20: {  	[sflag:s8] =	ssyncset.s32 @!p0 $0xFFFFF086;
	s6 =	sadd.s32 @!p0 s3, s7;
	s7 =	simm.s32 @!p0 $0x108  }
0x21: {  	s3 =	sadd.s32 s3, s9;
	s6 =	sadd.s32 @!p0 $0x88, s6;
	s7 =	simm.s32 @p2 $0x1082  }
0x22: {  	[simem:s7], [sflag:s8] =	dma.local @!p0 [hbm:s6], $0xF7A  }
0x23: {  	s9 =	sor.u32 $0xD0000000, s2;
	s6 =	simm.s32 $0x108;
	_ =	swait.ge @!p0 [sflag:s8], $0x0  }
0x24: {  	s3 =	sadd.s32 $0x88, s3;
	s6 =	simm.s32 @!p1 $0x1082;
	[sflag:s4] =	ssyncset.s32 $0xFFFFF086  }
0x25: {  	[simem:s6], [sflag:s4] =	dma.local [hbm:s3], $0xF7A  }
0x26: {  	[smem:$0x3F99] =	sst s1;
	(tag) =	ssettag s2;
	_ =	strace s9  }
0x27: {  	s1 =	sld [smem:$0x3FA9]  }
0x28: {  	s2 =	sld [smem:$0x3FAA]  }
0x29: {  	s4 =	sld [smem:$0x3FAC]  }
0x2a: {  	p0 =	seq.s32 s5, $0x0;
	s5 =	sld [smem:$0x3FAD]  }
0x2b: {  	s6 =	sld [smem:$0x3FAE]  }
0x2c: {  	s7 =	sld [smem:$0x3FAF]  }
0x2d: {  	s3 =	simm.s32 $0x108;
	s8 =	sld [smem:$0x3FB0]  }
0x2e: {  	s3 =	simm.s32 @!p0 $0x1082;
	s9 =	sld [smem:$0x3FB1]  }
0x2f: {  	lr =	sadd.s32 s0, s3;
	s0 =	sld [smem:$0x3FA8]  }
0x30: {  	s3 =	sld [smem:$0x3FAB]  }
0x31: {  	[smem:$0x3FB4] =	sst s10  }
0x32: {  	s10 =	sld [smem:$0x3FB2];
	_ =	sdelay $0x3  }
0x33: {  	p0 =	seq.s32 s10, $0x1;
	s10 =	sld [smem:$0x3FB4];
	_ =	sdelay $0x3  }
0x34: {  	[smem:$0x3FB4] =	sst s10  }
0x35: {  	s10 =	sld [smem:$0x3FB3];
	_ =	sdelay $0x3  }
0x36: {  	p1 =	seq.s32 s10, $0x1;
	s10 =	sld [smem:$0x3FB4];
	_ =	sdelay $0x3  }
0x37: {  	[smem:$0x3FB4] =	sst s10  }
0x38: {  	s10 =	sld [smem:$0x3FB5]  }
0x39: {  	_ = 	snop;
	(pc) =	sbr.ind lr, $3  }
0x3a: {  	_ = 	snop  }
0x3b: {  	_ = 	snop  }
0x3c: {  	p2 =	seq.s32 s10, $0x1;
	s10 =	sld [smem:$0x3FB4]  }
0x3d: {  	_ =	shalt  }
0x3e: {  	_ =	shalt  }
0x3f: {  	_ =	shalt  }
0x40: {  	_ =	shalt  }
0x41: {  	_ =	shalt  }
0x42: {  	_ =	shalt  }
0x43: {  	_ =	shalt  }
0x44: {  	_ =	shalt  }
0x45: {  	_ =	shalt  }
0x46: {  	_ =	shalt  }
0x47: {  	_ =	shalt  }
0x48: {  	_ =	shalt  }
0x49: {  	_ =	shalt  }
0x4a: {  	_ =	shalt  }
0x4b: {  	_ =	shalt  }
0x4c: {  	_ =	shalt  }
0x4d: {  	_ =	shalt  }
0x4e: {  	_ =	shalt  }
0x4f: {  	_ =	shalt  }
0x50: {  	_ =	shalt  }
0x51: {  	_ =	shalt  }
0x52: {  	_ =	shalt  }
0x53: {  	_ =	shalt  }
0x54: {  	_ =	shalt  }
0x55: {  	_ =	shalt  }
0x56: {  	_ =	shalt  }
0x57: {  	_ =	shalt  }
0x58: {  	_ =	shalt  }
0x59: {  	_ =	shalt  }
0x5a: {  	_ =	shalt  }
0x5b: {  	_ =	shalt  }
0x5c: {  	_ =	shalt  }
0x5d: {  	_ =	shalt  }
0x5e: {  	_ =	shalt  }
0x5f: {  	_ =	shalt  }
0x60: {  	_ =	shalt  }
0x61: {  	_ =	shalt  }
0x62: {  	_ =	shalt  }
0x63: {  	_ =	shalt  }
0x64: {  	_ =	shalt  }
0x65: {  	_ =	shalt  }
0x66: {  	_ =	shalt  }
0x67: {  	_ =	shalt  }
0x68: {  	_ =	shalt  }
0x69: {  	_ =	shalt  }
0x6a: {  	_ =	shalt  }
0x6b: {  	_ =	shalt  }
0x6c: {  	_ =	shalt  }
0x6d: {  	_ =	shalt  }
0x6e: {  	_ =	shalt  }
0x6f: {  	_ =	shalt  }
0x70: {  	_ =	shalt  }
0x71: {  	_ =	shalt  }
0x72: {  	_ =	shalt  }
0x73: {  	_ =	shalt  }
0x74: {  	_ =	shalt  }
0x75: {  	_ =	shalt  }
0x76: {  	_ =	shalt  }
0x77: {  	_ =	shalt  }
0x78: {  	_ =	shalt  }
0x79: {  	_ =	shalt  }
0x7a: {  	_ =	shalt  }
0x7b: {  	_ =	shalt  }
0x7c: {  	_ =	shalt  }
0x7d: {  	_ =	shalt  }
0x7e: {  	_ =	shalt  }
0x7f: {  	_ =	shalt  }
0x80: {  	_ =	shalt  }
0x81: {  	_ =	shalt  }
0x82: {  	_ =	shalt  }
0x83: {  	_ =	shalt  }
0x84: {  	_ =	shalt  }
0x85: {  	_ =	shalt  }
0x86: {  	_ =	shalt  }
0x87: {  	_ =	shalt  }
.Lfunc_end0:
.L_simem_size_0:
called_computation_lowered:
.L_overlay_start_0:
0x88: {  	s2 =	sld [smem:$0x3FD9]  }
0x89: {  	s3 =	sld [smem:$0x3FFE];
	_ =	sdelay $0x1  }
0x8a: {  	s1 =	srdreg.scid  }
0x8b: {  	s0 =	sand.u32 $0x1, s1  }
0x8c: {  	s14 =	sshll.u32 s0, $0xA;
	s2 =	sadd.s32 s3, s2  }
0x8d: {  	s2 =	sadd.s32 s2, s14  }
0x8e: {  	[smem:$0x3FC0] =	sst s2  }
0x8f: {  	_ = 	snop  }
0x90: {  	s2 =	sld [smem:$0x3FD0];
	_ =	sdelay $0x2  }
0x91: {  	s15 =	simm.s32 $0xA;
	s4 =	simm.s32 $0x10  }
0x92: {  	[smem:s4], [sflag:s15] =	dma.local [hbm:s2], $0x1  }
0x93: {  	_ =	swait.eq [sflag:s15], $0x1  }
0x94: {  	[sflag:s15] =	ssyncset.done $0x0  }
0x95: {  	s16 =	sld [smem:$0x10];
	[sflag:s15] =	ssyncadd.s32 $0xFFFFFFFF  }
0x96: {  	s17 =	sld [smem:$0x11];
	(tm) =	ssettm $0x1  }
0x97: {  	s18 =	sld [smem:$0x3FFB];
	_ =	sdelay $0x3  }
0x98: {  	_ =	strace s18  }
0x99: {  	s4 =	sld [smem:$0x3FFC];
	_ =	sdelay $0x3  }
0x9a: {  	_ =	strace s4  }
0x9b: {  	s4 =	sld [smem:$0x3FFD];
	_ =	sdelay $0x3  }
0x9c: {  	_ =	strace s4  }
0x9d: {  	_ =	strace $0x8FFFFFFF  }
0x9e: {  	s19 =	sld [smem:$0x3FDB];
	_ =	sdelay $0x1  }
0x9f: {  	s5 =	simm.s32 $_scs_section_size  }
0xa0: {  	s6 =	simm.s32 $_size__tile_overlayer_lowered;
	s7 =	simm.s32 $_tile_overlayer_lowered  }
0xa1: {  	s22 =	simm.s32 $0x1BFF;
	s21 =	sshll.u32 s7, $0x1;
	s4 =	sadd.s32 s5, s19  }
0xa2: {  	s8 =	simm.s32 $0x0;
	s20 =	sshll.u32 s6, $0x1;
	s6 =	sadd.s32 s21, s4  }
0xa3: {  	[timem:s8], [sflag:s22] =	dma.local [hbm:s6], s20  }
0xa4: {  	_ =	swait.ge [sflag:s22], s20  }
0xa5: {  	s5 =	ssub.s32 $0x0, s20;
	[sflag:s22] =	ssyncset.done $0x0  }
0xa6: {  	[sflag:s22] =	ssyncadd.s32 s5;
	_ =	sdelay $0x1  }
0xa7: {  	s23 =	simm.s32 $0x1B8B  }
0xa8: {  	_ =	swait.ge [sflag:s23], $0x1  }
0xa9: {  	[sflag:s23] =	ssyncset.done $0x0  }
0xaa: {  	s25 =	simm.s32 $0x1B8E;
	s24 =	sld [smem:$0x3FFE];
	[sflag:s23] =	ssyncadd.s32 $0xFFFFFFFF  }
0xab: {  	s26 =	simm.s32 $execute0_lowered;
	[smem:$0x3FD2] =	sst s25  }
0xac: {  	s6 =	sshll.u32 s26, $0x1;
	_ =	strace $0x80000046;
	[dreg:$0x1] =	wrdreg $0xFFFFFFFF  }
0xad: {  	s28 =	simm.s32 $_size_execute0_lowered;
	s4 =	sadd.s32 s4, s6;
	[dreg:$0x0] =	wrdreg $0x0  }
0xae: {  	s6 =	sshll.u32 s28, $0x1;
	[dreg:$0x2] =	wrdreg s4  }
0xaf: {  	[dreg:$0x3] =	wrdreg s6  }
0xb0: {  	[dreg:$0x4] =	wrdreg $0xC0  }
0xb1: {  	_ =	task [dreg:s8], $0x5FFFF  }
0xb2: {  	[dreg:$0x1] =	wrdreg $0xFFFFFFFF  }
0xb3: {  	[dreg:$0x0] =	wrdreg $0x60  }
0xb4: {  	[dreg:$0x2] =	wrdreg s16  }
0xb5: {  	[dreg:$0x3] =	wrdreg s24  }
0xb6: {  	[dreg:$0x4] =	wrdreg s17  }
0xb7: {  	[dreg:$0x5] =	wrdreg $0x9  }
0xb8: {  	_ =	task.clear_ibuf [dreg:s8], $0x6FFFF;
	_ =	strace $0x90000046  }
0xb9: {  	s29 =	simm.s32 $0x9;
	_ =	strace $0x80000048  }
0xba: {  	_ =	swait.ge [sflag:s29], $0x1  }
0xbb: {  	[sflag:s29] =	ssyncadd.s32 $0xFFFFFFFF  }
0xbc: {  	_ =	strace $0x90000048  }
0xbd: {  	_ =	sfence  }
0xbe: {  	s30 =	sld [smem:$0x0];
	_ =	sdelay $0x2  }
0xbf: {  	s31 =	sshll.u32 s1, $0xD;
	s1 =	sshrl.u32 s1, $0x2  }
0xc0: {  	s3 =	sand.u32 $0x4000, s31;
	s1 =	sadd.s32 s1, s30  }
0xc1: {  	s0 =	sor.u32 s3, s0;
	s1 =	sshll.u32 s1, $0x11  }
0xc2: {  	s0 =	sor.u32 s1, s0  }
0xc3: {  	s0 =	sadd.s32 $0x8F2B, s0  }
0xc4: {  	[sflag:s0] =	ssyncadd.remote.s32 $0x1  }
0xc5: {  	_ =	sfence.sel $0xFFFF  }
0xc6: {  	[dreg:$0x0] =	wrdreg $0xFFFFFFFF;
	(pc) =	sbr.abs _section_cstart, $3  }
0xc7: {  	[dreg:$0x1] =	wrdreg $0xFFFFFFFF  }
0xc8: {  	_ =	task.clear_ibuf [dreg:s8], $0x2FFFF;
	_ =	strace $0x9FFFFFFF  }
0xc9: {  	(tm) =	ssettm $0x7FFFFFFF  }
tec
execute0_lowered:
.L_overlay_start_1:
0x0: {  	(tag) =	ssettag $0x1  }
0x1: {  	s7 =	rddreg [dreg:$0x0]  }
0x2: {  	s5 =	rddreg [dreg:$0x1]  }
0x3: {  	s9 =	rddreg [dreg:$0x2]  }
0x4: {  	s3 =	srdreg.scid;
	s0 =	stileid.u32  }
0x5: {  	s2 =	simm.s32 $0x0;
	s12 =	simm.s32 $0x2710;
	s13 =	simm.s32 $0x9C40  }
0x6: {  	s14 =	simm.s32 $0xBC40;
	s15 =	simm.s32 $0xDC40;
	s16 =	simm.s32 $0xAC40  }
0x7: {  	s17 =	simm.s32 $0xCC40;
	s18 =	simm.s32 $0xEC40;
	s19 =	simm.s32 $0x1  }
0x8: {  	s20 =	simm.s32 $0x3;
	s21 =	simm.s32 $0x5;
	s22 =	simm.s32 $0x4E20  }
0x9: {  	s23 =	simm.s32 $0x7530;
	s24 =	simm.s32 $0x2;
	s25 =	simm.s32 $0x4  }
0xa: {  	s26 =	simm.s32 $0x6;
	s6 =	sand.u32 $0x1, s3;
	s31 =	sshll.u32 s0, $0x1  }
0xb: {  	s28 =	simm.s32 $0x0;
	s1 =	simm.s32 $0x0;
	s8 =	sor.u32 s6, s31  }
0xc: {  	[smem:$0x7FF] =	sst s2;
	s3 =	sadd.s32 $0xB600, s5;
	s10 =	smul.u32 $0x4E20, s8  }
0xd: {  	s4 =	sadd.s32 $0x1F600, s5;
	s5 =	sadd.s32 $0x1600, s5;
	s6 =	ssub.s32 $0x2, s6  }
0xe: {  	s8 =	smul.u32 $0x9C4, s8;
	s11 =	sshrl.u32 s6, $0x1;
	s10 =	sshrl.u32 s10, $0x3  }
0xf: {  	_ =	strace $0x80000047;
	s11 =	ssub.s32 s6, s11;
	s10 =	sadd.s32 $0x4E2, s10  }
0x10: {  	s6 =	sadd.s32 s7, s8;
	s8 =	sadd.s32 s9, s8;
	s7 =	sadd.s32 s7, s10  }
0x11: {  	v0 =	vimm.f32 $0.0e+00;
	s9 =	sadd.s32 s9, s10;
	s10 =	smax.u32 s11, $0x1;
	s11 =	simm.s32 $0x7  }
.LBB2_1:
0x12: {  	[tilespmem:s2], [sflag:$0x7] =	stream.linear.gather [hbm4b:s6+s2], $0x2710, $0x38;
	[tilespmem:$0xFC40] =	vst v63  }
0x13: {  	_ =	swait.ge [sflag:s11], $0x2710  }
0x14: {  	[sflag:s11] =	ssyncset.done $0x0  }
0x15: {  	[sflag:s11] =	ssyncadd.s32 $0xFFFFD8F0  }
0x16: {  	[tilespmem:s12], [sflag:$0x7] =	stream.linear.gather [hbm4b:s7+s2], $0x2710, $0x38;
	[tilespmem:$0xFC40] =	vst v63  }
0x17: {  	_ =	swait.ge [sflag:s11], $0x2710  }
0x18: {  	[sflag:s11] =	ssyncset.done $0x0  }
0x19: {  	s29 =	simm.s32 $0x40;
	s30 =	simm.s32 $0x0;
	[sflag:s11] =	ssyncadd.s32 $0xFFFFD8F0  }
.LBB2_2:
0x1a: {  	p0 =	sne.s32 s29, $0x9C00;
	[tilespmem:s30+$0x4E20] =	vst v0;
	s31 =	smov.u32 s29;
	s29 =	sadd.s32 $0x40, s29  }
.Ltmp0:
0x1b: {  	[tilespmem:s30+$0x7530] =	vst v0;
	(pc) =	sbr.rel @p0 .LBB2_2-.Ltmp0, $2  }
0x1c: {  	_ =	sdelay $0x2  }
0x1d: {  	s30 =	sshra.s32 s31, $0x2  }
0x1e: {  	[tilespmem:s30+$0x4E20] =	vst v0  }
0x1f: {  	[tilespmem:s30+$0x7530] =	vst v0;
	s29 =	simm.s32 $0x0  }
0x20: {  	[tilespmem:s13], [sflag:$0x1] =	stream.linear.gather [hbm4b:s3+s29], $0x1000, $0x38;
	[tilespmem:$0xFC40] =	vst v63  }
0x21: {  	_ = 	snop  }
0x22: {  	[tilespmem:s14], [sflag:$0x3] =	stream.linear.gather [hbm4b:s4+s29], $0x1000, $0x38;
	[tilespmem:$0xFC40] =	vst v63  }
0x23: {  	s30 =	simm.s32 $0x0  }
0x24: {  	[tilespmem:s15], [sflag:$0x5] =	stream.linear.gather [hbm4b:s5+s29], $0x1000, $0x38;
	[tilespmem:$0xFC40] =	vst v63  }
.LBB2_4:
0x25: {  	s31 =	sshll.u32 s30, $0xA  }
0x26: {  	s31 =	sor.u32 $0x200, s31  }
0x27: {  	s0 =	sadd.s32 s3, s31  }
0x28: {  	[tilespmem:s16], [sflag:$0x2] =	stream.linear.gather [hbm4b:s0+s29], $0x1000, $0x38;
	[tilespmem:$0xFC40] =	vst v63  }
0x29: {  	s0 =	sadd.s32 s4, s31  }
0x2a: {  	[tilespmem:s17], [sflag:$0x4] =	stream.linear.gather [hbm4b:s0+s29], $0x1000, $0x38;
	[tilespmem:$0xFC40] =	vst v63  }
0x2b: {  	s0 =	sadd.s32 s5, s31  }
0x2c: {  	[tilespmem:s18], [sflag:$0x6] =	stream.linear.gather [hbm4b:s0+s29], $0x1000, $0x38;
	[tilespmem:$0xFC40] =	vst v63  }
0x2d: {  	_ =	swait.ge [sflag:s19], $0x1000  }
0x2e: {  	[sflag:s19] =	ssyncset.done $0x0  }
0x2f: {  	[sflag:s19] =	ssyncadd.s32 $0xFFFFF000  }
0x30: {  	_ =	swait.ge [sflag:s20], $0x1000  }
0x31: {  	[sflag:s20] =	ssyncset.done $0x0  }
0x32: {  	[sflag:s20] =	ssyncadd.s32 $0xFFFFF000  }
0x33: {  	_ =	swait.ge [sflag:s21], $0x1000  }
0x34: {  	[sflag:s21] =	ssyncset.done $0x0  }
0x35: {  	s0 =	simm.s32 $0x0;
	[sflag:s21] =	ssyncadd.s32 $0xFFFFF000  }
0x36: {  	v8 =	vld [tilespmem:s0+$0x9C70]  }
0x37: {  	v9 =	vld [tilespmem:s0+$0x9C60]  }
0x38: {  	v10 =	vld [tilespmem:s0+$0x9C50]  }
0x39: {  	v11 =	vld [tilespmem:s0+$0x9C40]  }
0x3a: {  	v1 =	vld [tilespmem:s0+$0xBC50]  }
0x3b: {  	v12 =	vld [tilespmem:s0+$0xDC40]  }
0x3c: {  	v4 =	vld [tilespmem:s0+$0xBC40]  }
0x3d: {  	v5 =	vld [tilespmem:s0+$0xDC60]  }
0x3e: {  	v3 =	vld [tilespmem:s0+$0xBC60]  }
0x3f: {  	v2 =	vld [tilespmem:s0+$0xBC70]  }
0x40: {  	v6 =	vld [tilespmem:s0+$0xDC50]  }
0x41: {  	v7 =	vld [tilespmem:s0+$0xDC70]  }
0x42: {  	v13 =	vld.idx.msk [tilespmem:v11+s2+$0x0], $0xffff  }
0x43: {  	v14 =	vld.idx.msk [tilespmem:v10+s2+$0x0], $0xffff  }
0x44: {  	v15 =	vld.idx.msk [tilespmem:v9+s2+$0x0], $0xffff  }
0x45: {  	v16 =	vld.idx.msk [tilespmem:v8+s2+$0x0], $0xffff;
	_ =	sdelay $0x1  }
0x46: {  	v13 =	vmul.f32 v13, v12  }
0x47: {  	v14 =	vmul.f32 v14, v6  }
0x48: {  	v62 =	vmul.f32 v15, v5;
	[tilespmem:v4+s22+$0x0] =	vst.idx.add.f32.msk $0xffff, v13  }
0x49: {  	v63 =	vmul.f32 v16, v7;
	[tilespmem:v1+s22+$0x0] =	vst.idx.add.f32.msk $0xffff, v14  }
0x4a: {  	[tilespmem:v3+s22+$0x0] =	vst.idx.add.f32.msk $0xffff, v62  }
0x4b: {  	[tilespmem:v2+s22+$0x0] =	vst.idx.add.f32.msk $0xffff, v63  }
0x4c: {  	v11 =	vld.idx.msk [tilespmem:v11+s12+$0x0], $0xffff  }
0x4d: {  	v10 =	vld.idx.msk [tilespmem:v10+s12+$0x0], $0xffff  }
0x4e: {  	v9 =	vld.idx.msk [tilespmem:v9+s12+$0x0], $0xffff  }
0x4f: {  	v8 =	vld.idx.msk [tilespmem:v8+s12+$0x0], $0xffff;
	_ =	sdelay $0x1  }
0x50: {  	s31 =	simm.s32 $0x100;
	v11 =	vmul.f32 v11, v12  }
.LBB2_5:
0x51: {  	p0 =	sne.s32 s31, $0x3F00;
	v6 =	vmul.f32 v10, v6;
	s0 =	smov.u32 s31;
	s31 =	sadd.s32 $0x100, s31  }
0x52: {  	[tilespmem:v4+s23+$0x0] =	vst.idx.add.f32.msk $0xffff, v11;
	v4 =	vmul.f32 v9, v5  }
0x53: {  	[tilespmem:v1+s23+$0x0] =	vst.idx.add.f32.msk $0xffff, v6;
	v1 =	vmul.f32 v8, v7  }
0x54: {  	s0 =	sshra.s32 s0, $0x2;
	[tilespmem:v3+s23+$0x0] =	vst.idx.add.f32.msk $0xffff, v4  }
0x55: {  	[tilespmem:v2+s23+$0x0] =	vst.idx.add.f32.msk $0xffff, v1  }
0x56: {  	v8 =	vld [tilespmem:s0+$0x9C70]  }
0x57: {  	v9 =	vld [tilespmem:s0+$0x9C60]  }
0x58: {  	v10 =	vld [tilespmem:s0+$0x9C50]  }
0x59: {  	v11 =	vld [tilespmem:s0+$0x9C40]  }
0x5a: {  	v1 =	vld [tilespmem:s0+$0xBC50]  }
0x5b: {  	v12 =	vld [tilespmem:s0+$0xDC40]  }
0x5c: {  	v4 =	vld [tilespmem:s0+$0xBC40]  }
0x5d: {  	v5 =	vld [tilespmem:s0+$0xDC60]  }
0x5e: {  	v3 =	vld [tilespmem:s0+$0xBC60]  }
0x5f: {  	v2 =	vld [tilespmem:s0+$0xBC70]  }
0x60: {  	v6 =	vld [tilespmem:s0+$0xDC50]  }
0x61: {  	v13 =	vld.idx.msk [tilespmem:v11+s2+$0x0], $0xffff  }
0x62: {  	v14 =	vld.idx.msk [tilespmem:v10+s2+$0x0], $0xffff  }
0x63: {  	v15 =	vld.idx.msk [tilespmem:v9+s2+$0x0], $0xffff  }
0x64: {  	v16 =	vld.idx.msk [tilespmem:v8+s2+$0x0], $0xffff  }
0x65: {  	v7 =	vld [tilespmem:s0+$0xDC70];
	_ =	sdelay $0x1  }
0x66: {  	v13 =	vmul.f32 v13, v12  }
0x67: {  	v14 =	vmul.f32 v14, v6  }
0x68: {  	[tilespmem:v4+s22+$0x0] =	vst.idx.add.f32.msk $0xffff, v13;
	v13 =	vmul.f32 v15, v5  }
0x69: {  	[tilespmem:v1+s22+$0x0] =	vst.idx.add.f32.msk $0xffff, v14;
	v14 =	vmul.f32 v16, v7  }
0x6a: {  	[tilespmem:v3+s22+$0x0] =	vst.idx.add.f32.msk $0xffff, v13  }
0x6b: {  	[tilespmem:v2+s22+$0x0] =	vst.idx.add.f32.msk $0xffff, v14  }
0x6c: {  	v11 =	vld.idx.msk [tilespmem:v11+s12+$0x0], $0xffff  }
0x6d: {  	v10 =	vld.idx.msk [tilespmem:v10+s12+$0x0], $0xffff  }
.Ltmp1:
0x6e: {  	v9 =	vld.idx.msk [tilespmem:v9+s12+$0x0], $0xffff;
	(pc) =	sbr.rel @p0 .LBB2_5-.Ltmp1, $2  }
0x6f: {  	v8 =	vld.idx.msk [tilespmem:v8+s12+$0x0], $0xffff;
	_ =	sdelay $0x2  }
0x70: {  	v11 =	vmul.f32 v11, v12  }
0x71: {  	_ =	sdelay $0x2  }
0x72: {  	v6 =	vmul.f32 v10, v6;
	s0 =	sshll.u32 s30, $0x1  }
0x73: {  	[tilespmem:v4+s23+$0x0] =	vst.idx.add.f32.msk $0xffff, v11;
	v4 =	vmul.f32 v9, v5;
	s0 =	smin.u32 s0, $0x4D  }
0x74: {  	[tilespmem:v1+s23+$0x0] =	vst.idx.add.f32.msk $0xffff, v6;
	v1 =	vmul.f32 v8, v7;
	s0 =	sshll.u32 s0, $0x9  }
0x75: {  	[tilespmem:v3+s23+$0x0] =	vst.idx.add.f32.msk $0xffff, v4;
	s0 =	sadd.s32 $0x400, s0  }
0x76: {  	[tilespmem:v2+s23+$0x0] =	vst.idx.add.f32.msk $0xffff, v1;
	s31 =	sadd.s32 s3, s0  }
0x77: {  	[tilespmem:s13], [sflag:$0x1] =	stream.linear.gather [hbm4b:s31+s1], $0x1000, $0x38;
	[tilespmem:$0xFC40] =	vst v63  }
0x78: {  	s31 =	sadd.s32 s4, s0  }
0x79: {  	[tilespmem:s14], [sflag:$0x3] =	stream.linear.gather [hbm4b:s31+s1], $0x1000, $0x38;
	[tilespmem:$0xFC40] =	vst v63  }
0x7a: {  	s0 =	sadd.s32 s5, s0  }
0x7b: {  	[tilespmem:s15], [sflag:$0x5] =	stream.linear.gather [hbm4b:s0+s1], $0x1000, $0x38;
	[tilespmem:$0xFC40] =	vst v63  }
0x7c: {  	_ =	swait.ge [sflag:s24], $0x1000  }
0x7d: {  	[sflag:s24] =	ssyncset.done $0x0  }
0x7e: {  	[sflag:s24] =	ssyncadd.s32 $0xFFFFF000  }
0x7f: {  	_ =	swait.ge [sflag:s25], $0x1000  }
0x80: {  	[sflag:s25] =	ssyncset.done $0x0  }
0x81: {  	[sflag:s25] =	ssyncadd.s32 $0xFFFFF000  }
0x82: {  	_ =	swait.ge [sflag:s26], $0x1000  }
0x83: {  	[sflag:s26] =	ssyncset.done $0x0  }
0x84: {  	s0 =	simm.s32 $0x0;
	[sflag:s26] =	ssyncadd.s32 $0xFFFFF000  }
0x85: {  	v8 =	vld [tilespmem:s0+$0xAC70]  }
0x86: {  	v9 =	vld [tilespmem:s0+$0xAC60]  }
0x87: {  	v10 =	vld [tilespmem:s0+$0xAC50]  }
0x88: {  	v11 =	vld [tilespmem:s0+$0xAC40]  }
0x89: {  	v1 =	vld [tilespmem:s0+$0xCC50]  }
0x8a: {  	v12 =	vld [tilespmem:s0+$0xEC40]  }
0x8b: {  	v4 =	vld [tilespmem:s0+$0xCC40]  }
0x8c: {  	v5 =	vld [tilespmem:s0+$0xEC60]  }
0x8d: {  	v3 =	vld [tilespmem:s0+$0xCC60]  }
0x8e: {  	v2 =	vld [tilespmem:s0+$0xCC70]  }
0x8f: {  	v6 =	vld [tilespmem:s0+$0xEC50]  }
0x90: {  	v7 =	vld [tilespmem:s0+$0xEC70]  }
0x91: {  	v13 =	vld.idx.msk [tilespmem:v11+s2+$0x0], $0xffff  }
0x92: {  	v14 =	vld.idx.msk [tilespmem:v10+s2+$0x0], $0xffff  }
0x93: {  	v15 =	vld.idx.msk [tilespmem:v9+s2+$0x0], $0xffff  }
0x94: {  	v16 =	vld.idx.msk [tilespmem:v8+s2+$0x0], $0xffff;
	_ =	sdelay $0x1  }
0x95: {  	v13 =	vmul.f32 v13, v12  }
0x96: {  	v14 =	vmul.f32 v14, v6  }
0x97: {  	v62 =	vmul.f32 v15, v5;
	[tilespmem:v4+s22+$0x0] =	vst.idx.add.f32.msk $0xffff, v13  }
0x98: {  	v63 =	vmul.f32 v16, v7;
	[tilespmem:v1+s22+$0x0] =	vst.idx.add.f32.msk $0xffff, v14  }
0x99: {  	[tilespmem:v3+s22+$0x0] =	vst.idx.add.f32.msk $0xffff, v62  }
0x9a: {  	[tilespmem:v2+s22+$0x0] =	vst.idx.add.f32.msk $0xffff, v63  }
0x9b: {  	v11 =	vld.idx.msk [tilespmem:v11+s12+$0x0], $0xffff  }
0x9c: {  	v10 =	vld.idx.msk [tilespmem:v10+s12+$0x0], $0xffff  }
0x9d: {  	v9 =	vld.idx.msk [tilespmem:v9+s12+$0x0], $0xffff  }
0x9e: {  	v8 =	vld.idx.msk [tilespmem:v8+s12+$0x0], $0xffff;
	_ =	sdelay $0x1  }
0x9f: {  	s31 =	simm.s32 $0x100;
	v11 =	vmul.f32 v11, v12  }
.LBB2_7:
0xa0: {  	p0 =	sne.s32 s31, $0x3F00;
	v6 =	vmul.f32 v10, v6;
	s0 =	smov.u32 s31;
	s31 =	sadd.s32 $0x100, s31  }
0xa1: {  	[tilespmem:v4+s23+$0x0] =	vst.idx.add.f32.msk $0xffff, v11;
	v4 =	vmul.f32 v9, v5  }
0xa2: {  	[tilespmem:v1+s23+$0x0] =	vst.idx.add.f32.msk $0xffff, v6;
	v1 =	vmul.f32 v8, v7  }
0xa3: {  	s0 =	sshra.s32 s0, $0x2;
	[tilespmem:v3+s23+$0x0] =	vst.idx.add.f32.msk $0xffff, v4  }
0xa4: {  	[tilespmem:v2+s23+$0x0] =	vst.idx.add.f32.msk $0xffff, v1  }
0xa5: {  	v8 =	vld [tilespmem:s0+$0xAC70]  }
0xa6: {  	v9 =	vld [tilespmem:s0+$0xAC60]  }
0xa7: {  	v10 =	vld [tilespmem:s0+$0xAC50]  }
0xa8: {  	v11 =	vld [tilespmem:s0+$0xAC40]  }
0xa9: {  	v1 =	vld [tilespmem:s0+$0xCC50]  }
0xaa: {  	v12 =	vld [tilespmem:s0+$0xEC40]  }
0xab: {  	v4 =	vld [tilespmem:s0+$0xCC40]  }
0xac: {  	v5 =	vld [tilespmem:s0+$0xEC60]  }
0xad: {  	v3 =	vld [tilespmem:s0+$0xCC60]  }
0xae: {  	v2 =	vld [tilespmem:s0+$0xCC70]  }
0xaf: {  	v6 =	vld [tilespmem:s0+$0xEC50]  }
0xb0: {  	v13 =	vld.idx.msk [tilespmem:v11+s2+$0x0], $0xffff  }
0xb1: {  	v14 =	vld.idx.msk [tilespmem:v10+s2+$0x0], $0xffff  }
0xb2: {  	v15 =	vld.idx.msk [tilespmem:v9+s2+$0x0], $0xffff  }
0xb3: {  	v16 =	vld.idx.msk [tilespmem:v8+s2+$0x0], $0xffff  }
0xb4: {  	v7 =	vld [tilespmem:s0+$0xEC70];
	_ =	sdelay $0x1  }
0xb5: {  	v13 =	vmul.f32 v13, v12  }
0xb6: {  	v14 =	vmul.f32 v14, v6  }
0xb7: {  	[tilespmem:v4+s22+$0x0] =	vst.idx.add.f32.msk $0xffff, v13;
	v13 =	vmul.f32 v15, v5  }
0xb8: {  	[tilespmem:v1+s22+$0x0] =	vst.idx.add.f32.msk $0xffff, v14;
	v14 =	vmul.f32 v16, v7  }
0xb9: {  	[tilespmem:v3+s22+$0x0] =	vst.idx.add.f32.msk $0xffff, v13  }
0xba: {  	[tilespmem:v2+s22+$0x0] =	vst.idx.add.f32.msk $0xffff, v14  }
0xbb: {  	v11 =	vld.idx.msk [tilespmem:v11+s12+$0x0], $0xffff  }
0xbc: {  	v10 =	vld.idx.msk [tilespmem:v10+s12+$0x0], $0xffff  }
.Ltmp2:
0xbd: {  	v9 =	vld.idx.msk [tilespmem:v9+s12+$0x0], $0xffff;
	(pc) =	sbr.rel @p0 .LBB2_7-.Ltmp2, $2  }
0xbe: {  	v8 =	vld.idx.msk [tilespmem:v8+s12+$0x0], $0xffff;
	_ =	sdelay $0x2  }
0xbf: {  	v11 =	vmul.f32 v11, v12  }
0xc0: {  	_ = 	snop  }
0xc1: {  	s30 =	sadd.s32 $0x1, s30  }
0xc2: {  	p0 =	sne.s32 s30, $0x28  }
.Ltmp3:
0xc3: {  	v6 =	vmul.f32 v10, v6;
	(pc) =	sbr.rel @p0 .LBB2_4-.Ltmp3, $4  }
0xc4: {  	v63 =	vmul.f32 v9, v5;
	[tilespmem:v4+s23+$0x0] =	vst.idx.add.f32.msk $0xffff, v11  }
0xc5: {  	[tilespmem:v1+s23+$0x0] =	vst.idx.add.f32.msk $0xffff, v6;
	v1 =	vmul.f32 v8, v7  }
0xc6: {  	[tilespmem:v3+s23+$0x0] =	vst.idx.add.f32.msk $0xffff, v63  }
0xc7: {  	[tilespmem:v2+s23+$0x0] =	vst.idx.add.f32.msk $0xffff, v1  }
0xc8: {  	_ =	swait.ge [sflag:s19], $0x1000  }
0xc9: {  	[sflag:s19] =	ssyncset.done $0x0  }
0xca: {  	[sflag:s19] =	ssyncadd.s32 $0xFFFFF000  }
0xcb: {  	_ =	swait.ge [sflag:s20], $0x1000  }
0xcc: {  	[sflag:s20] =	ssyncset.done $0x0  }
0xcd: {  	[sflag:s20] =	ssyncadd.s32 $0xFFFFF000  }
0xce: {  	_ =	swait.ge [sflag:s21], $0x1000  }
0xcf: {  	[sflag:s21] =	ssyncset.done $0x0  }
0xd0: {  	[sflag:s21] =	ssyncadd.s32 $0xFFFFF000  }
0xd1: {  	[hbm4b:s8+s2] =	stream.linear.scatter [tilespmem:s22], [sflag:$0x7], $0x2710, $0x38;
	[tilespmem:$0xFC40] =	vst v63  }
0xd2: {  	s28 =	sadd.s32 $0x1, s28;
	_ =	swait.ge [sflag:s11], $0x2710  }
0xd3: {  	p0 =	sne.s32 s28, s10;
	[sflag:s11] =	ssyncset.done $0x0  }
.Ltmp4:
0xd4: {  	[sflag:s11] =	ssyncadd.s32 $0xFFFFD8F0;
	(pc) =	sbr.rel @p0 .LBB2_1-.Ltmp4, $4  }
0xd5: {  	[hbm4b:s9+s2] =	stream.linear.scatter [tilespmem:s23], [sflag:$0x7], $0x2710, $0x38;
	[tilespmem:$0xFC40] =	vst v63  }
0xd6: {  	_ =	swait.ge [sflag:s11], $0x2710  }
0xd7: {  	[sflag:s11] =	ssyncset.done $0x0  }
0xd8: {  	[sflag:s11] =	ssyncadd.s32 $0xFFFFD8F0  }
0xd9: {  	_ =	sfence.sel $0x180000  }
0xda: {  	[bflag:$0x0] =	sbarrier.arrive $0xFFFF  }
0xdb: {  	_ =	strace $0x90000047  }
0xdc: {  	s0 =	stileid.u32;
	[bflag:$0x2] =	sbarrier.arrive $0xFFFF  }
0xdd: {  	p0 =	sne.s32 s0, $0x0;
	s0 =	rddreg [dreg:$0x3]  }
0xde: {  	s0 =	sadd.s32 @!p0 $0x100000, s0  }
0xdf: {  	[sflag:s0] =	ssyncadd.tile.s32 @!p0 $0x1;
	_ =	shalt  }
.Lfunc_end2:
_tile_overlayer_lowered:
.L_overlay_start_2:
0xe0: {  	(tag) =	ssettag $0x2  }
0xe1: {  	s0 =	rddreg [dreg:$0x0];
	s2 =	stileid.u32  }
0xe2: {  	s1 =	rddreg [dreg:$0x1];
	p0 =	sne.s32 s2, $0x0  }
0xe3: {  	s3 =	rddreg [dreg:$0x2];
	[bflag:$0x3] =	sbarrier.arrive $0xFFFF;
	s2 =	simm.s32 @!p0 $0x1C07  }
0xe4: {  	[timem:s3], [sflag:s2] =	dma.local @!p0 [hbm:s0], s1  }
0xe5: {  	s0 =	simm.s32 @!p0 $0x7  }
0xe6: {  	_ =	swait.ge @!p0 [sflag:s0], s1  }
0xe7: {  	s1 =	ssub.s32 @!p0 $0x0, s1;
	[sflag:s0] =	ssyncset.done @!p0 $0x0  }
0xe8: {  	[sflag:s0] =	ssyncadd.s32 @!p0 s1  }
0xe9: {  	[bflag:$0x3] =	sbarrier.arrive $0xFFFF  }
0xea: {  	_ =	shalt  }

// kernel: kernel.14.cloned.1.call-start
scs
__scs_entry_jumppad:
0x0: {  	(pc) =	sbr.rel $0x88, $3  }
0x1: {  	(tag) =	ssettag $0x0;
	lr =	simm.s32 $0x1  }
0x2: {  	[smem:$0x3F99] =	sst lr;
	_ =	strace $0xD0000000  }
0x3: {  	_ = 	snop  }
0x4: {  	_ = 	snop  }
0x5: {  	_ = 	snop  }
0x6: {  	_ = 	snop  }
0x7: {  	_ = 	snop  }
__scs_overlays_trampoline_lowered:
0x8: {  	[smem:$0x3FA8] =	sst s0  }
0x9: {  	[smem:$0x3FA9] =	sst s1  }
0xa: {  	[smem:$0x3FAA] =	sst s2  }
0xb: {  	[smem:$0x3FAB] =	sst s3  }
0xc: {  	[smem:$0x3FAC] =	sst s4  }
0xd: {  	[smem:$0x3FAD] =	sst s5  }
0xe: {  	[smem:$0x3FAE] =	sst s6  }
0xf: {  	[smem:$0x3FAF] =	sst s7  }
0x10: {  	[smem:$0x3FB0] =	sst s8  }
0x11: {  	[smem:$0x3FB1] =	sst s9;
	s0 =	simm.s32 @!p0 $0x0  }
0x12: {  	s1 =	sld [smem:$0x3F97];
	s0 =	simm.s32 @p0 $0x1  }
0x13: {  	[smem:$0x3FB2] =	sst s0;
	s0 =	simm.s32 @!p1 $0x0  }
0x14: {  	s2 =	sld [smem:$0x3F96];
	s0 =	simm.s32 @p1 $0x1  }
0x15: {  	[smem:$0x3FB3] =	sst s0;
	s0 =	simm.s32 @!p2 $0x0  }
0x16: {  	s3 =	sld [smem:$0x3FDB];
	s0 =	simm.s32 @p2 $0x1  }
0x17: {  	s4 =	simm.s32 $0x1BF5;
	[smem:$0x3FB5] =	sst s0  }
0x18: {  	s0 =	sld [smem:$0x3F98];
	_ =	swait.ge [sflag:s4], $0x0  }
0x19: {  	s7 =	sld [smem:$0x3F99]  }
0x1a: {  	s8 =	sadd.s32 $0xFFFFE003, lr  }
0x1b: {  	s9 =	sadd.s32 $0xFFFFFEF7, lr;
	s5 =	simm.s32 $0xFFFFFFFF;
	p2 =	slt.u32 s8, $0xFFFFF086  }
0x1c: {  	p1 =	slt.u32 s9, $0xF7A;
	s5 =	simm.s32 @!p2 $0x0  }
0x1d: {  	s5 =	simm.s32 @p1 $0x1;
	p0 =	seq.s32 s7, s2  }
0x1e: {  	s7 =	smul.u32 @!p0 $0xF7A, s2;
	p2 =	seq.s32 @!p0 s5, $0x0  }
0x1f: {  	s9 =	smul.u32 $0xF7A, s1;
	s8 =	simm.s32 @!p0 $0x1BF5;
	p2 =	por !p2, p0  }
0x20: {  	[sflag:s8] =	ssyncset.s32 @!p0 $0xFFFFF086;
	s6 =	sadd.s32 @!p0 s3, s7;
	s7 =	simm.s32 @!p0 $0x108  }
0x21: {  	s3 =	sadd.s32 s3, s9;
	s6 =	sadd.s32 @!p0 $0x88, s6;
	s7 =	simm.s32 @p2 $0x1082  }
0x22: {  	[simem:s7], [sflag:s8] =	dma.local @!p0 [hbm:s6], $0xF7A  }
0x23: {  	s9 =	sor.u32 $0xD0000000, s2;
	s6 =	simm.s32 $0x108;
	_ =	swait.ge @!p0 [sflag:s8], $0x0  }
0x24: {  	s3 =	sadd.s32 $0x88, s3;
	s6 =	simm.s32 @!p1 $0x1082;
	[sflag:s4] =	ssyncset.s32 $0xFFFFF086  }
0x25: {  	[simem:s6], [sflag:s4] =	dma.local [hbm:s3], $0xF7A  }
0x26: {  	[smem:$0x3F99] =	sst s1;
	(tag) =	ssettag s2;
	_ =	strace s9  }
0x27: {  	s1 =	sld [smem:$0x3FA9]  }
0x28: {  	s2 =	sld [smem:$0x3FAA]  }
0x29: {  	s4 =	sld [smem:$0x3FAC]  }
0x2a: {  	p0 =	seq.s32 s5, $0x0;
	s5 =	sld [smem:$0x3FAD]  }
0x2b: {  	s6 =	sld [smem:$0x3FAE]  }
0x2c: {  	s7 =	sld [smem:$0x3FAF]  }
0x2d: {  	s3 =	simm.s32 $0x108;
	s8 =	sld [smem:$0x3FB0]  }
0x2e: {  	s3 =	simm.s32 @!p0 $0x1082;
	s9 =	sld [smem:$0x3FB1]  }
0x2f: {  	lr =	sadd.s32 s0, s3;
	s0 =	sld [smem:$0x3FA8]  }
0x30: {  	s3 =	sld [smem:$0x3FAB]  }
0x31: {  	[smem:$0x3FB4] =	sst s10  }
0x32: {  	s10 =	sld [smem:$0x3FB2];
	_ =	sdelay $0x3  }
0x33: {  	p0 =	seq.s32 s10, $0x1;
	s10 =	sld [smem:$0x3FB4];
	_ =	sdelay $0x3  }
0x34: {  	[smem:$0x3FB4] =	sst s10  }
0x35: {  	s10 =	sld [smem:$0x3FB3];
	_ =	sdelay $0x3  }
0x36: {  	p1 =	seq.s32 s10, $0x1;
	s10 =	sld [smem:$0x3FB4];
	_ =	sdelay $0x3  }
0x37: {  	[smem:$0x3FB4] =	sst s10  }
0x38: {  	s10 =	sld [smem:$0x3FB5]  }
0x39: {  	_ = 	snop;
	(pc) =	sbr.ind lr, $3  }
0x3a: {  	_ = 	snop  }
0x3b: {  	_ = 	snop  }
0x3c: {  	p2 =	seq.s32 s10, $0x1;
	s10 =	sld [smem:$0x3FB4]  }
0x3d: {  	_ =	shalt  }
0x3e: {  	_ =	shalt  }
0x3f: {  	_ =	shalt  }
0x40: {  	_ =	shalt  }
0x41: {  	_ =	shalt  }
0x42: {  	_ =	shalt  }
0x43: {  	_ =	shalt  }
0x44: {  	_ =	shalt  }
0x45: {  	_ =	shalt  }
0x46: {  	_ =	shalt  }
0x47: {  	_ =	shalt  }
0x48: {  	_ =	shalt  }
0x49: {  	_ =	shalt  }
0x4a: {  	_ =	shalt  }
0x4b: {  	_ =	shalt  }
0x4c: {  	_ =	shalt  }
0x4d: {  	_ =	shalt  }
0x4e: {  	_ =	shalt  }
0x4f: {  	_ =	shalt  }
0x50: {  	_ =	shalt  }
0x51: {  	_ =	shalt  }
0x52: {  	_ =	shalt  }
0x53: {  	_ =	shalt  }
0x54: {  	_ =	shalt  }
0x55: {  	_ =	shalt  }
0x56: {  	_ =	shalt  }
0x57: {  	_ =	shalt  }
0x58: {  	_ =	shalt  }
0x59: {  	_ =	shalt  }
0x5a: {  	_ =	shalt  }
0x5b: {  	_ =	shalt  }
0x5c: {  	_ =	shalt  }
0x5d: {  	_ =	shalt  }
0x5e: {  	_ =	shalt  }
0x5f: {  	_ =	shalt  }
0x60: {  	_ =	shalt  }
0x61: {  	_ =	shalt  }
0x62: {  	_ =	shalt  }
0x63: {  	_ =	shalt  }
0x64: {  	_ =	shalt  }
0x65: {  	_ =	shalt  }
0x66: {  	_ =	shalt  }
0x67: {  	_ =	shalt  }
0x68: {  	_ =	shalt  }
0x69: {  	_ =	shalt  }
0x6a: {  	_ =	shalt  }
0x6b: {  	_ =	shalt  }
0x6c: {  	_ =	shalt  }
0x6d: {  	_ =	shalt  }
0x6e: {  	_ =	shalt  }
0x6f: {  	_ =	shalt  }
0x70: {  	_ =	shalt  }
0x71: {  	_ =	shalt  }
0x72: {  	_ =	shalt  }
0x73: {  	_ =	shalt  }
0x74: {  	_ =	shalt  }
0x75: {  	_ =	shalt  }
0x76: {  	_ =	shalt  }
0x77: {  	_ =	shalt  }
0x78: {  	_ =	shalt  }
0x79: {  	_ =	shalt  }
0x7a: {  	_ =	shalt  }
0x7b: {  	_ =	shalt  }
0x7c: {  	_ =	shalt  }
0x7d: {  	_ =	shalt  }
0x7e: {  	_ =	shalt  }
0x7f: {  	_ =	shalt  }
0x80: {  	_ =	shalt  }
0x81: {  	_ =	shalt  }
0x82: {  	_ =	shalt  }
0x83: {  	_ =	shalt  }
0x84: {  	_ =	shalt  }
0x85: {  	_ =	shalt  }
0x86: {  	_ =	shalt  }
0x87: {  	_ =	shalt  }
.Lfunc_end0:
.L_simem_size_0:
called_computation.1_lowered:
.L_overlay_start_0:
0x88: {  	s2 =	sld [smem:$0x3FD9]  }
0x89: {  	s3 =	sld [smem:$0x3FFE];
	_ =	sdelay $0x1  }
0x8a: {  	s1 =	srdreg.scid  }
0x8b: {  	s0 =	sand.u32 $0x1, s1  }
0x8c: {  	s14 =	sshll.u32 s0, $0xA;
	s2 =	sadd.s32 s3, s2  }
0x8d: {  	s2 =	sadd.s32 s2, s14  }
0x8e: {  	[smem:$0x3FC0] =	sst s2  }
0x8f: {  	_ = 	snop  }
0x90: {  	s2 =	sld [smem:$0x3FD0];
	_ =	sdelay $0x2  }
0x91: {  	s15 =	simm.s32 $0xA;
	s4 =	simm.s32 $0x10  }
0x92: {  	[smem:s4], [sflag:s15] =	dma.local [hbm:s2], $0x1  }
0x93: {  	_ =	swait.eq [sflag:s15], $0x1  }
0x94: {  	[sflag:s15] =	ssyncset.done $0x0  }
0x95: {  	s16 =	sld [smem:$0x10];
	[sflag:s15] =	ssyncadd.s32 $0xFFFFFFFF  }
0x96: {  	s17 =	sld [smem:$0x11];
	(tm) =	ssettm $0x1  }
0x97: {  	s18 =	sld [smem:$0x3FFB];
	_ =	sdelay $0x3  }
0x98: {  	_ =	strace s18  }
0x99: {  	s4 =	sld [smem:$0x3FFC];
	_ =	sdelay $0x3  }
0x9a: {  	_ =	strace s4  }
0x9b: {  	s4 =	sld [smem:$0x3FFD];
	_ =	sdelay $0x3  }
0x9c: {  	_ =	strace s4  }
0x9d: {  	_ =	strace $0x8FFFFFFF  }
0x9e: {  	s19 =	sld [smem:$0x3FDB];
	_ =	sdelay $0x1  }
0x9f: {  	s5 =	simm.s32 $_scs_section_size  }
0xa0: {  	s6 =	simm.s32 $_size__tile_overlayer_lowered;
	s7 =	simm.s32 $_tile_overlayer_lowered  }
0xa1: {  	s22 =	simm.s32 $0x1BFF;
	s21 =	sshll.u32 s7, $0x1;
	s4 =	sadd.s32 s5, s19  }
0xa2: {  	s8 =	simm.s32 $0x0;
	s20 =	sshll.u32 s6, $0x1;
	s6 =	sadd.s32 s21, s4  }
0xa3: {  	[timem:s8], [sflag:s22] =	dma.local [hbm:s6], s20  }
0xa4: {  	_ =	swait.ge [sflag:s22], s20  }
0xa5: {  	s5 =	ssub.s32 $0x0, s20;
	[sflag:s22] =	ssyncset.done $0x0  }
0xa6: {  	[sflag:s22] =	ssyncadd.s32 s5;
	_ =	sdelay $0x1  }
0xa7: {  	s23 =	simm.s32 $0x1B8B  }
0xa8: {  	_ =	swait.ge [sflag:s23], $0x1  }
0xa9: {  	[sflag:s23] =	ssyncset.done $0x0  }
0xaa: {  	s25 =	simm.s32 $0x1B8E;
	s24 =	sld [smem:$0x3FFE];
	[sflag:s23] =	ssyncadd.s32 $0xFFFFFFFF  }
0xab: {  	s26 =	simm.s32 $execute0_lowered;
	[smem:$0x3FD2] =	sst s25  }
0xac: {  	s6 =	sshll.u32 s26, $0x1;
	_ =	strace $0x80000049;
	[dreg:$0x1] =	wrdreg $0xFFFFFFFF  }
0xad: {  	s28 =	simm.s32 $_size_execute0_lowered;
	s4 =	sadd.s32 s4, s6;
	[dreg:$0x0] =	wrdreg $0x0  }
0xae: {  	s6 =	sshll.u32 s28, $0x1;
	[dreg:$0x2] =	wrdreg s4  }
0xaf: {  	[dreg:$0x3] =	wrdreg s6  }
0xb0: {  	[dreg:$0x4] =	wrdreg $0xC0  }
0xb1: {  	_ =	task [dreg:s8], $0x5FFFF  }
0xb2: {  	[dreg:$0x1] =	wrdreg $0xFFFFFFFF  }
0xb3: {  	[dreg:$0x0] =	wrdreg $0x60  }
0xb4: {  	[dreg:$0x2] =	wrdreg s16  }
0xb5: {  	[dreg:$0x3] =	wrdreg s24  }
0xb6: {  	[dreg:$0x4] =	wrdreg s17  }
0xb7: {  	[dreg:$0x5] =	wrdreg $0x9  }
0xb8: {  	_ =	task.clear_ibuf [dreg:s8], $0x6FFFF;
	_ =	strace $0x90000049  }
0xb9: {  	s29 =	simm.s32 $0x9;
	_ =	strace $0x8000004B  }
0xba: {  	_ =	swait.ge [sflag:s29], $0x1  }
0xbb: {  	[sflag:s29] =	ssyncadd.s32 $0xFFFFFFFF  }
0xbc: {  	_ =	strace $0x9000004B  }
0xbd: {  	_ =	sfence  }
0xbe: {  	s30 =	sld [smem:$0x0];
	_ =	sdelay $0x2  }
0xbf: {  	s31 =	sshll.u32 s1, $0xD;
	s1 =	sshrl.u32 s1, $0x2  }
0xc0: {  	s3 =	sand.u32 $0x4000, s31;
	s1 =	sadd.s32 s1, s30  }
0xc1: {  	s0 =	sor.u32 s3, s0;
	s1 =	sshll.u32 s1, $0x11  }
0xc2: {  	s0 =	sor.u32 s1, s0  }
0xc3: {  	s0 =	sadd.s32 $0x8F2B, s0  }
0xc4: {  	[sflag:s0] =	ssyncadd.remote.s32 $0x1  }
0xc5: {  	_ =	sfence.sel $0xFFFF  }
0xc6: {  	[dreg:$0x0] =	wrdreg $0xFFFFFFFF;
	(pc) =	sbr.abs _section_cstart, $3  }
0xc7: {  	[dreg:$0x1] =	wrdreg $0xFFFFFFFF  }
0xc8: {  	_ =	task.clear_ibuf [dreg:s8], $0x2FFFF;
	_ =	strace $0x9FFFFFFF  }
0xc9: {  	(tm) =	ssettm $0x7FFFFFFF  }
tec
execute0_lowered:
.L_overlay_start_1:
0x0: {  	(tag) =	ssettag $0x1  }
0x1: {  	s5 =	rddreg [dreg:$0x0]  }
0x2: {  	s4 =	rddreg [dreg:$0x1]  }
0x3: {  	s6 =	rddreg [dreg:$0x2]  }
0x4: {  	s0 =	rddreg [dreg:$0x3]  }
0x5: {  	s3 =	srdreg.scid;
	s1 =	stileid.u32  }
0x6: {  	s2 =	simm.s32 $0x0;
	s10 =	simm.s32 $0x6E20;
	s11 =	simm.s32 $0x5E20  }
0x7: {  	s12 =	simm.s32 $0x7E20;
	s13 =	simm.s32 $0x1;
	s14 =	simm.s32 $0x3  }
0x8: {  	s15 =	simm.s32 $0x2710;
	s16 =	simm.s32 $0x2;
	s17 =	simm.s32 $0x4  }
0x9: {  	s18 =	simm.s32 $0x0;
	s3 =	sand.u32 $0x1, s3;
	s7 =	sshll.u32 s1, $0x1  }
0xa: {  	s23 =	simm.s32 $0x0;
	[smem:$0x7FF] =	sst s2;
	s7 =	sor.u32 s3, s7  }
0xb: {  	_ =	strace $0x8000004A;
	s8 =	ssub.s32 $0x2, s3;
	s7 =	smul.u32 $0x4E2, s7  }
0xc: {  	s3 =	sadd.s32 $0x15600, s4;
	s4 =	sadd.s32 $0x1600, s4;
	s9 =	sshrl.u32 s8, $0x1  }
0xd: {  	s8 =	ssub.s32 s8, s9;
	s9 =	simm.s32 $0x4E20;
	s5 =	sadd.s32 s5, s7  }
0xe: {  	v0 =	vimm.f32 $0.0e+00;
	s6 =	sadd.s32 s6, s7;
	s7 =	smax.u32 s8, $0x1;
	s8 =	simm.s32 $0x5  }
.LBB2_1:
0xf: {  	[tilespmem:s2], [sflag:$0x5] =	stream.linear.gather [hbm4b:s5+s2], $0x2710, $0x38;
	[tilespmem:$0x8E20] =	vst v63  }
0x10: {  	_ =	swait.ge [sflag:s8], $0x2710  }
0x11: {  	[sflag:s8] =	ssyncset.done $0x0  }
0x12: {  	s19 =	simm.s32 $0x40;
	s20 =	simm.s32 $0x0;
	[sflag:s8] =	ssyncadd.s32 $0xFFFFD8F0  }
.LBB2_2:
0x13: {  	p0 =	sne.s32 s19, $0x9C00;
	[tilespmem:s20+$0x2710] =	vst v0;
	s20 =	smov.u32 s19;
	s19 =	sadd.s32 $0x40, s19  }
.Ltmp0:
0x14: {  	(pc) =	sbr.rel @p0 .LBB2_2-.Ltmp0, $2  }
0x15: {  	_ =	sdelay $0x2  }
0x16: {  	s20 =	sshra.s32 s20, $0x2  }
0x17: {  	[tilespmem:s20+$0x2710] =	vst v0;
	s19 =	simm.s32 $0x0  }
0x18: {  	[tilespmem:s9], [sflag:$0x1] =	stream.linear.gather [hbm4b:s3+s19], $0x1000, $0x38;
	[tilespmem:$0x8E20] =	vst v63  }
0x19: {  	s20 =	simm.s32 $0x0  }
0x1a: {  	[tilespmem:s10], [sflag:$0x3] =	stream.linear.gather [hbm4b:s4+s19], $0x1000, $0x38;
	[tilespmem:$0x8E20] =	vst v63  }
.LBB2_4:
0x1b: {  	s21 =	sshll.u32 s20, $0xA  }
0x1c: {  	s21 =	sor.u32 $0x200, s21  }
0x1d: {  	s22 =	sadd.s32 s3, s21  }
0x1e: {  	[tilespmem:s11], [sflag:$0x2] =	stream.linear.gather [hbm4b:s22+s19], $0x1000, $0x38;
	[tilespmem:$0x8E20] =	vst v63  }
0x1f: {  	s21 =	sadd.s32 s4, s21  }
0x20: {  	[tilespmem:s12], [sflag:$0x4] =	stream.linear.gather [hbm4b:s21+s19], $0x1000, $0x38;
	[tilespmem:$0x8E20] =	vst v63  }
0x21: {  	_ =	swait.ge [sflag:s13], $0x1000  }
0x22: {  	[sflag:s13] =	ssyncset.done $0x0  }
0x23: {  	[sflag:s13] =	ssyncadd.s32 $0xFFFFF000  }
0x24: {  	_ =	swait.ge [sflag:s14], $0x1000  }
0x25: {  	[sflag:s14] =	ssyncset.done $0x0  }
0x26: {  	s31 =	simm.s32 $0x0;
	[sflag:s14] =	ssyncadd.s32 $0xFFFFF000  }
0x27: {  	v1 =	vld [tilespmem:s31+$0x4E50]  }
0x28: {  	v2 =	vld [tilespmem:s31+$0x4E60]  }
0x29: {  	v3 =	vld [tilespmem:s31+$0x4E80]  }
0x2a: {  	v4 =	vld [tilespmem:s31+$0x4E70]  }
0x2b: {  	v5 =	vld [tilespmem:s31+$0x4E90]  }
0x2c: {  	v6 =	vld [tilespmem:s31+$0x4E30]  }
0x2d: {  	v7 =	vld [tilespmem:s31+$0x4E20]  }
0x2e: {  	v8 =	vld [tilespmem:s31+$0x4E40]  }
0x2f: {  	v9 =	vld [tilespmem:s31+$0x6E30]  }
0x30: {  	v10 =	vld [tilespmem:s31+$0x6E20]  }
0x31: {  	v12 =	vld [tilespmem:s31+$0x6E80]  }
0x32: {  	v13 =	vld [tilespmem:s31+$0x6E70];
	v11 =	vand.u32 $0x3FFF, v3  }
0x33: {  	v16 =	vld [tilespmem:s31+$0x6E60];
	v14 =	vand.u32 $0x3FFF, v7  }
0x34: {  	v18 =	vld [tilespmem:s31+$0x6E50];
	v15 =	vand.u32 $0x3FFF, v6  }
0x35: {  	v20 =	vld [tilespmem:s31+$0x6E40];
	v17 =	vand.u32 $0x3FFF, v8  }
0x36: {  	v59 =	vld [tilespmem:s31+$0x6E90];
	v19 =	vand.u32 $0x3FFF, v1  }
0x37: {  	v21 =	vand.u32 $0x3FFF, v2;
	v11 =	vld.idx.msk [tilespmem:v11+s2+$0x0], $0xffff  }
0x38: {  	v22 =	vand.u32 $0x3FFF, v4;
	v14 =	vld.idx.msk [tilespmem:v14+s2+$0x0], $0xffff  }
0x39: {  	v23 =	vand.u32 $0x3FFF, v5;
	v15 =	vld.idx.msk [tilespmem:v15+s2+$0x0], $0xffff  }
0x3a: {  	v7 =	vshrl.u32 v7, $0xE;
	v17 =	vld.idx.msk [tilespmem:v17+s2+$0x0], $0xffff  }
0x3b: {  	v6 =	vshrl.u32 v6, $0xE;
	v19 =	vld.idx.msk [tilespmem:v19+s2+$0x0], $0xffff  }
0x3c: {  	v8 =	vshrl.u32 v8, $0xE;
	v21 =	vld.idx.msk [tilespmem:v21+s2+$0x0], $0xffff  }
0x3d: {  	v1 =	vshrl.u32 v1, $0xE;
	v22 =	vld.idx.msk [tilespmem:v22+s2+$0x0], $0xffff;
	v10 =	vmul.f32 v14, v10  }
0x3e: {  	v2 =	vshrl.u32 v2, $0xE;
	v23 =	vld.idx.msk [tilespmem:v23+s2+$0x0], $0xffff;
	v9 =	vmul.f32 v15, v9  }
0x3f: {  	v4 =	vshrl.u32 v4, $0xE;
	v60 =	vmul.f32 v17, v20;
	[tilespmem:v7+s15+$0x0] =	vst.idx.add.f32.msk $0xffff, v10  }
0x40: {  	v61 =	vmul.f32 v19, v18;
	[tilespmem:v6+s15+$0x0] =	vst.idx.add.f32.msk $0xffff, v9  }
0x41: {  	v62 =	vmul.f32 v21, v16;
	[tilespmem:v8+s15+$0x0] =	vst.idx.add.f32.msk $0xffff, v60  }
0x42: {  	[tilespmem:v1+s15+$0x0] =	vst.idx.add.f32.msk $0xffff, v61;
	v1 =	vmul.f32 v22, v13  }
0x43: {  	v3 =	vshrl.u32 v3, $0xE;
	[tilespmem:v2+s15+$0x0] =	vst.idx.add.f32.msk $0xffff, v62  }
0x44: {  	[tilespmem:v4+s15+$0x0] =	vst.idx.add.f32.msk $0xffff, v1;
	v1 =	vshrl.u32 v5, $0xE;
	_ =	sdelay $0x1  }
0x45: {  	v63 =	vmul.f32 v11, v12  }
0x46: {  	v2 =	vmul.f32 v23, v59  }
0x47: {  	s21 =	simm.s32 $0x200;
	[tilespmem:v3+s15+$0x0] =	vst.idx.add.f32.msk $0xffff, v63  }
.LBB2_5:
0x48: {  	s22 =	sshra.s32 s21, $0x2;
	p0 =	sne.s32 s21, $0x3E00;
	s21 =	sadd.s32 $0x200, s21;
	[tilespmem:v1+s15+$0x0] =	vst.idx.add.f32.msk $0xffff, v2  }
0x49: {  	v1 =	vld [tilespmem:s22+$0x4E50]  }
0x4a: {  	v2 =	vld [tilespmem:s22+$0x4E60]  }
0x4b: {  	v3 =	vld [tilespmem:s22+$0x4E80]  }
0x4c: {  	v4 =	vld [tilespmem:s22+$0x4E70]  }
0x4d: {  	v5 =	vld [tilespmem:s22+$0x4E90]  }
0x4e: {  	v6 =	vld [tilespmem:s22+$0x4E30]  }
0x4f: {  	v7 =	vld [tilespmem:s22+$0x4E20]  }
0x50: {  	v8 =	vld [tilespmem:s22+$0x4E40]  }
0x51: {  	v9 =	vld [tilespmem:s22+$0x6E30];
	v10 =	vand.u32 $0x3FFF, v4  }
0x52: {  	v12 =	vand.u32 $0x3FFF, v3;
	v11 =	vld [tilespmem:s22+$0x6E20]  }
0x53: {  	v14 =	vand.u32 $0x3FFF, v2;
	v13 =	vld [tilespmem:s22+$0x6E80]  }
0x54: {  	v18 =	vand.u32 $0x3FFF, v1;
	v17 =	vand.u32 $0x3FFF, v6;
	v15 =	vld [tilespmem:s22+$0x6E70];
	v16 =	vand.u32 $0x3FFF, v7  }
0x55: {  	v19 =	vld [tilespmem:s22+$0x6E60];
	v20 =	vand.u32 $0x3FFF, v8  }
0x56: {  	v21 =	vld [tilespmem:s22+$0x6E50]  }
0x57: {  	v22 =	vld [tilespmem:s22+$0x6E40]  }
0x58: {  	v12 =	vld.idx.msk [tilespmem:v12+s2+$0x0], $0xffff  }
0x59: {  	v16 =	vld.idx.msk [tilespmem:v16+s2+$0x0], $0xffff  }
0x5a: {  	v23 =	vand.u32 $0x3FFF, v5;
	v17 =	vld.idx.msk [tilespmem:v17+s2+$0x0], $0xffff  }
0x5b: {  	v20 =	vld.idx.msk [tilespmem:v20+s2+$0x0], $0xffff  }
0x5c: {  	v6 =	vshrl.u32 v6, $0xE;
	v7 =	vshrl.u32 v7, $0xE;
	v18 =	vld.idx.msk [tilespmem:v18+s2+$0x0], $0xffff  }
0x5d: {  	v8 =	vshrl.u32 v8, $0xE;
	v14 =	vld.idx.msk [tilespmem:v14+s2+$0x0], $0xffff  }
0x5e: {  	v24 =	vshrl.u32 v1, $0xE;
	v12 =	vmul.f32 v12, v13;
	v10 =	vld.idx.msk [tilespmem:v10+s2+$0x0], $0xffff  }
0x5f: {  	v1 =	vmul.f32 v16, v11;
	v13 =	vld.idx.msk [tilespmem:v23+s2+$0x0], $0xffff  }
0x60: {  	v2 =	vshrl.u32 v2, $0xE;
	v9 =	vmul.f32 v17, v9;
	v11 =	vld [tilespmem:s22+$0x6E90]  }
0x61: {  	v4 =	vshrl.u32 v4, $0xE;
	[tilespmem:v7+s15+$0x0] =	vst.idx.add.f32.msk $0xffff, v1;
	v7 =	vmul.f32 v20, v22  }
0x62: {  	v3 =	vshrl.u32 v3, $0xE;
	[tilespmem:v6+s15+$0x0] =	vst.idx.add.f32.msk $0xffff, v9;
	v6 =	vmul.f32 v18, v21  }
.Ltmp1:
0x63: {  	v1 =	vshrl.u32 v5, $0xE;
	v5 =	vmul.f32 v14, v19;
	[tilespmem:v8+s15+$0x0] =	vst.idx.add.f32.msk $0xffff, v7;
	(pc) =	sbr.rel @p0 .LBB2_5-.Ltmp1, $4  }
0x64: {  	[tilespmem:v24+s15+$0x0] =	vst.idx.add.f32.msk $0xffff, v6;
	v6 =	vmul.f32 v10, v15  }
0x65: {  	[tilespmem:v2+s15+$0x0] =	vst.idx.add.f32.msk $0xffff, v5;
	v2 =	vmul.f32 v13, v11  }
0x66: {  	[tilespmem:v4+s15+$0x0] =	vst.idx.add.f32.msk $0xffff, v6  }
0x67: {  	[tilespmem:v3+s15+$0x0] =	vst.idx.add.f32.msk $0xffff, v12  }
0x68: {  	s21 =	sshll.u32 s20, $0x1  }
0x69: {  	s21 =	smin.u32 s21, $0x4D  }
0x6a: {  	s21 =	sshll.u32 s21, $0x9  }
0x6b: {  	s21 =	sadd.s32 $0x400, s21  }
0x6c: {  	[tilespmem:v1+s15+$0x0] =	vst.idx.add.f32.msk $0xffff, v2;
	s22 =	sadd.s32 s3, s21  }
0x6d: {  	[tilespmem:s9], [sflag:$0x1] =	stream.linear.gather [hbm4b:s22+s23], $0x1000, $0x38;
	[tilespmem:$0x8E20] =	vst v63  }
0x6e: {  	s21 =	sadd.s32 s4, s21  }
0x6f: {  	[tilespmem:s10], [sflag:$0x3] =	stream.linear.gather [hbm4b:s21+s23], $0x1000, $0x38;
	[tilespmem:$0x8E20] =	vst v63  }
0x70: {  	_ =	swait.ge [sflag:s16], $0x1000  }
0x71: {  	[sflag:s16] =	ssyncset.done $0x0  }
0x72: {  	[sflag:s16] =	ssyncadd.s32 $0xFFFFF000  }
0x73: {  	_ =	swait.ge [sflag:s17], $0x1000  }
0x74: {  	[sflag:s17] =	ssyncset.done $0x0  }
0x75: {  	s31 =	simm.s32 $0x0;
	[sflag:s17] =	ssyncadd.s32 $0xFFFFF000  }
0x76: {  	v1 =	vld [tilespmem:s31+$0x5E50]  }
0x77: {  	v2 =	vld [tilespmem:s31+$0x5E60]  }
0x78: {  	v3 =	vld [tilespmem:s31+$0x5E80]  }
0x79: {  	v4 =	vld [tilespmem:s31+$0x5E70]  }
0x7a: {  	v5 =	vld [tilespmem:s31+$0x5E90]  }
0x7b: {  	v6 =	vld [tilespmem:s31+$0x5E30]  }
0x7c: {  	v7 =	vld [tilespmem:s31+$0x5E20]  }
0x7d: {  	v8 =	vld [tilespmem:s31+$0x5E40]  }
0x7e: {  	v9 =	vld [tilespmem:s31+$0x7E30]  }
0x7f: {  	v10 =	vld [tilespmem:s31+$0x7E20]  }
0x80: {  	v12 =	vld [tilespmem:s31+$0x7E80]  }
0x81: {  	v13 =	vld [tilespmem:s31+$0x7E70];
	v11 =	vand.u32 $0x3FFF, v3  }
0x82: {  	v16 =	vld [tilespmem:s31+$0x7E60];
	v14 =	vand.u32 $0x3FFF, v7  }
0x83: {  	v18 =	vld [tilespmem:s31+$0x7E50];
	v15 =	vand.u32 $0x3FFF, v6  }
0x84: {  	v20 =	vld [tilespmem:s31+$0x7E40];
	v17 =	vand.u32 $0x3FFF, v8  }
0x85: {  	v59 =	vld [tilespmem:s31+$0x7E90];
	v19 =	vand.u32 $0x3FFF, v1  }
0x86: {  	v21 =	vand.u32 $0x3FFF, v2;
	v11 =	vld.idx.msk [tilespmem:v11+s2+$0x0], $0xffff  }
0x87: {  	v22 =	vand.u32 $0x3FFF, v4;
	v14 =	vld.idx.msk [tilespmem:v14+s2+$0x0], $0xffff  }
0x88: {  	v23 =	vand.u32 $0x3FFF, v5;
	v15 =	vld.idx.msk [tilespmem:v15+s2+$0x0], $0xffff  }
0x89: {  	v7 =	vshrl.u32 v7, $0xE;
	v17 =	vld.idx.msk [tilespmem:v17+s2+$0x0], $0xffff  }
0x8a: {  	v6 =	vshrl.u32 v6, $0xE;
	v19 =	vld.idx.msk [tilespmem:v19+s2+$0x0], $0xffff  }
0x8b: {  	v8 =	vshrl.u32 v8, $0xE;
	v21 =	vld.idx.msk [tilespmem:v21+s2+$0x0], $0xffff  }
0x8c: {  	v1 =	vshrl.u32 v1, $0xE;
	v22 =	vld.idx.msk [tilespmem:v22+s2+$0x0], $0xffff;
	v10 =	vmul.f32 v14, v10  }
0x8d: {  	v2 =	vshrl.u32 v2, $0xE;
	v23 =	vld.idx.msk [tilespmem:v23+s2+$0x0], $0xffff;
	v9 =	vmul.f32 v15, v9  }
0x8e: {  	v4 =	vshrl.u32 v4, $0xE;
	v60 =	vmul.f32 v17, v20;
	[tilespmem:v7+s15+$0x0] =	vst.idx.add.f32.msk $0xffff, v10  }
0x8f: {  	v61 =	vmul.f32 v19, v18;
	[tilespmem:v6+s15+$0x0] =	vst.idx.add.f32.msk $0xffff, v9  }
0x90: {  	v62 =	vmul.f32 v21, v16;
	[tilespmem:v8+s15+$0x0] =	vst.idx.add.f32.msk $0xffff, v60  }
0x91: {  	[tilespmem:v1+s15+$0x0] =	vst.idx.add.f32.msk $0xffff, v61;
	v1 =	vmul.f32 v22, v13  }
0x92: {  	v3 =	vshrl.u32 v3, $0xE;
	[tilespmem:v2+s15+$0x0] =	vst.idx.add.f32.msk $0xffff, v62  }
0x93: {  	[tilespmem:v4+s15+$0x0] =	vst.idx.add.f32.msk $0xffff, v1;
	v1 =	vshrl.u32 v5, $0xE;
	_ =	sdelay $0x1  }
0x94: {  	v63 =	vmul.f32 v11, v12  }
0x95: {  	v2 =	vmul.f32 v23, v59  }
0x96: {  	s21 =	simm.s32 $0x200;
	[tilespmem:v3+s15+$0x0] =	vst.idx.add.f32.msk $0xffff, v63  }
.LBB2_7:
0x97: {  	s22 =	sshra.s32 s21, $0x2;
	p0 =	sne.s32 s21, $0x3E00;
	s21 =	sadd.s32 $0x200, s21;
	[tilespmem:v1+s15+$0x0] =	vst.idx.add.f32.msk $0xffff, v2  }
0x98: {  	v1 =	vld [tilespmem:s22+$0x5E50]  }
0x99: {  	v2 =	vld [tilespmem:s22+$0x5E60]  }
0x9a: {  	v3 =	vld [tilespmem:s22+$0x5E80]  }
0x9b: {  	v4 =	vld [tilespmem:s22+$0x5E70]  }
0x9c: {  	v5 =	vld [tilespmem:s22+$0x5E90]  }
0x9d: {  	v6 =	vld [tilespmem:s22+$0x5E30]  }
0x9e: {  	v7 =	vld [tilespmem:s22+$0x5E20]  }
0x9f: {  	v8 =	vld [tilespmem:s22+$0x5E40]  }
0xa0: {  	v9 =	vld [tilespmem:s22+$0x7E30];
	v10 =	vand.u32 $0x3FFF, v4  }
0xa1: {  	v12 =	vand.u32 $0x3FFF, v3;
	v11 =	vld [tilespmem:s22+$0x7E20]  }
0xa2: {  	v14 =	vand.u32 $0x3FFF, v2;
	v13 =	vld [tilespmem:s22+$0x7E80]  }
0xa3: {  	v18 =	vand.u32 $0x3FFF, v1;
	v17 =	vand.u32 $0x3FFF, v6;
	v15 =	vld [tilespmem:s22+$0x7E70];
	v16 =	vand.u32 $0x3FFF, v7  }
0xa4: {  	v19 =	vld [tilespmem:s22+$0x7E60];
	v20 =	vand.u32 $0x3FFF, v8  }
0xa5: {  	v21 =	vld [tilespmem:s22+$0x7E50]  }
0xa6: {  	v22 =	vld [tilespmem:s22+$0x7E40]  }
0xa7: {  	v12 =	vld.idx.msk [tilespmem:v12+s2+$0x0], $0xffff  }
0xa8: {  	v16 =	vld.idx.msk [tilespmem:v16+s2+$0x0], $0xffff  }
0xa9: {  	v23 =	vand.u32 $0x3FFF, v5;
	v17 =	vld.idx.msk [tilespmem:v17+s2+$0x0], $0xffff  }
0xaa: {  	v20 =	vld.idx.msk [tilespmem:v20+s2+$0x0], $0xffff  }
0xab: {  	v6 =	vshrl.u32 v6, $0xE;
	v7 =	vshrl.u32 v7, $0xE;
	v18 =	vld.idx.msk [tilespmem:v18+s2+$0x0], $0xffff  }
0xac: {  	v8 =	vshrl.u32 v8, $0xE;
	v14 =	vld.idx.msk [tilespmem:v14+s2+$0x0], $0xffff  }
0xad: {  	v24 =	vshrl.u32 v1, $0xE;
	v12 =	vmul.f32 v12, v13;
	v10 =	vld.idx.msk [tilespmem:v10+s2+$0x0], $0xffff  }
0xae: {  	v1 =	vmul.f32 v16, v11;
	v13 =	vld.idx.msk [tilespmem:v23+s2+$0x0], $0xffff  }
0xaf: {  	v2 =	vshrl.u32 v2, $0xE;
	v9 =	vmul.f32 v17, v9;
	v11 =	vld [tilespmem:s22+$0x7E90]  }
0xb0: {  	v4 =	vshrl.u32 v4, $0xE;
	[tilespmem:v7+s15+$0x0] =	vst.idx.add.f32.msk $0xffff, v1;
	v7 =	vmul.f32 v20, v22  }
0xb1: {  	v3 =	vshrl.u32 v3, $0xE;
	[tilespmem:v6+s15+$0x0] =	vst.idx.add.f32.msk $0xffff, v9;
	v6 =	vmul.f32 v18, v21  }
.Ltmp2:
0xb2: {  	v1 =	vshrl.u32 v5, $0xE;
	v5 =	vmul.f32 v14, v19;
	[tilespmem:v8+s15+$0x0] =	vst.idx.add.f32.msk $0xffff, v7;
	(pc) =	sbr.rel @p0 .LBB2_7-.Ltmp2, $4  }
0xb3: {  	[tilespmem:v24+s15+$0x0] =	vst.idx.add.f32.msk $0xffff, v6;
	v6 =	vmul.f32 v10, v15  }
0xb4: {  	[tilespmem:v2+s15+$0x0] =	vst.idx.add.f32.msk $0xffff, v5;
	v2 =	vmul.f32 v13, v11  }
0xb5: {  	[tilespmem:v4+s15+$0x0] =	vst.idx.add.f32.msk $0xffff, v6  }
0xb6: {  	[tilespmem:v3+s15+$0x0] =	vst.idx.add.f32.msk $0xffff, v12  }
0xb7: {  	s20 =	sadd.s32 $0x1, s20  }
0xb8: {  	p0 =	sne.s32 s20, $0x28  }
.Ltmp3:
0xb9: {  	_ = 	snop;
	(pc) =	sbr.rel @p0 .LBB2_4-.Ltmp3, $2  }
0xba: {  	_ =	sdelay $0x2  }
0xbb: {  	[tilespmem:v1+s15+$0x0] =	vst.idx.add.f32.msk $0xffff, v2  }
0xbc: {  	_ =	swait.ge [sflag:s13], $0x1000  }
0xbd: {  	[sflag:s13] =	ssyncset.done $0x0  }
0xbe: {  	[sflag:s13] =	ssyncadd.s32 $0xFFFFF000  }
0xbf: {  	s18 =	sadd.s32 $0x1, s18;
	_ =	swait.ge [sflag:s14], $0x1000  }
0xc0: {  	p0 =	sne.s32 s18, s7;
	[sflag:s14] =	ssyncset.done $0x0  }
.Ltmp4:
0xc1: {  	[sflag:s14] =	ssyncadd.s32 $0xFFFFF000;
	(pc) =	sbr.rel @p0 .LBB2_1-.Ltmp4, $4  }
0xc2: {  	[hbm4b:s6+s2] =	stream.linear.scatter [tilespmem:s15], [sflag:$0x5], $0x2710, $0x38;
	[tilespmem:$0x8E20] =	vst v63  }
0xc3: {  	_ =	swait.ge [sflag:s8], $0x2710  }
0xc4: {  	[sflag:s8] =	ssyncset.done $0x0  }
0xc5: {  	[sflag:s8] =	ssyncadd.s32 $0xFFFFD8F0  }
0xc6: {  	_ =	sfence.sel $0x180000  }
0xc7: {  	[bflag:$0x0] =	sbarrier.arrive $0xFFFF  }
0xc8: {  	p0 =	sne.s32 s1, $0x0;
	_ =	strace $0x9000004A  }
0xc9: {  	s0 =	sadd.s32 @!p0 $0x100000, s0;
	[bflag:$0x2] =	sbarrier.arrive $0xFFFF  }
0xca: {  	[sflag:s0] =	ssyncadd.tile.s32 @!p0 $0x1;
	_ =	shalt  }
.Lfunc_end2:
_tile_overlayer_lowered:
.L_overlay_start_2:
0xcb: {  	(tag) =	ssettag $0x2  }
0xcc: {  	s0 =	rddreg [dreg:$0x0];
	s2 =	stileid.u32  }
0xcd: {  	s1 =	rddreg [dreg:$0x1];
	p0 =	sne.s32 s2, $0x0  }
0xce: {  	s3 =	rddreg [dreg:$0x2];
	[bflag:$0x3] =	sbarrier.arrive $0xFFFF;
	s2 =	simm.s32 @!p0 $0x1C05  }
0xcf: {  	[timem:s3], [sflag:s2] =	dma.local @!p0 [hbm:s0], s1  }
0xd0: {  	s0 =	simm.s32 @!p0 $0x5  }
0xd1: {  	_ =	swait.ge @!p0 [sflag:s0], s1  }
0xd2: {  	s1 =	ssub.s32 @!p0 $0x0, s1;
	[sflag:s0] =	ssyncset.done @!p0 $0x0  }
0xd3: {  	[sflag:s0] =	ssyncadd.s32 @!p0 s1  }
0xd4: {  	[bflag:$0x3] =	sbarrier.arrive $0xFFFF  }
0xd5: {  	_ =	shalt  }

// kernel: kernel.17.cloned.1.call-start
scs
__scs_entry_jumppad:
0x0: {  	(pc) =	sbr.rel $0x88, $3  }
0x1: {  	(tag) =	ssettag $0x0;
	lr =	simm.s32 $0x1  }
0x2: {  	[smem:$0x3F99] =	sst lr;
	_ =	strace $0xD0000000  }
0x3: {  	_ = 	snop  }
0x4: {  	_ = 	snop  }
0x5: {  	_ = 	snop  }
0x6: {  	_ = 	snop  }
0x7: {  	_ = 	snop  }
__scs_overlays_trampoline_lowered:
0x8: {  	[smem:$0x3FA8] =	sst s0  }
0x9: {  	[smem:$0x3FA9] =	sst s1  }
0xa: {  	[smem:$0x3FAA] =	sst s2  }
0xb: {  	[smem:$0x3FAB] =	sst s3  }
0xc: {  	[smem:$0x3FAC] =	sst s4  }
0xd: {  	[smem:$0x3FAD] =	sst s5  }
0xe: {  	[smem:$0x3FAE] =	sst s6  }
0xf: {  	[smem:$0x3FAF] =	sst s7  }
0x10: {  	[smem:$0x3FB0] =	sst s8  }
0x11: {  	[smem:$0x3FB1] =	sst s9;
	s0 =	simm.s32 @!p0 $0x0  }
0x12: {  	s1 =	sld [smem:$0x3F97];
	s0 =	simm.s32 @p0 $0x1  }
0x13: {  	[smem:$0x3FB2] =	sst s0;
	s0 =	simm.s32 @!p1 $0x0  }
0x14: {  	s2 =	sld [smem:$0x3F96];
	s0 =	simm.s32 @p1 $0x1  }
0x15: {  	[smem:$0x3FB3] =	sst s0;
	s0 =	simm.s32 @!p2 $0x0  }
0x16: {  	s3 =	sld [smem:$0x3FDB];
	s0 =	simm.s32 @p2 $0x1  }
0x17: {  	s4 =	simm.s32 $0x1BF5;
	[smem:$0x3FB5] =	sst s0  }
0x18: {  	s0 =	sld [smem:$0x3F98];
	_ =	swait.ge [sflag:s4], $0x0  }
0x19: {  	s7 =	sld [smem:$0x3F99]  }
0x1a: {  	s8 =	sadd.s32 $0xFFFFE003, lr  }
0x1b: {  	s9 =	sadd.s32 $0xFFFFFEF7, lr;
	s5 =	simm.s32 $0xFFFFFFFF;
	p2 =	slt.u32 s8, $0xFFFFF086  }
0x1c: {  	p1 =	slt.u32 s9, $0xF7A;
	s5 =	simm.s32 @!p2 $0x0  }
0x1d: {  	s5 =	simm.s32 @p1 $0x1;
	p0 =	seq.s32 s7, s2  }
0x1e: {  	s7 =	smul.u32 @!p0 $0xF7A, s2;
	p2 =	seq.s32 @!p0 s5, $0x0  }
0x1f: {  	s9 =	smul.u32 $0xF7A, s1;
	s8 =	simm.s32 @!p0 $0x1BF5;
	p2 =	por !p2, p0  }
0x20: {  	[sflag:s8] =	ssyncset.s32 @!p0 $0xFFFFF086;
	s6 =	sadd.s32 @!p0 s3, s7;
	s7 =	simm.s32 @!p0 $0x108  }
0x21: {  	s3 =	sadd.s32 s3, s9;
	s6 =	sadd.s32 @!p0 $0x88, s6;
	s7 =	simm.s32 @p2 $0x1082  }
0x22: {  	[simem:s7], [sflag:s8] =	dma.local @!p0 [hbm:s6], $0xF7A  }
0x23: {  	s9 =	sor.u32 $0xD0000000, s2;
	s6 =	simm.s32 $0x108;
	_ =	swait.ge @!p0 [sflag:s8], $0x0  }
0x24: {  	s3 =	sadd.s32 $0x88, s3;
	s6 =	simm.s32 @!p1 $0x1082;
	[sflag:s4] =	ssyncset.s32 $0xFFFFF086  }
0x25: {  	[simem:s6], [sflag:s4] =	dma.local [hbm:s3], $0xF7A  }
0x26: {  	[smem:$0x3F99] =	sst s1;
	(tag) =	ssettag s2;
	_ =	strace s9  }
0x27: {  	s1 =	sld [smem:$0x3FA9]  }
0x28: {  	s2 =	sld [smem:$0x3FAA]  }
0x29: {  	s4 =	sld [smem:$0x3FAC]  }
0x2a: {  	p0 =	seq.s32 s5, $0x0;
	s5 =	sld [smem:$0x3FAD]  }
0x2b: {  	s6 =	sld [smem:$0x3FAE]  }
0x2c: {  	s7 =	sld [smem:$0x3FAF]  }
0x2d: {  	s3 =	simm.s32 $0x108;
	s8 =	sld [smem:$0x3FB0]  }
0x2e: {  	s3 =	simm.s32 @!p0 $0x1082;
	s9 =	sld [smem:$0x3FB1]  }
0x2f: {  	lr =	sadd.s32 s0, s3;
	s0 =	sld [smem:$0x3FA8]  }
0x30: {  	s3 =	sld [smem:$0x3FAB]  }
0x31: {  	[smem:$0x3FB4] =	sst s10  }
0x32: {  	s10 =	sld [smem:$0x3FB2];
	_ =	sdelay $0x3  }
0x33: {  	p0 =	seq.s32 s10, $0x1;
	s10 =	sld [smem:$0x3FB4];
	_ =	sdelay $0x3  }
0x34: {  	[smem:$0x3FB4] =	sst s10  }
0x35: {  	s10 =	sld [smem:$0x3FB3];
	_ =	sdelay $0x3  }
0x36: {  	p1 =	seq.s32 s10, $0x1;
	s10 =	sld [smem:$0x3FB4];
	_ =	sdelay $0x3  }
0x37: {  	[smem:$0x3FB4] =	sst s10  }
0x38: {  	s10 =	sld [smem:$0x3FB5]  }
0x39: {  	_ = 	snop;
	(pc) =	sbr.ind lr, $3  }
0x3a: {  	_ = 	snop  }
0x3b: {  	_ = 	snop  }
0x3c: {  	p2 =	seq.s32 s10, $0x1;
	s10 =	sld [smem:$0x3FB4]  }
0x3d: {  	_ =	shalt  }
0x3e: {  	_ =	shalt  }
0x3f: {  	_ =	shalt  }
0x40: {  	_ =	shalt  }
0x41: {  	_ =	shalt  }
0x42: {  	_ =	shalt  }
0x43: {  	_ =	shalt  }
0x44: {  	_ =	shalt  }
0x45: {  	_ =	shalt  }
0x46: {  	_ =	shalt  }
0x47: {  	_ =	shalt  }
0x48: {  	_ =	shalt  }
0x49: {  	_ =	shalt  }
0x4a: {  	_ =	shalt  }
0x4b: {  	_ =	shalt  }
0x4c: {  	_ =	shalt  }
0x4d: {  	_ =	shalt  }
0x4e: {  	_ =	shalt  }
0x4f: {  	_ =	shalt  }
0x50: {  	_ =	shalt  }
0x51: {  	_ =	shalt  }
0x52: {  	_ =	shalt  }
0x53: {  	_ =	shalt  }
0x54: {  	_ =	shalt  }
0x55: {  	_ =	shalt  }
0x56: {  	_ =	shalt  }
0x57: {  	_ =	shalt  }
0x58: {  	_ =	shalt  }
0x59: {  	_ =	shalt  }
0x5a: {  	_ =	shalt  }
0x5b: {  	_ =	shalt  }
0x5c: {  	_ =	shalt  }
0x5d: {  	_ =	shalt  }
0x5e: {  	_ =	shalt  }
0x5f: {  	_ =	shalt  }
0x60: {  	_ =	shalt  }
0x61: {  	_ =	shalt  }
0x62: {  	_ =	shalt  }
0x63: {  	_ =	shalt  }
0x64: {  	_ =	shalt  }
0x65: {  	_ =	shalt  }
0x66: {  	_ =	shalt  }
0x67: {  	_ =	shalt  }
0x68: {  	_ =	shalt  }
0x69: {  	_ =	shalt  }
0x6a: {  	_ =	shalt  }
0x6b: {  	_ =	shalt  }
0x6c: {  	_ =	shalt  }
0x6d: {  	_ =	shalt  }
0x6e: {  	_ =	shalt  }
0x6f: {  	_ =	shalt  }
0x70: {  	_ =	shalt  }
0x71: {  	_ =	shalt  }
0x72: {  	_ =	shalt  }
0x73: {  	_ =	shalt  }
0x74: {  	_ =	shalt  }
0x75: {  	_ =	shalt  }
0x76: {  	_ =	shalt  }
0x77: {  	_ =	shalt  }
0x78: {  	_ =	shalt  }
0x79: {  	_ =	shalt  }
0x7a: {  	_ =	shalt  }
0x7b: {  	_ =	shalt  }
0x7c: {  	_ =	shalt  }
0x7d: {  	_ =	shalt  }
0x7e: {  	_ =	shalt  }
0x7f: {  	_ =	shalt  }
0x80: {  	_ =	shalt  }
0x81: {  	_ =	shalt  }
0x82: {  	_ =	shalt  }
0x83: {  	_ =	shalt  }
0x84: {  	_ =	shalt  }
0x85: {  	_ =	shalt  }
0x86: {  	_ =	shalt  }
0x87: {  	_ =	shalt  }
.Lfunc_end0:
.L_simem_size_0:
called_computation.2_lowered:
.L_overlay_start_0:
0x88: {  	s2 =	sld [smem:$0x3FD9]  }
0x89: {  	s3 =	sld [smem:$0x3FFE];
	_ =	sdelay $0x1  }
0x8a: {  	s1 =	srdreg.scid  }
0x8b: {  	s0 =	sand.u32 $0x1, s1  }
0x8c: {  	s14 =	sshll.u32 s0, $0xA;
	s2 =	sadd.s32 s3, s2  }
0x8d: {  	s2 =	sadd.s32 s2, s14  }
0x8e: {  	[smem:$0x3FC0] =	sst s2  }
0x8f: {  	_ = 	snop  }
0x90: {  	s2 =	sld [smem:$0x3FD0];
	_ =	sdelay $0x2  }
0x91: {  	s15 =	simm.s32 $0xA;
	s4 =	simm.s32 $0x10  }
0x92: {  	[smem:s4], [sflag:s15] =	dma.local [hbm:s2], $0x1  }
0x93: {  	_ =	swait.eq [sflag:s15], $0x1  }
0x94: {  	[sflag:s15] =	ssyncset.done $0x0  }
0x95: {  	[sflag:s15] =	ssyncadd.s32 $0xFFFFFFFF  }
0x96: {  	s16 =	sld [smem:$0x10];
	(tm) =	ssettm $0x1  }
0x97: {  	s17 =	sld [smem:$0x3FFB];
	_ =	sdelay $0x3  }
0x98: {  	_ =	strace s17  }
0x99: {  	s3 =	sld [smem:$0x3FFC];
	_ =	sdelay $0x3  }
0x9a: {  	_ =	strace s3  }
0x9b: {  	s3 =	sld [smem:$0x3FFD];
	_ =	sdelay $0x3  }
0x9c: {  	_ =	strace s3  }
0x9d: {  	_ =	strace $0x8FFFFFFF  }
0x9e: {  	s18 =	sld [smem:$0x3FDB];
	_ =	sdelay $0x1  }
0x9f: {  	s19 =	simm.s32 $_scs_section_size  }
0xa0: {  	s5 =	simm.s32 $_size__tile_overlayer_lowered;
	s6 =	simm.s32 $_tile_overlayer_lowered  }
0xa1: {  	s22 =	simm.s32 $0x1BFF;
	s21 =	sshll.u32 s6, $0x1;
	s3 =	sadd.s32 s19, s18  }
0xa2: {  	s7 =	simm.s32 $0x0;
	s20 =	sshll.u32 s5, $0x1;
	s5 =	sadd.s32 s21, s3  }
0xa3: {  	[timem:s7], [sflag:s22] =	dma.local [hbm:s5], s20  }
0xa4: {  	_ =	swait.ge [sflag:s22], s20  }
0xa5: {  	s4 =	ssub.s32 $0x0, s20;
	[sflag:s22] =	ssyncset.done $0x0  }
0xa6: {  	[sflag:s22] =	ssyncadd.s32 s4;
	_ =	sdelay $0x1  }
0xa7: {  	s23 =	simm.s32 $0x1B8B  }
0xa8: {  	_ =	swait.ge [sflag:s23], $0x1  }
0xa9: {  	[sflag:s23] =	ssyncset.done $0x0  }
0xaa: {  	s25 =	simm.s32 $0x1B8E;
	s24 =	sld [smem:$0x3FFE];
	[sflag:s23] =	ssyncadd.s32 $0xFFFFFFFF  }
0xab: {  	s26 =	simm.s32 $execute0_lowered;
	[smem:$0x3FD2] =	sst s25  }
0xac: {  	s5 =	sshll.u32 s26, $0x1;
	_ =	strace $0x8000004C;
	[dreg:$0x1] =	wrdreg $0xFFFFFFFF  }
0xad: {  	s28 =	simm.s32 $_size_execute0_lowered;
	s3 =	sadd.s32 s3, s5;
	[dreg:$0x0] =	wrdreg $0x0  }
0xae: {  	s5 =	sshll.u32 s28, $0x1;
	[dreg:$0x2] =	wrdreg s3  }
0xaf: {  	[dreg:$0x3] =	wrdreg s5  }
0xb0: {  	[dreg:$0x4] =	wrdreg $0xC0  }
0xb1: {  	_ =	task [dreg:s7], $0x5FFFF  }
0xb2: {  	[dreg:$0x1] =	wrdreg $0xFFFFFFFF  }
0xb3: {  	[dreg:$0x0] =	wrdreg $0x60  }
0xb4: {  	[dreg:$0x2] =	wrdreg s24  }
0xb5: {  	[dreg:$0x3] =	wrdreg s16  }
0xb6: {  	[dreg:$0x4] =	wrdreg $0x9  }
0xb7: {  	_ =	task.clear_ibuf [dreg:s7], $0x5FFFF;
	_ =	strace $0x9000004C  }
0xb8: {  	s29 =	simm.s32 $0x9;
	_ =	strace $0x8000004E  }
0xb9: {  	_ =	swait.ge [sflag:s29], $0x1  }
0xba: {  	[sflag:s29] =	ssyncadd.s32 $0xFFFFFFFF  }
0xbb: {  	_ =	strace $0x9000004E  }
0xbc: {  	_ =	sfence  }
0xbd: {  	s30 =	sld [smem:$0x0];
	_ =	sdelay $0x2  }
0xbe: {  	s31 =	sshll.u32 s1, $0xD;
	s1 =	sshrl.u32 s1, $0x2  }
0xbf: {  	s3 =	sand.u32 $0x4000, s31;
	s1 =	sadd.s32 s1, s30  }
0xc0: {  	s0 =	sor.u32 s3, s0;
	s1 =	sshll.u32 s1, $0x11  }
0xc1: {  	s0 =	sor.u32 s1, s0  }
0xc2: {  	s0 =	sadd.s32 $0x8F2B, s0  }
0xc3: {  	[sflag:s0] =	ssyncadd.remote.s32 $0x1  }
0xc4: {  	_ =	sfence.sel $0xFFFF  }
0xc5: {  	[dreg:$0x0] =	wrdreg $0xFFFFFFFF;
	(pc) =	sbr.abs _section_cstart, $3  }
0xc6: {  	[dreg:$0x1] =	wrdreg $0xFFFFFFFF  }
0xc7: {  	_ =	task.clear_ibuf [dreg:s7], $0x2FFFF;
	_ =	strace $0x9FFFFFFF  }
0xc8: {  	(tm) =	ssettm $0x7FFFFFFF  }
0xc9: {  	_ =	shalt  }
tec
execute0_lowered:
.L_overlay_start_1:
0x0: {  	(tag) =	ssettag $0x1  }
0x1: {  	s0 =	stileid.u32;
	s4 =	rddreg [dreg:$0x0]  }
0x2: {  	s1 =	srdreg.scid;
	s10 =	rddreg [dreg:$0x1]  }
0x3: {  	s13 =	simm.s32 $0x4E20;
	s14 =	simm.s32 $0x6E20;
	s15 =	simm.s32 $0x5E20  }
0x4: {  	s16 =	simm.s32 $0x7E20;
	s17 =	simm.s32 $0x1;
	s18 =	simm.s32 $0x3  }
0x5: {  	s19 =	simm.s32 $0x2710;
	s20 =	simm.s32 $0x2;
	s21 =	simm.s32 $0x4  }
0x6: {  	s22 =	simm.s32 $0x0;
	s2 =	sshll.u32 s0, $0x1;
	s5 =	sand.u32 $0x1, s1  }
0x7: {  	s1 =	rddreg [dreg:$0x2];
	s8 =	sshrl.u32 s0, $0x3;
	s3 =	sand.u32 $0xE, s2  }
0x8: {  	s2 =	simm.s32 $0x0;
	s9 =	smul.u32 $0x28, s8;
	s11 =	sshll.u32 s8, $0x4  }
0x9: {  	s8 =	smul.u32 $0x5000, s8;
	s6 =	sor.u32 s5, s3;
	s5 =	ssub.s32 $0x2, s5  }
0xa: {  	[smem:$0x7FF] =	sst s2;
	s3 =	smul.u32 $0x4E2, s6;
	s12 =	sshrl.u32 s5, $0x1  }
0xb: {  	_ =	strace $0x8000004D;
	s6 =	sor.u32 s11, s6;
	s30 =	ssub.s32 s5, s12  }
0xc: {  	s31 =	smul.u32 $0x4E2, s6;
	s12 =	simm.s32 $0x5;
	s7 =	sadd.s32 s3, s4  }
0xd: {  	s3 =	sadd.s32 $0x15600, s4;
	s4 =	sadd.s32 $0x1600, s4;
	s11 =	smax.u32 s30, $0x1  }
0xe: {  	s5 =	sadd.s32 $0xB600, s7;
	s6 =	sadd.s32 s3, s8;
	s7 =	sadd.s32 s4, s8  }
0xf: {  	v0 =	vimm.f32 $0.0e+00;
	s8 =	sor.u32 $0x1, s9;
	s9 =	sor.u32 $0x2, s9;
	s10 =	sadd.s32 s10, s31  }
.LBB2_1:
0x10: {  	[tilespmem:s2], [sflag:$0x5] =	stream.linear.gather [hbm4b:s5+s2], $0x2710, $0x38;
	[tilespmem:$0x8E20] =	vst v63  }
0x11: {  	_ =	swait.ge [sflag:s12], $0x2710  }
0x12: {  	[sflag:s12] =	ssyncset.done $0x0  }
0x13: {  	s23 =	simm.s32 $0x40;
	s24 =	simm.s32 $0x0;
	[sflag:s12] =	ssyncadd.s32 $0xFFFFD8F0  }
.LBB2_2:
0x14: {  	p0 =	sne.s32 s23, $0x9C00;
	[tilespmem:s24+$0x2710] =	vst v0;
	s24 =	smov.u32 s23;
	s23 =	sadd.s32 $0x40, s23  }
.Ltmp0:
0x15: {  	(pc) =	sbr.rel @p0 .LBB2_2-.Ltmp0, $2  }
0x16: {  	_ =	sdelay $0x2  }
0x17: {  	s24 =	sshra.s32 s24, $0x2  }
0x18: {  	[tilespmem:s24+$0x2710] =	vst v0;
	s23 =	simm.s32 $0x0  }
0x19: {  	[tilespmem:s13], [sflag:$0x1] =	stream.linear.gather [hbm4b:s6+s23], $0x1000, $0x38;
	[tilespmem:$0x8E20] =	vst v63  }
0x1a: {  	s24 =	simm.s32 $0x0  }
0x1b: {  	[tilespmem:s14], [sflag:$0x3] =	stream.linear.gather [hbm4b:s7+s23], $0x1000, $0x38;
	[tilespmem:$0x8E20] =	vst v63  }
.LBB2_4:
0x1c: {  	s25 =	sshll.u32 s24, $0x1  }
0x1d: {  	s26 =	sadd.s32 s25, s8  }
0x1e: {  	s26 =	sshll.u32 s26, $0x9  }
0x1f: {  	s28 =	sadd.s32 s3, s26  }
0x20: {  	[tilespmem:s15], [sflag:$0x2] =	stream.linear.gather [hbm4b:s28+s23], $0x1000, $0x38;
	[tilespmem:$0x8E20] =	vst v63  }
0x21: {  	s26 =	sadd.s32 s4, s26  }
0x22: {  	[tilespmem:s16], [sflag:$0x4] =	stream.linear.gather [hbm4b:s26+s23], $0x1000, $0x38;
	[tilespmem:$0x8E20] =	vst v63  }
0x23: {  	_ =	swait.ge [sflag:s17], $0x1000  }
0x24: {  	[sflag:s17] =	ssyncset.done $0x0  }
0x25: {  	[sflag:s17] =	ssyncadd.s32 $0xFFFFF000  }
0x26: {  	_ =	swait.ge [sflag:s18], $0x1000  }
0x27: {  	[sflag:s18] =	ssyncset.done $0x0  }
0x28: {  	s31 =	simm.s32 $0x0;
	[sflag:s18] =	ssyncadd.s32 $0xFFFFF000  }
0x29: {  	v1 =	vld [tilespmem:s31+$0x4E50]  }
0x2a: {  	v2 =	vld [tilespmem:s31+$0x4E60]  }
0x2b: {  	v3 =	vld [tilespmem:s31+$0x4E80]  }
0x2c: {  	v4 =	vld [tilespmem:s31+$0x4E70]  }
0x2d: {  	v5 =	vld [tilespmem:s31+$0x4E90]  }
0x2e: {  	v6 =	vld [tilespmem:s31+$0x4E30]  }
0x2f: {  	v7 =	vld [tilespmem:s31+$0x4E20]  }
0x30: {  	v8 =	vld [tilespmem:s31+$0x4E40]  }
0x31: {  	v9 =	vld [tilespmem:s31+$0x6E30]  }
0x32: {  	v10 =	vld [tilespmem:s31+$0x6E20]  }
0x33: {  	v12 =	vld [tilespmem:s31+$0x6E80]  }
0x34: {  	v13 =	vld [tilespmem:s31+$0x6E70];
	v11 =	vand.u32 $0x3FFF, v3  }
0x35: {  	v16 =	vld [tilespmem:s31+$0x6E60];
	v14 =	vand.u32 $0x3FFF, v7  }
0x36: {  	v18 =	vld [tilespmem:s31+$0x6E50];
	v15 =	vand.u32 $0x3FFF, v6  }
0x37: {  	v20 =	vld [tilespmem:s31+$0x6E40];
	v17 =	vand.u32 $0x3FFF, v8  }
0x38: {  	v59 =	vld [tilespmem:s31+$0x6E90];
	v19 =	vand.u32 $0x3FFF, v1  }
0x39: {  	v21 =	vand.u32 $0x3FFF, v2;
	v11 =	vld.idx.msk [tilespmem:v11+s2+$0x0], $0xffff  }
0x3a: {  	v22 =	vand.u32 $0x3FFF, v4;
	v14 =	vld.idx.msk [tilespmem:v14+s2+$0x0], $0xffff  }
0x3b: {  	v23 =	vand.u32 $0x3FFF, v5;
	v15 =	vld.idx.msk [tilespmem:v15+s2+$0x0], $0xffff  }
0x3c: {  	v7 =	vshrl.u32 v7, $0xE;
	v17 =	vld.idx.msk [tilespmem:v17+s2+$0x0], $0xffff  }
0x3d: {  	v6 =	vshrl.u32 v6, $0xE;
	v19 =	vld.idx.msk [tilespmem:v19+s2+$0x0], $0xffff  }
0x3e: {  	v8 =	vshrl.u32 v8, $0xE;
	v21 =	vld.idx.msk [tilespmem:v21+s2+$0x0], $0xffff  }
0x3f: {  	v1 =	vshrl.u32 v1, $0xE;
	v22 =	vld.idx.msk [tilespmem:v22+s2+$0x0], $0xffff;
	v10 =	vmul.f32 v14, v10  }
0x40: {  	v2 =	vshrl.u32 v2, $0xE;
	v23 =	vld.idx.msk [tilespmem:v23+s2+$0x0], $0xffff;
	v9 =	vmul.f32 v15, v9  }
0x41: {  	v4 =	vshrl.u32 v4, $0xE;
	v60 =	vmul.f32 v17, v20;
	[tilespmem:v7+s19+$0x0] =	vst.idx.add.f32.msk $0xffff, v10  }
0x42: {  	v61 =	vmul.f32 v19, v18;
	[tilespmem:v6+s19+$0x0] =	vst.idx.add.f32.msk $0xffff, v9  }
0x43: {  	v62 =	vmul.f32 v21, v16;
	[tilespmem:v8+s19+$0x0] =	vst.idx.add.f32.msk $0xffff, v60  }
0x44: {  	[tilespmem:v1+s19+$0x0] =	vst.idx.add.f32.msk $0xffff, v61;
	v1 =	vmul.f32 v22, v13  }
0x45: {  	v3 =	vshrl.u32 v3, $0xE;
	[tilespmem:v2+s19+$0x0] =	vst.idx.add.f32.msk $0xffff, v62  }
0x46: {  	[tilespmem:v4+s19+$0x0] =	vst.idx.add.f32.msk $0xffff, v1;
	v1 =	vshrl.u32 v5, $0xE;
	_ =	sdelay $0x1  }
0x47: {  	v63 =	vmul.f32 v11, v12  }
0x48: {  	v2 =	vmul.f32 v23, v59  }
0x49: {  	s26 =	simm.s32 $0x200;
	[tilespmem:v3+s19+$0x0] =	vst.idx.add.f32.msk $0xffff, v63  }
.LBB2_5:
0x4a: {  	s28 =	sshra.s32 s26, $0x2;
	p0 =	sne.s32 s26, $0x3E00;
	s26 =	sadd.s32 $0x200, s26;
	[tilespmem:v1+s19+$0x0] =	vst.idx.add.f32.msk $0xffff, v2  }
0x4b: {  	v1 =	vld [tilespmem:s28+$0x4E50]  }
0x4c: {  	v2 =	vld [tilespmem:s28+$0x4E60]  }
0x4d: {  	v3 =	vld [tilespmem:s28+$0x4E80]  }
0x4e: {  	v4 =	vld [tilespmem:s28+$0x4E70]  }
0x4f: {  	v5 =	vld [tilespmem:s28+$0x4E90]  }
0x50: {  	v6 =	vld [tilespmem:s28+$0x4E30]  }
0x51: {  	v7 =	vld [tilespmem:s28+$0x4E20]  }
0x52: {  	v8 =	vld [tilespmem:s28+$0x4E40]  }
0x53: {  	v9 =	vld [tilespmem:s28+$0x6E30];
	v10 =	vand.u32 $0x3FFF, v4  }
0x54: {  	v12 =	vand.u32 $0x3FFF, v3;
	v11 =	vld [tilespmem:s28+$0x6E20]  }
0x55: {  	v14 =	vand.u32 $0x3FFF, v2;
	v13 =	vld [tilespmem:s28+$0x6E80]  }
0x56: {  	v18 =	vand.u32 $0x3FFF, v1;
	v17 =	vand.u32 $0x3FFF, v6;
	v15 =	vld [tilespmem:s28+$0x6E70];
	v16 =	vand.u32 $0x3FFF, v7  }
0x57: {  	v19 =	vld [tilespmem:s28+$0x6E60];
	v20 =	vand.u32 $0x3FFF, v8  }
0x58: {  	v21 =	vld [tilespmem:s28+$0x6E50]  }
0x59: {  	v22 =	vld [tilespmem:s28+$0x6E40]  }
0x5a: {  	v12 =	vld.idx.msk [tilespmem:v12+s2+$0x0], $0xffff  }
0x5b: {  	v16 =	vld.idx.msk [tilespmem:v16+s2+$0x0], $0xffff  }
0x5c: {  	v23 =	vand.u32 $0x3FFF, v5;
	v17 =	vld.idx.msk [tilespmem:v17+s2+$0x0], $0xffff  }
0x5d: {  	v20 =	vld.idx.msk [tilespmem:v20+s2+$0x0], $0xffff  }
0x5e: {  	v6 =	vshrl.u32 v6, $0xE;
	v7 =	vshrl.u32 v7, $0xE;
	v18 =	vld.idx.msk [tilespmem:v18+s2+$0x0], $0xffff  }
0x5f: {  	v8 =	vshrl.u32 v8, $0xE;
	v14 =	vld.idx.msk [tilespmem:v14+s2+$0x0], $0xffff  }
0x60: {  	v24 =	vshrl.u32 v1, $0xE;
	v12 =	vmul.f32 v12, v13;
	v10 =	vld.idx.msk [tilespmem:v10+s2+$0x0], $0xffff  }
0x61: {  	v1 =	vmul.f32 v16, v11;
	v13 =	vld.idx.msk [tilespmem:v23+s2+$0x0], $0xffff  }
0x62: {  	v2 =	vshrl.u32 v2, $0xE;
	v9 =	vmul.f32 v17, v9;
	v11 =	vld [tilespmem:s28+$0x6E90]  }
0x63: {  	v4 =	vshrl.u32 v4, $0xE;
	[tilespmem:v7+s19+$0x0] =	vst.idx.add.f32.msk $0xffff, v1;
	v7 =	vmul.f32 v20, v22  }
0x64: {  	v3 =	vshrl.u32 v3, $0xE;
	[tilespmem:v6+s19+$0x0] =	vst.idx.add.f32.msk $0xffff, v9;
	v6 =	vmul.f32 v18, v21  }
.Ltmp1:
0x65: {  	v1 =	vshrl.u32 v5, $0xE;
	v5 =	vmul.f32 v14, v19;
	[tilespmem:v8+s19+$0x0] =	vst.idx.add.f32.msk $0xffff, v7;
	(pc) =	sbr.rel @p0 .LBB2_5-.Ltmp1, $4  }
0x66: {  	[tilespmem:v24+s19+$0x0] =	vst.idx.add.f32.msk $0xffff, v6;
	v6 =	vmul.f32 v10, v15  }
0x67: {  	[tilespmem:v2+s19+$0x0] =	vst.idx.add.f32.msk $0xffff, v5;
	v2 =	vmul.f32 v13, v11  }
0x68: {  	[tilespmem:v4+s19+$0x0] =	vst.idx.add.f32.msk $0xffff, v6  }
0x69: {  	[tilespmem:v3+s19+$0x0] =	vst.idx.add.f32.msk $0xffff, v12  }
0x6a: {  	_ = 	snop  }
0x6b: {  	s25 =	smin.u32 s25, $0x25  }
0x6c: {  	s25 =	sadd.s32 s25, s9  }
0x6d: {  	s25 =	sshll.u32 s25, $0x9  }
0x6e: {  	[tilespmem:v1+s19+$0x0] =	vst.idx.add.f32.msk $0xffff, v2;
	s28 =	simm.s32 $0x0;
	s26 =	sadd.s32 s3, s25  }
0x6f: {  	[tilespmem:s13], [sflag:$0x1] =	stream.linear.gather [hbm4b:s26+s28], $0x1000, $0x38;
	[tilespmem:$0x8E20] =	vst v63  }
0x70: {  	s25 =	sadd.s32 s4, s25  }
0x71: {  	[tilespmem:s14], [sflag:$0x3] =	stream.linear.gather [hbm4b:s25+s28], $0x1000, $0x38;
	[tilespmem:$0x8E20] =	vst v63  }
0x72: {  	_ =	swait.ge [sflag:s20], $0x1000  }
0x73: {  	[sflag:s20] =	ssyncset.done $0x0  }
0x74: {  	[sflag:s20] =	ssyncadd.s32 $0xFFFFF000  }
0x75: {  	_ =	swait.ge [sflag:s21], $0x1000  }
0x76: {  	[sflag:s21] =	ssyncset.done $0x0  }
0x77: {  	s31 =	simm.s32 $0x0;
	[sflag:s21] =	ssyncadd.s32 $0xFFFFF000  }
0x78: {  	v1 =	vld [tilespmem:s31+$0x5E50]  }
0x79: {  	v2 =	vld [tilespmem:s31+$0x5E60]  }
0x7a: {  	v3 =	vld [tilespmem:s31+$0x5E80]  }
0x7b: {  	v4 =	vld [tilespmem:s31+$0x5E70]  }
0x7c: {  	v5 =	vld [tilespmem:s31+$0x5E90]  }
0x7d: {  	v6 =	vld [tilespmem:s31+$0x5E30]  }
0x7e: {  	v7 =	vld [tilespmem:s31+$0x5E20]  }
0x7f: {  	v8 =	vld [tilespmem:s31+$0x5E40]  }
0x80: {  	v9 =	vld [tilespmem:s31+$0x7E30]  }
0x81: {  	v10 =	vld [tilespmem:s31+$0x7E20]  }
0x82: {  	v12 =	vld [tilespmem:s31+$0x7E80]  }
0x83: {  	v13 =	vld [tilespmem:s31+$0x7E70];
	v11 =	vand.u32 $0x3FFF, v3  }
0x84: {  	v16 =	vld [tilespmem:s31+$0x7E60];
	v14 =	vand.u32 $0x3FFF, v7  }
0x85: {  	v18 =	vld [tilespmem:s31+$0x7E50];
	v15 =	vand.u32 $0x3FFF, v6  }
0x86: {  	v20 =	vld [tilespmem:s31+$0x7E40];
	v17 =	vand.u32 $0x3FFF, v8  }
0x87: {  	v59 =	vld [tilespmem:s31+$0x7E90];
	v19 =	vand.u32 $0x3FFF, v1  }
0x88: {  	v21 =	vand.u32 $0x3FFF, v2;
	v11 =	vld.idx.msk [tilespmem:v11+s2+$0x0], $0xffff  }
0x89: {  	v22 =	vand.u32 $0x3FFF, v4;
	v14 =	vld.idx.msk [tilespmem:v14+s2+$0x0], $0xffff  }
0x8a: {  	v23 =	vand.u32 $0x3FFF, v5;
	v15 =	vld.idx.msk [tilespmem:v15+s2+$0x0], $0xffff  }
0x8b: {  	v7 =	vshrl.u32 v7, $0xE;
	v17 =	vld.idx.msk [tilespmem:v17+s2+$0x0], $0xffff  }
0x8c: {  	v6 =	vshrl.u32 v6, $0xE;
	v19 =	vld.idx.msk [tilespmem:v19+s2+$0x0], $0xffff  }
0x8d: {  	v8 =	vshrl.u32 v8, $0xE;
	v21 =	vld.idx.msk [tilespmem:v21+s2+$0x0], $0xffff  }
0x8e: {  	v1 =	vshrl.u32 v1, $0xE;
	v22 =	vld.idx.msk [tilespmem:v22+s2+$0x0], $0xffff;
	v10 =	vmul.f32 v14, v10  }
0x8f: {  	v2 =	vshrl.u32 v2, $0xE;
	v23 =	vld.idx.msk [tilespmem:v23+s2+$0x0], $0xffff;
	v9 =	vmul.f32 v15, v9  }
0x90: {  	v4 =	vshrl.u32 v4, $0xE;
	v60 =	vmul.f32 v17, v20;
	[tilespmem:v7+s19+$0x0] =	vst.idx.add.f32.msk $0xffff, v10  }
0x91: {  	v61 =	vmul.f32 v19, v18;
	[tilespmem:v6+s19+$0x0] =	vst.idx.add.f32.msk $0xffff, v9  }
0x92: {  	v62 =	vmul.f32 v21, v16;
	[tilespmem:v8+s19+$0x0] =	vst.idx.add.f32.msk $0xffff, v60  }
0x93: {  	[tilespmem:v1+s19+$0x0] =	vst.idx.add.f32.msk $0xffff, v61;
	v1 =	vmul.f32 v22, v13  }
0x94: {  	v3 =	vshrl.u32 v3, $0xE;
	[tilespmem:v2+s19+$0x0] =	vst.idx.add.f32.msk $0xffff, v62  }
0x95: {  	[tilespmem:v4+s19+$0x0] =	vst.idx.add.f32.msk $0xffff, v1;
	v1 =	vshrl.u32 v5, $0xE;
	_ =	sdelay $0x1  }
0x96: {  	v63 =	vmul.f32 v11, v12  }
0x97: {  	v2 =	vmul.f32 v23, v59  }
0x98: {  	s25 =	simm.s32 $0x200;
	[tilespmem:v3+s19+$0x0] =	vst.idx.add.f32.msk $0xffff, v63  }
.LBB2_7:
0x99: {  	s26 =	sshra.s32 s25, $0x2;
	p0 =	sne.s32 s25, $0x3E00;
	s25 =	sadd.s32 $0x200, s25;
	[tilespmem:v1+s19+$0x0] =	vst.idx.add.f32.msk $0xffff, v2  }
0x9a: {  	v1 =	vld [tilespmem:s26+$0x5E50]  }
0x9b: {  	v2 =	vld [tilespmem:s26+$0x5E60]  }
0x9c: {  	v3 =	vld [tilespmem:s26+$0x5E80]  }
0x9d: {  	v4 =	vld [tilespmem:s26+$0x5E70]  }
0x9e: {  	v5 =	vld [tilespmem:s26+$0x5E90]  }
0x9f: {  	v6 =	vld [tilespmem:s26+$0x5E30]  }
0xa0: {  	v7 =	vld [tilespmem:s26+$0x5E20]  }
0xa1: {  	v8 =	vld [tilespmem:s26+$0x5E40]  }
0xa2: {  	v9 =	vld [tilespmem:s26+$0x7E30];
	v10 =	vand.u32 $0x3FFF, v4  }
0xa3: {  	v12 =	vand.u32 $0x3FFF, v3;
	v11 =	vld [tilespmem:s26+$0x7E20]  }
0xa4: {  	v14 =	vand.u32 $0x3FFF, v2;
	v13 =	vld [tilespmem:s26+$0x7E80]  }
0xa5: {  	v18 =	vand.u32 $0x3FFF, v1;
	v17 =	vand.u32 $0x3FFF, v6;
	v15 =	vld [tilespmem:s26+$0x7E70];
	v16 =	vand.u32 $0x3FFF, v7  }
0xa6: {  	v19 =	vld [tilespmem:s26+$0x7E60];
	v20 =	vand.u32 $0x3FFF, v8  }
0xa7: {  	v21 =	vld [tilespmem:s26+$0x7E50]  }
0xa8: {  	v22 =	vld [tilespmem:s26+$0x7E40]  }
0xa9: {  	v12 =	vld.idx.msk [tilespmem:v12+s2+$0x0], $0xffff  }
0xaa: {  	v16 =	vld.idx.msk [tilespmem:v16+s2+$0x0], $0xffff  }
0xab: {  	v23 =	vand.u32 $0x3FFF, v5;
	v17 =	vld.idx.msk [tilespmem:v17+s2+$0x0], $0xffff  }
0xac: {  	v20 =	vld.idx.msk [tilespmem:v20+s2+$0x0], $0xffff  }
0xad: {  	v6 =	vshrl.u32 v6, $0xE;
	v7 =	vshrl.u32 v7, $0xE;
	v18 =	vld.idx.msk [tilespmem:v18+s2+$0x0], $0xffff  }
0xae: {  	v8 =	vshrl.u32 v8, $0xE;
	v14 =	vld.idx.msk [tilespmem:v14+s2+$0x0], $0xffff  }
0xaf: {  	v24 =	vshrl.u32 v1, $0xE;
	v12 =	vmul.f32 v12, v13;
	v10 =	vld.idx.msk [tilespmem:v10+s2+$0x0], $0xffff  }
0xb0: {  	v1 =	vmul.f32 v16, v11;
	v13 =	vld.idx.msk [tilespmem:v23+s2+$0x0], $0xffff  }
0xb1: {  	v2 =	vshrl.u32 v2, $0xE;
	v9 =	vmul.f32 v17, v9;
	v11 =	vld [tilespmem:s26+$0x7E90]  }
0xb2: {  	v4 =	vshrl.u32 v4, $0xE;
	[tilespmem:v7+s19+$0x0] =	vst.idx.add.f32.msk $0xffff, v1;
	v7 =	vmul.f32 v20, v22  }
0xb3: {  	v3 =	vshrl.u32 v3, $0xE;
	[tilespmem:v6+s19+$0x0] =	vst.idx.add.f32.msk $0xffff, v9;
	v6 =	vmul.f32 v18, v21  }
.Ltmp2:
0xb4: {  	v1 =	vshrl.u32 v5, $0xE;
	v5 =	vmul.f32 v14, v19;
	[tilespmem:v8+s19+$0x0] =	vst.idx.add.f32.msk $0xffff, v7;
	(pc) =	sbr.rel @p0 .LBB2_7-.Ltmp2, $4  }
0xb5: {  	[tilespmem:v24+s19+$0x0] =	vst.idx.add.f32.msk $0xffff, v6;
	v6 =	vmul.f32 v10, v15  }
0xb6: {  	[tilespmem:v2+s19+$0x0] =	vst.idx.add.f32.msk $0xffff, v5;
	v2 =	vmul.f32 v13, v11  }
0xb7: {  	[tilespmem:v4+s19+$0x0] =	vst.idx.add.f32.msk $0xffff, v6  }
0xb8: {  	[tilespmem:v3+s19+$0x0] =	vst.idx.add.f32.msk $0xffff, v12  }
0xb9: {  	s24 =	sadd.s32 $0x1, s24  }
0xba: {  	p0 =	sne.s32 s24, $0x14  }
.Ltmp3:
0xbb: {  	_ = 	snop;
	(pc) =	sbr.rel @p0 .LBB2_4-.Ltmp3, $2  }
0xbc: {  	_ =	sdelay $0x2  }
0xbd: {  	[tilespmem:v1+s19+$0x0] =	vst.idx.add.f32.msk $0xffff, v2  }
0xbe: {  	_ =	swait.ge [sflag:s17], $0x1000  }
0xbf: {  	[sflag:s17] =	ssyncset.done $0x0  }
0xc0: {  	[sflag:s17] =	ssyncadd.s32 $0xFFFFF000  }
0xc1: {  	s22 =	sadd.s32 $0x1, s22;
	_ =	swait.ge [sflag:s18], $0x1000  }
0xc2: {  	p0 =	sne.s32 s22, s11;
	[sflag:s18] =	ssyncset.done $0x0  }
.Ltmp4:
0xc3: {  	[sflag:s18] =	ssyncadd.s32 $0xFFFFF000;
	(pc) =	sbr.rel @p0 .LBB2_1-.Ltmp4, $4  }
0xc4: {  	[hbm4b:s10+s2] =	stream.linear.scatter [tilespmem:s19], [sflag:$0x5], $0x2710, $0x38;
	[tilespmem:$0x8E20] =	vst v63  }
0xc5: {  	_ =	swait.ge [sflag:s12], $0x2710  }
0xc6: {  	[sflag:s12] =	ssyncset.done $0x0  }
0xc7: {  	[sflag:s12] =	ssyncadd.s32 $0xFFFFD8F0  }
0xc8: {  	_ =	sfence.sel $0x180000  }
0xc9: {  	[bflag:$0x0] =	sbarrier.arrive $0xFFFF  }
0xca: {  	p0 =	sne.s32 s0, $0x0;
	_ =	strace $0x9000004D  }
0xcb: {  	s0 =	sadd.s32 @!p0 $0x100000, s1;
	[bflag:$0x2] =	sbarrier.arrive $0xFFFF  }
0xcc: {  	[sflag:s0] =	ssyncadd.tile.s32 @!p0 $0x1;
	_ =	shalt  }
.Lfunc_end2:
_tile_overlayer_lowered:
.L_overlay_start_2:
0xcd: {  	(tag) =	ssettag $0x2  }
0xce: {  	s0 =	rddreg [dreg:$0x0];
	s2 =	stileid.u32  }
0xcf: {  	s1 =	rddreg [dreg:$0x1];
	p0 =	sne.s32 s2, $0x0  }
0xd0: {  	s3 =	rddreg [dreg:$0x2];
	[bflag:$0x3] =	sbarrier.arrive $0xFFFF;
	s2 =	simm.s32 @!p0 $0x1C05  }
0xd1: {  	[timem:s3], [sflag:s2] =	dma.local @!p0 [hbm:s0], s1  }
0xd2: {  	s0 =	simm.s32 @!p0 $0x5  }
0xd3: {  	_ =	swait.ge @!p0 [sflag:s0], s1  }
0xd4: {  	s1 =	ssub.s32 @!p0 $0x0, s1;
	[sflag:s0] =	ssyncset.done @!p0 $0x0  }
0xd5: {  	[sflag:s0] =	ssyncadd.s32 @!p0 s1  }
0xd6: {  	[bflag:$0x3] =	sbarrier.arrive $0xFFFF  }
0xd7: {  	_ =	shalt  }

</sc_bundles>
